<compile_context>
chip_gen: v7x
topology: tpu7x:2x2x1
jax: 0.10.2.dev20260603
libtpu: 0.0.44.dev20260713+nightly
codegen_flags: <defaults>
</compile_context>

<pallas_src>
import jax
import jax.numpy as jnp
from jax import lax
from jax.experimental import pallas as pl
from jax.experimental.pallas import tpu as pltpu
from jax.experimental.pallas import tpu_sc as plsc

B = 16
N = 20000
C = 85
K = 1000
HN = N // 2
CONF_BITS = 0x3E800000
NBKT = 4096
SBUF = 1536
HBUF = 1024
SCH = 80
NSCH = HN // SCH
ROWCH = 128
LANES = 16
GRP = 8
NGRP = 512 // GRP


def _body(x_hbm, out_hbm, scores_v, sbuf, sbuf2, hist, histp, sba, sia, sbb,
          sib, stg_b, stg_i, meta_v, tmp17, spans, rows_v,
          shr_hist, shr_bits, shr_idx, shr_meta, sem_g0, sem_g1):
    cid = lax.axis_index("c")
    sid = lax.axis_index("s")
    b = cid * 8 + sid // 2
    h = sid - (sid // 2) * 2
    is_a = h == 0
    hbase = h * HN

    ones = jnp.ones((LANES,), jnp.int32)
    zeros_i = jnp.zeros((LANES,), jnp.int32)
    zeros_f = jnp.zeros((LANES,), jnp.float32)
    iota = lax.iota(jnp.int32, LANES)

    def clr_hist(k, _):
        hist[pl.ds(k * LANES, LANES)] = zeros_i
        return 0

    lax.fori_loop(0, NBKT // LANES, clr_hist, 0, unroll=False)

    def clr_surv(k, _):
        o = k * LANES
        sba[pl.ds(o, LANES)] = zeros_i
        sia[pl.ds(o, LANES)] = zeros_i
        sbb[pl.ds(o, LANES)] = zeros_i
        sib[pl.ds(o, LANES)] = zeros_i
        return 0

    lax.fori_loop(0, SBUF // LANES, clr_surv, 0, unroll=False)
    tmp17[pl.ds(0, LANES)] = jnp.full((LANES,), -1, jnp.int32)

    def p1_issue(ch, buf, sem):
        pltpu.async_copy(
            x_hbm.at[b, pl.ds(hbase + ch * SCH, SCH), :], buf, sem)

    def p1_consume(ch, buf, sem):
        pltpu.make_async_copy(
            x_hbm.at[b, pl.ds(0, SCH), :], buf, sem).wait()

        def p1_grp(j, _):
            ridx = j * LANES + iota
            cidx = jnp.full((LANES,), 4, jnp.int32)
            v = plsc.load_gather(
                buf.at[pl.ds(0, SCH), pl.ds(0, C)], [ridx, cidx])
            scores_v[pl.ds(ch * SCH + j * LANES, LANES)] = v
            bits = plsc.bitcast(v, jnp.int32)
            d = jnp.right_shift(bits, 18)
            plsc.addupdate_scatter(hist.at[pl.ds(0, NBKT)], [d], ones)
            return 0

        lax.fori_loop(0, SCH // LANES, p1_grp, 0, unroll=False)

    p1_issue(0, sbuf, sem_g0)

    def p1_chunk(ch, _):
        par = ch - (ch // 2) * 2

        @pl.when((par == 0) & (ch + 1 < NSCH))
        def _():
            p1_issue(ch + 1, sbuf2, sem_g1)

        @pl.when((par == 1) & (ch + 1 < NSCH))
        def _():
            p1_issue(ch + 1, sbuf, sem_g0)

        @pl.when(par == 0)
        def _():
            p1_consume(ch, sbuf, sem_g0)

        @pl.when(par == 1)
        def _():
            p1_consume(ch, sbuf2, sem_g1)

        return 0

    lax.fori_loop(0, NSCH, p1_chunk, 0, unroll=False)

    pltpu.sync_copy(hist, shr_hist.at[sid])
    plsc.subcore_barrier()
    pltpu.sync_copy(shr_hist.at[sid + 1 - 2 * h], histp)

    def addh(k, _):
        o = k * LANES
        hist[pl.ds(o, LANES)] = hist[pl.ds(o, LANES)] + histp[pl.ds(o, LANES)]
        return 0

    lax.fori_loop(0, NBKT // LANES, addh, 0, unroll=False)

    def p2_chunk(k, carry):
        carry_cnt, v1vec = carry
        kk = NBKT // LANES - 1 - k
        h16 = hist[pl.ds(kk * LANES, LANES)]
        incl = plsc.cumsum(h16)
        tot = jnp.sum(h16)
        above = carry_cnt + tot - incl
        cond = (above < K) & (above + h16 >= K)
        i = plsc.all_reduce_ffs(cond)
        v1vec = jnp.where((v1vec < 0) & (i < LANES), kk * LANES + i, v1vec)
        return carry_cnt + tot, v1vec

    _, v1vec = lax.fori_loop(
        0, NBKT // LANES, p2_chunk,
        (jnp.int32(0), jnp.full((LANES,), -1, jnp.int32)), unroll=False)
    t_floor = jnp.left_shift(v1vec, 18)

    def p3_chunk(j, ptr):
        v = scores_v[pl.ds(j * LANES, LANES)]
        bits = plsc.bitcast(v, jnp.int32)
        keep = bits >= t_floor
        k32 = jnp.where(keep, 1, 0)
        rank = plsc.cumsum(k32) - k32
        pos = ptr + rank
        m = keep & (pos < HBUF)
        plsc.store_scatter(sba.at[pl.ds(0, SBUF)], [pos], bits, mask=m)
        plsc.store_scatter(sia.at[pl.ds(0, SBUF)], [pos],
                           hbase + j * LANES + iota, mask=m)
        return jnp.minimum(ptr + jnp.sum(k32), HBUF)

    s_own = lax.fori_loop(0, HN // LANES, p3_chunk, jnp.int32(0),
                          unroll=False)

    meta_v[pl.ds(0, LANES)] = jnp.full((LANES,), s_own, jnp.int32)
    pltpu.sync_copy(sba.at[pl.ds(0, HBUF)], shr_bits.at[sid])
    pltpu.sync_copy(sia.at[pl.ds(0, HBUF)], shr_idx.at[sid])
    pltpu.sync_copy(meta_v, shr_meta.at[sid])
    plsc.subcore_barrier()

    @pl.when(is_a)
    def _():
        pltpu.sync_copy(shr_bits.at[sid + 1], stg_b)
        pltpu.sync_copy(shr_idx.at[sid + 1], stg_i)
        pltpu.sync_copy(shr_meta.at[sid + 1], meta_v)
        s_b = meta_v[pl.ds(0, LANES)][0]

        def app(k, _):
            lane = k * LANES + iota
            pos = s_own + lane
            m = (lane < s_b) & (pos < SBUF)
            plsc.store_scatter(sba.at[pl.ds(0, SBUF)], [pos],
                               stg_b[pl.ds(k * LANES, LANES)], mask=m)
            plsc.store_scatter(sia.at[pl.ds(0, SBUF)], [pos],
                               stg_i[pl.ds(k * LANES, LANES)], mask=m)
            return 0

        lax.fori_loop(0, HBUF // LANES, app, 0, unroll=False)

        def radix_pass(srcb, srci, dstb, dsti, shift):
            def clr(k, _):
                hist[pl.ds(k * LANES, LANES)] = zeros_i
                return 0

            lax.fori_loop(0, 1024 // LANES, clr, 0, unroll=False)

            def hcount(ch, _):
                bits = srcb[pl.ds(ch * LANES, LANES)]
                kp = ((1 << 30) - 1) - bits
                d = jnp.right_shift(kp, shift) & 1023
                plsc.addupdate_scatter(hist.at[pl.ds(0, 1024)], [d], ones)
                return 0

            lax.fori_loop(0, SBUF // LANES, hcount, 0, unroll=False)

            def scan(k, carry):
                h16 = hist[pl.ds(k * LANES, LANES)]
                incl = plsc.cumsum(h16)
                hist[pl.ds(k * LANES, LANES)] = incl - h16 + carry
                return carry + jnp.sum(h16)

            lax.fori_loop(0, 1024 // LANES, scan, jnp.int32(0), unroll=False)

            def place(ch, _):
                o = ch * LANES
                bits = srcb[pl.ds(o, LANES)]
                kp = ((1 << 30) - 1) - bits
                d = jnp.right_shift(kp, shift) & 1023
                key = d * LANES + iota
                sk, sv = plsc.sort_key_val(key, iota)
                sd = jnp.right_shift(sk, 4)
                tmp17[pl.ds(1, LANES)] = sd
                prev = tmp17[pl.ds(0, LANES)]
                start = sd != prev
                seg = plsc.cummax(jnp.where(start, iota, 0))
                w = iota - seg
                cur = plsc.load_gather(hist.at[pl.ds(0, 1024)], [sd])
                pos = cur + w
                bv = plsc.load_gather(srcb.at[pl.ds(o, LANES)], [sv])
                iv = plsc.load_gather(srci.at[pl.ds(o, LANES)], [sv])
                plsc.store_scatter(dstb.at[pl.ds(0, SBUF)], [pos], bv)
                plsc.store_scatter(dsti.at[pl.ds(0, SBUF)], [pos], iv)
                plsc.store_scatter(hist.at[pl.ds(0, 1024)], [sd], pos + 1)
                return 0

            lax.fori_loop(0, SBUF // LANES, place, 0, unroll=False)

        radix_pass(sba, sia, sbb, sib, 0)
        radix_pass(sbb, sib, sba, sia, 10)
        radix_pass(sba, sia, sbb, sib, 20)

        def rcount(k, acc):
            bits = sbb[pl.ds(k * LANES, LANES)]
            gpos = k * LANES + iota
            return acc + jnp.where((bits > CONF_BITS) & (gpos < K), 1, 0)

        racc = lax.fori_loop(0, (K + LANES - 1) // LANES, rcount,
                             zeros_i, unroll=False)
        meta_v[pl.ds(0, LANES)] = racc * 0 + jnp.sum(racc)

        pltpu.sync_copy(sib.at[pl.ds(0, HBUF)], shr_idx.at[sid])
        pltpu.sync_copy(meta_v, shr_meta.at[sid])

    plsc.subcore_barrier()

    @pl.when(jnp.logical_not(is_a))
    def _():
        pltpu.sync_copy(shr_idx.at[sid - 1], sib.at[pl.ds(0, HBUF)])
        pltpu.sync_copy(shr_meta.at[sid - 1], meta_v)

    r = meta_v[pl.ds(0, LANES)][0]

    rank0 = h * 512

    def issueg(t, sem):
        def isb(u, _):
            k = rank0 + t * GRP + u
            ridx = sib[pl.ds(k, LANES)][0]
            blk = pl.multiple_of((ridx // 8) * 8, 8)
            slot = k - (k // 16) * 16
            pltpu.async_copy(
                x_hbm.at[b, pl.ds(blk, 8), :],
                spans.at[pl.ds(slot * 8, 8), :], sem)
            return 0

        lax.fori_loop(0, GRP, isb, 0, unroll=False)

    def draing(t, sem):
        def drb(u, _):
            k = rank0 + t * GRP + u
            slot = k - (k // 16) * 16
            pltpu.make_async_copy(
                x_hbm.at[b, pl.ds(0, 8), :],
                spans.at[pl.ds(slot * 8, 8), :], sem).wait()
            ridx = sib[pl.ds(k, LANES)][0]
            q = ridx - (ridx // 8) * 8
            src = spans.at[slot * 8 + q]
            dst = rows_v.at[k - (k // ROWCH) * ROWCH]

            def cp(j, _):
                dst[pl.ds(j * LANES, LANES)] = src[pl.ds(j * LANES, LANES)]
                return 0

            lax.fori_loop(0, 5, cp, 0, unroll=True)
            dst[pl.ds(C - LANES, LANES)] = src[pl.ds(C - LANES, LANES)]
            return 0

        lax.fori_loop(0, GRP, drb, 0, unroll=False)

    def zero_tail(g, rows_n):
        @pl.when(r < g * ROWCH + rows_n)
        def _():
            def zrow(m, _):
                @pl.when(g * ROWCH + m >= r)
                def _():
                    dst = rows_v.at[m]

                    def zp(j, _):
                        dst[pl.ds(j * LANES, LANES)] = zeros_f
                        return 0

                    lax.fori_loop(0, 5, zp, 0, unroll=True)
                    dst[pl.ds(C - LANES, LANES)] = zeros_f

                return 0

            lax.fori_loop(0, rows_n, zrow, 0, unroll=False)

    def write_chunk_dyn(g):
        zero_tail(g, ROWCH)
        off = pl.multiple_of(g * ROWCH, 8)
        pltpu.sync_copy(rows_v.at[pl.ds(0, ROWCH), :],
                        out_hbm.at[b, pl.ds(off, ROWCH), :])

    gr_per_chunk = ROWCH // GRP

    issueg(0, sem_g0)

    def pipe(t, _):
        par = t - (t // 2) * 2

        @pl.when((t < NGRP) & (par == 1))
        def _():
            issueg(t, sem_g1)

        @pl.when((t < NGRP) & (par == 0))
        def _():
            issueg(t, sem_g0)

        @pl.when(par == 1)
        def _():
            draing(t - 1, sem_g0)

        @pl.when(par == 0)
        def _():
            draing(t - 1, sem_g1)

        tmc = t - (t // gr_per_chunk) * gr_per_chunk

        @pl.when((tmc == 0) & (t < NGRP))
        def _():
            write_chunk_dyn(h * 4 + t // gr_per_chunk - 1)

        return 0

    lax.fori_loop(1, NGRP + 1, pipe, 0, unroll=False)

    @pl.when(is_a)
    def _():
        zero_tail(jnp.int32(3), ROWCH)
        pltpu.sync_copy(rows_v.at[pl.ds(0, ROWCH), :],
                        out_hbm.at[b, pl.ds(3 * ROWCH, ROWCH), :])

    last_rows = K - (K // ROWCH) * ROWCH

    @pl.when(jnp.logical_not(is_a))
    def _():
        zero_tail(jnp.int32(K // ROWCH), last_rows)
        pltpu.sync_copy(
            rows_v.at[pl.ds(0, last_rows), :],
            out_hbm.at[b, pl.ds((K // ROWCH) * ROWCH, last_rows), :])


def _make_kernel():
    return pl.kernel(
        _body,
        out_type=jax.ShapeDtypeStruct((B, K, C), jnp.float32),
        mesh=plsc.VectorSubcoreMesh(core_axis_name="c", subcore_axis_name="s"),
        compiler_params=pltpu.CompilerParams(needs_layout_passes=False),
        scratch_types=[
            pltpu.VMEM((HN,), jnp.float32),
            pltpu.VMEM((SCH, C), jnp.float32),
            pltpu.VMEM((SCH, C), jnp.float32),
            pltpu.VMEM((NBKT,), jnp.int32),
            pltpu.VMEM((NBKT,), jnp.int32),
            pltpu.VMEM((SBUF,), jnp.int32),
            pltpu.VMEM((SBUF,), jnp.int32),
            pltpu.VMEM((SBUF,), jnp.int32),
            pltpu.VMEM((SBUF,), jnp.int32),
            pltpu.VMEM((HBUF,), jnp.int32),
            pltpu.VMEM((HBUF,), jnp.int32),
            pltpu.VMEM((LANES,), jnp.int32),
            pltpu.VMEM((17,), jnp.int32),
            pltpu.VMEM((16 * 8, C), jnp.float32),
            pltpu.VMEM((ROWCH, C), jnp.float32),
            pltpu.VMEM_SHARED((16, NBKT), jnp.int32),
            pltpu.VMEM_SHARED((16, HBUF), jnp.int32),
            pltpu.VMEM_SHARED((16, HBUF), jnp.int32),
            pltpu.VMEM_SHARED((16, LANES), jnp.int32),
            pltpu.SemaphoreType.DMA,
            pltpu.SemaphoreType.DMA,
        ],
    )


def kernel(x):
    return _make_kernel()(x)

# --- scband reference (transcript-rebuilt; emitter-appended) ---
"""Pipeline reference for scband-filter-57904749084905 (READ-ONLY COPY).

The authoritative reference and input builder live on the scoring server;
editing this copy changes nothing except your own understanding.
"""

import jax, jax.numpy as jnp
import numpy as np

TOPK = 1000
CONF_THRES = 0.25


def setup_inputs(seed: int = 0) -> dict:
    key = jax.random.key(seed)
    x = jax.random.uniform(key, (16, 20000, 85), dtype=jnp.float32)
    return {"x": x}


def reference(x):
    # Faithful emulation of torch.ops.custom_ops.Filter(x, topK, conf_thres):
    # treat channel 4 as objectness/confidence score, select top-K candidates
    # per image by score, gather their full prediction rows, and zero out
    # any selected rows whose score does not exceed conf_thres.
    scores = x[..., 4]                                   # [B, N]
    top_scores, top_idx = jax.lax.top_k(scores, TOPK)    # [B, K], [B, K]
    dets = jnp.take_along_axis(x, top_idx[:, :, None], axis=1)  # [B, K, C]
    mask = (top_scores > CONF_THRES).astype(x.dtype)     # [B, K]
    dets = dets * mask[:, :, None]
    return dets

if __name__ == "__main__":
    import jax
    _d = setup_inputs()
    print(jax.jit(kernel)(*tuple(_d.values())))

</pallas_src>

<mosaic_0001>
#map = affine_map<(d0, d1) -> (0, 0, 0)>
module attributes {stable_mosaic.version = 14 : i64} {
  func.func @_body(%arg0: i32, %arg1: i32, %arg2: memref<16x20000x85xf32, #tpu.memory_space<hbm>>, %arg3: memref<16x1000x85xf32, #tpu.memory_space<hbm>>, %arg4: memref<10000xf32, #tpu.memory_space<vmem>>, %arg5: memref<80x85xf32, #tpu.memory_space<vmem>>, %arg6: memref<80x85xf32, #tpu.memory_space<vmem>>, %arg7: memref<4096xi32, #tpu.memory_space<vmem>>, %arg8: memref<4096xi32, #tpu.memory_space<vmem>>, %arg9: memref<1536xi32, #tpu.memory_space<vmem>>, %arg10: memref<1536xi32, #tpu.memory_space<vmem>>, %arg11: memref<1536xi32, #tpu.memory_space<vmem>>, %arg12: memref<1536xi32, #tpu.memory_space<vmem>>, %arg13: memref<1024xi32, #tpu.memory_space<vmem>>, %arg14: memref<1024xi32, #tpu.memory_space<vmem>>, %arg15: memref<16xi32, #tpu.memory_space<vmem>>, %arg16: memref<17xi32, #tpu.memory_space<vmem>>, %arg17: memref<128x85xf32, #tpu.memory_space<vmem>>, %arg18: memref<128x85xf32, #tpu.memory_space<vmem>>, %arg19: memref<16x4096xi32, #tpu.memory_space<vmem_shared>>, %arg20: memref<16x1024xi32, #tpu.memory_space<vmem_shared>>, %arg21: memref<16x1024xi32, #tpu.memory_space<vmem_shared>>, %arg22: memref<16x16xi32, #tpu.memory_space<vmem_shared>>, %arg23: memref<!tpu.dma_semaphore, #tpu.memory_space<semaphore_mem>>, %arg24: memref<!tpu.dma_semaphore, #tpu.memory_space<semaphore_mem>>) attributes {dimension_semantics = [#tpu.dimension_semantics<core_parallel>, #tpu.dimension_semantics<subcore_parallel>], iteration_bounds = array<i64: 2, 16>, scalar_prefetch = 0 : i64, scratch_operands = 21 : i64, tpu.core_type = #tpu.core_type<sc_vector_subcore>, window_params = [{transform_indices = #map}, {transform_indices = #map}]} {
    %mul3A = arith.constant 8 : i32
    %mul3A_0 = arith.muli %arg0, %mul3A : i32
    %jit3A = arith.constant 2 : i32
    %div3A = arith.divsi %arg1, %jit3A : i32
    %sign3A = arith.constant 0 : i32
    %sign3A_1 = arith.cmpi sgt, %arg1, %sign3A : i32
    %sign3A_2 = arith.extui %sign3A_1 : i1 to i32
    %sign3A_3 = arith.constant 0 : i32
    %sign3A_4 = arith.cmpi slt, %arg1, %sign3A_3 : i32
    %sign3A_5 = arith.extui %sign3A_4 : i1 to i32
    %sign3A_6 = arith.subi %sign3A_2, %sign3A_5 : i32
    %sign3A_7 = arith.constant 0 : i32
    %sign3A_8 = arith.cmpi sgt, %jit3A, %sign3A_7 : i32
    %sign3A_9 = arith.extui %sign3A_8 : i1 to i32
    %sign3A_10 = arith.constant 0 : i32
    %sign3A_11 = arith.cmpi slt, %jit3A, %sign3A_10 : i32
    %sign3A_12 = arith.extui %sign3A_11 : i1 to i32
    %sign3A_13 = arith.subi %sign3A_9, %sign3A_12 : i32
    %ne3A = arith.cmpi ne, %sign3A_6, %sign3A_13 : i32
    %rem3A = arith.remsi %arg1, %jit3A : i32
    %ne3A_14 = arith.constant 0 : i32
    %ne3A_15 = arith.cmpi ne, %rem3A, %ne3A_14 : i32
    %and3A = arith.andi %ne3A, %ne3A_15 : i1
    %sub3A = arith.constant 1 : i32
    %sub3A_16 = arith.subi %div3A, %sub3A : i32
    %select_n3A = arith.select %and3A, %sub3A_16, %div3A : i32
    %add3A = arith.addi %mul3A_0, %select_n3A : i32
    %jit3A_17 = arith.constant 2 : i32
    %div3A_18 = arith.divsi %arg1, %jit3A_17 : i32
    %sign3A_19 = arith.constant 0 : i32
    %sign3A_20 = arith.cmpi sgt, %arg1, %sign3A_19 : i32
    %sign3A_21 = arith.extui %sign3A_20 : i1 to i32
    %sign3A_22 = arith.constant 0 : i32
    %sign3A_23 = arith.cmpi slt, %arg1, %sign3A_22 : i32
    %sign3A_24 = arith.extui %sign3A_23 : i1 to i32
    %sign3A_25 = arith.subi %sign3A_21, %sign3A_24 : i32
    %sign3A_26 = arith.constant 0 : i32
    %sign3A_27 = arith.cmpi sgt, %jit3A_17, %sign3A_26 : i32
    %sign3A_28 = arith.extui %sign3A_27 : i1 to i32
    %sign3A_29 = arith.constant 0 : i32
    %sign3A_30 = arith.cmpi slt, %jit3A_17, %sign3A_29 : i32
    %sign3A_31 = arith.extui %sign3A_30 : i1 to i32
    %sign3A_32 = arith.subi %sign3A_28, %sign3A_31 : i32
    %ne3A_33 = arith.cmpi ne, %sign3A_25, %sign3A_32 : i32
    %rem3A_34 = arith.remsi %arg1, %jit3A_17 : i32
    %ne3A_35 = arith.constant 0 : i32
    %ne3A_36 = arith.cmpi ne, %rem3A_34, %ne3A_35 : i32
    %and3A_37 = arith.andi %ne3A_33, %ne3A_36 : i1
    %sub3A_38 = arith.constant 1 : i32
    %sub3A_39 = arith.subi %div3A_18, %sub3A_38 : i32
    %select_n3A_40 = arith.select %and3A_37, %sub3A_39, %div3A_18 : i32
    %mul3A_41 = arith.constant 2 : i32
    %mul3A_42 = arith.muli %select_n3A_40, %mul3A_41 : i32
    %sub3A_43 = arith.subi %arg1, %mul3A_42 : i32
    %eq3A = arith.constant 0 : i32
    %eq3A_44 = arith.cmpi eq, %sub3A_43, %eq3A : i32
    %mul3A_45 = arith.constant 10000 : i32
    %mul3A_46 = arith.muli %sub3A_43, %mul3A_45 : i32
    %broadcast_in_dim3A = arith.constant 1 : i32
    %broadcast_in_dim3A_47 = vector.broadcast %broadcast_in_dim3A : i32 to vector<16xi32>
    %broadcast_in_dim3A_48 = arith.constant 0 : i32
    %broadcast_in_dim3A_49 = vector.broadcast %broadcast_in_dim3A_48 : i32 to vector<16xi32>
    %broadcast_in_dim3A_50 = arith.constant 0.000000e+00 : f32
    %broadcast_in_dim3A_51 = vector.broadcast %broadcast_in_dim3A_50 : f32 to vector<16xf32>
    %iota3A = tpu.iota {dimensions = array<i32: 0>} : vector<16xi32>
    %scan3A = arith.constant 0 : i32
    %scan3A_52 = arith.constant 0 : i32
    %scan3A_53 = arith.constant 256 : i32
    %scan3A_54 = arith.addi %scan3A_52, %scan3A_53 : i32
    %scan3A_55 = arith.constant 1 : i32
    %scan3A_56 = scf.for %scan3A_147 = %scan3A_52 to %scan3A_54 step %scan3A_55 iter_args(%scan3A_148 = %scan3A) -> (i32)  : i32 {
      %mul3A_149 = arith.constant 16 : i32
      %mul3A_150 = arith.muli %scan3A_147, %mul3A_149 : i32
      %swap3A_151 = arith.index_cast %mul3A_150 : i32 to index
      %swap3A_152 = tpu.vector_load %arg7[%swap3A_151] {strides = array<i32>} : memref<4096xi32, #tpu.memory_space<vmem>>, vector<16xi32>,
      tpu.vector_store %arg7[%swap3A_151], %broadcast_in_dim3A_49 {strides = array<i32>} : memref<4096xi32, #tpu.memory_space<vmem>>, vector<16xi32>,
      %scan3A_153 = arith.constant 0 : i32
      scf.yield %scan3A_153 : i32
    }
    %scan3A_57 = arith.constant 256 : i32
    %scan3A_58 = arith.constant 0 : i32
    %scan3A_59 = arith.constant 0 : i32
    %scan3A_60 = arith.constant 96 : i32
    %scan3A_61 = arith.addi %scan3A_59, %scan3A_60 : i32
    %scan3A_62 = arith.constant 1 : i32
    %scan3A_63 = scf.for %scan3A_147 = %scan3A_59 to %scan3A_61 step %scan3A_62 iter_args(%scan3A_148 = %scan3A_58) -> (i32)  : i32 {
      %mul3A_149 = arith.constant 16 : i32
      %mul3A_150 = arith.muli %scan3A_147, %mul3A_149 : i32
      %swap3A_151 = arith.index_cast %mul3A_150 : i32 to index
      %swap3A_152 = tpu.vector_load %arg9[%swap3A_151] {strides = array<i32>} : memref<1536xi32, #tpu.memory_space<vmem>>, vector<16xi32>,
      tpu.vector_store %arg9[%swap3A_151], %broadcast_in_dim3A_49 {strides = array<i32>} : memref<1536xi32, #tpu.memory_space<vmem>>, vector<16xi32>,
      %swap3A_153 = arith.index_cast %mul3A_150 : i32 to index
      %swap3A_154 = tpu.vector_load %arg10[%swap3A_153] {strides = array<i32>} : memref<1536xi32, #tpu.memory_space<vmem>>, vector<16xi32>,
      tpu.vector_store %arg10[%swap3A_153], %broadcast_in_dim3A_49 {strides = array<i32>} : memref<1536xi32, #tpu.memory_space<vmem>>, vector<16xi32>,
      %swap3A_155 = arith.index_cast %mul3A_150 : i32 to index
      %swap3A_156 = tpu.vector_load %arg11[%swap3A_155] {strides = array<i32>} : memref<1536xi32, #tpu.memory_space<vmem>>, vector<16xi32>,
      tpu.vector_store %arg11[%swap3A_155], %broadcast_in_dim3A_49 {strides = array<i32>} : memref<1536xi32, #tpu.memory_space<vmem>>, vector<16xi32>,
      %swap3A_157 = arith.index_cast %mul3A_150 : i32 to index
      %swap3A_158 = tpu.vector_load %arg12[%swap3A_157] {strides = array<i32>} : memref<1536xi32, #tpu.memory_space<vmem>>, vector<16xi32>,
      tpu.vector_store %arg12[%swap3A_157], %broadcast_in_dim3A_49 {strides = array<i32>} : memref<1536xi32, #tpu.memory_space<vmem>>, vector<16xi32>,
      %scan3A_159 = arith.constant 0 : i32
      scf.yield %scan3A_159 : i32
    }
    %scan3A_64 = arith.constant 96 : i32
    %broadcast_in_dim3A_65 = arith.constant -1 : i32
    %broadcast_in_dim3A_66 = vector.broadcast %broadcast_in_dim3A_65 : i32 to vector<16xi32>
    %swap3A = arith.constant 0 : index
    %swap3A_67 = tpu.vector_load %arg16[%swap3A] {strides = array<i32>} : memref<17xi32, #tpu.memory_space<vmem>>, vector<16xi32>,
    tpu.vector_store %arg16[%swap3A], %broadcast_in_dim3A_66 {strides = array<i32>} : memref<17xi32, #tpu.memory_space<vmem>>, vector<16xi32>,
    %add3A_68 = arith.constant 0 : i32
    %add3A_69 = arith.addi %mul3A_46, %add3A_68 : i32
    %dma_start3A = arith.constant 0 : i32
    %dma_start3A_70 = tpu.memref_slice %arg2[%add3A, %add3A_69, %dma_start3A] : memref<16x20000x85xf32, #tpu.memory_space<hbm>> -> memref<1x80x85xf32, #tpu.memory_space<hbm>>
    %dma_start3A_71 = tpu.memref_squeeze %dma_start3A_70 : memref<1x80x85xf32, #tpu.memory_space<hbm>> -> memref<80x85xf32, #tpu.memory_space<hbm>>
    %dma_start3A_72 = arith.constant 0 : i32
    %dma_start3A_73 = tpu.memref_slice %arg2[%add3A, %add3A_69, %dma_start3A_72] : memref<16x20000x85xf32, #tpu.memory_space<hbm>> -> memref<1x80x85xf32, #tpu.memory_space<hbm>>
    %dma_start3A_74 = tpu.memref_squeeze %dma_start3A_73 : memref<1x80x85xf32, #tpu.memory_space<hbm>> -> memref<80x85xf32, #tpu.memory_space<hbm>>
    tpu.enqueue_dma source(%dma_start3A_74 : memref<80x85xf32, #tpu.memory_space<hbm>>) target(%arg5 : memref<80x85xf32, #tpu.memory_space<vmem>>) target_semaphore(%arg23 : memref<!tpu.dma_semaphore, #tpu.memory_space<semaphore_mem>>)
    %scan3A_75 = arith.constant 0 : i32
    %scan3A_76 = arith.constant 0 : i32
    %scan3A_77 = arith.constant 125 : i32
    %scan3A_78 = arith.addi %scan3A_76, %scan3A_77 : i32
    %scan3A_79 = arith.constant 1 : i32
    %scan3A_80 = scf.for %scan3A_147 = %scan3A_76 to %scan3A_78 step %scan3A_79 iter_args(%scan3A_148 = %scan3A_75) -> (i32)  : i32 {
      %jit3A_149 = arith.constant 2 : i32
      %div3A_150 = arith.divsi %scan3A_147, %jit3A_149 : i32
      %sign3A_151 = arith.constant 0 : i32
      %sign3A_152 = arith.cmpi sgt, %scan3A_147, %sign3A_151 : i32
      %sign3A_153 = arith.extui %sign3A_152 : i1 to i32
      %sign3A_154 = arith.constant 0 : i32
      %sign3A_155 = arith.cmpi slt, %scan3A_147, %sign3A_154 : i32
      %sign3A_156 = arith.extui %sign3A_155 : i1 to i32
      %sign3A_157 = arith.subi %sign3A_153, %sign3A_156 : i32
      %sign3A_158 = arith.constant 0 : i32
      %sign3A_159 = arith.cmpi sgt, %jit3A_149, %sign3A_158 : i32
      %sign3A_160 = arith.extui %sign3A_159 : i1 to i32
      %sign3A_161 = arith.constant 0 : i32
      %sign3A_162 = arith.cmpi slt, %jit3A_149, %sign3A_161 : i32
      %sign3A_163 = arith.extui %sign3A_162 : i1 to i32
      %sign3A_164 = arith.subi %sign3A_160, %sign3A_163 : i32
      %ne3A_165 = arith.cmpi ne, %sign3A_157, %sign3A_164 : i32
      %rem3A_166 = arith.remsi %scan3A_147, %jit3A_149 : i32
      %ne3A_167 = arith.constant 0 : i32
      %ne3A_168 = arith.cmpi ne, %rem3A_166, %ne3A_167 : i32
      %and3A_169 = arith.andi %ne3A_165, %ne3A_168 : i1
      %sub3A_170 = arith.constant 1 : i32
      %sub3A_171 = arith.subi %div3A_150, %sub3A_170 : i32
      %select_n3A_172 = arith.select %and3A_169, %sub3A_171, %div3A_150 : i32
      %mul3A_173 = arith.constant 2 : i32
      %mul3A_174 = arith.muli %select_n3A_172, %mul3A_173 : i32
      %sub3A_175 = arith.subi %scan3A_147, %mul3A_174 : i32
      %eq3A_176 = arith.constant 0 : i32
      %eq3A_177 = arith.cmpi eq, %sub3A_175, %eq3A_176 : i32
      %add3A_178 = arith.constant 1 : i32
      %add3A_179 = arith.addi %scan3A_147, %add3A_178 : i32
      %lt3A = arith.constant 125 : i32
      %lt3A_180 = arith.cmpi slt, %add3A_179, %lt3A : i32
      %and3A_181 = arith.andi %eq3A_177, %lt3A_180 : i1
      %convert_element_type3A_182 = arith.extui %and3A_181 : i1 to i32
      %cond3A_183 = arith.constant 0 : i32
      %cond3A_184 = arith.cmpi ne, %convert_element_type3A_182, %cond3A_183 : i32
      scf.if %cond3A_184 {
        %add3A_206 = arith.constant 1 : i32
        %add3A_207 = arith.addi %scan3A_147, %add3A_206 : i32
        %mul3A_208 = arith.constant 80 : i32
        %mul3A_209 = arith.muli %add3A_207, %mul3A_208 : i32
        %add3A_210 = arith.addi %mul3A_46, %mul3A_209 : i32
        %dma_start3A_211 = arith.constant 0 : i32
        %dma_start3A_212 = tpu.memref_slice %arg2[%add3A, %add3A_210, %dma_start3A_211] : memref<16x20000x85xf32, #tpu.memory_space<hbm>> -> memref<1x80x85xf32, #tpu.memory_space<hbm>>
        %dma_start3A_213 = tpu.memref_squeeze %dma_start3A_212 : memref<1x80x85xf32, #tpu.memory_space<hbm>> -> memref<80x85xf32, #tpu.memory_space<hbm>>
        %dma_start3A_214 = arith.constant 0 : i32
        %dma_start3A_215 = tpu.memref_slice %arg2[%add3A, %add3A_210, %dma_start3A_214] : memref<16x20000x85xf32, #tpu.memory_space<hbm>> -> memref<1x80x85xf32, #tpu.memory_space<hbm>>
        %dma_start3A_216 = tpu.memref_squeeze %dma_start3A_215 : memref<1x80x85xf32, #tpu.memory_space<hbm>> -> memref<80x85xf32, #tpu.memory_space<hbm>>
        tpu.enqueue_dma source(%dma_start3A_216 : memref<80x85xf32, #tpu.memory_space<hbm>>) target(%arg6 : memref<80x85xf32, #tpu.memory_space<vmem>>) target_semaphore(%arg24 : memref<!tpu.dma_semaphore, #tpu.memory_space<semaphore_mem>>)
      } else {
      }
      %eq3A_185 = arith.constant 1 : i32
      %eq3A_186 = arith.cmpi eq, %sub3A_175, %eq3A_185 : i32
      %add3A_187 = arith.constant 1 : i32
      %add3A_188 = arith.addi %scan3A_147, %add3A_187 : i32
      %lt3A_189 = arith.constant 125 : i32
      %lt3A_190 = arith.cmpi slt, %add3A_188, %lt3A_189 : i32
      %and3A_191 = arith.andi %eq3A_186, %lt3A_190 : i1
      %convert_element_type3A_192 = arith.extui %and3A_191 : i1 to i32
      %cond3A_193 = arith.constant 0 : i32
      %cond3A_194 = arith.cmpi ne, %convert_element_type3A_192, %cond3A_193 : i32
      scf.if %cond3A_194 {
        %add3A_206 = arith.constant 1 : i32
        %add3A_207 = arith.addi %scan3A_147, %add3A_206 : i32
        %mul3A_208 = arith.constant 80 : i32
        %mul3A_209 = arith.muli %add3A_207, %mul3A_208 : i32
        %add3A_210 = arith.addi %mul3A_46, %mul3A_209 : i32
        %dma_start3A_211 = arith.constant 0 : i32
        %dma_start3A_212 = tpu.memref_slice %arg2[%add3A, %add3A_210, %dma_start3A_211] : memref<16x20000x85xf32, #tpu.memory_space<hbm>> -> memref<1x80x85xf32, #tpu.memory_space<hbm>>
        %dma_start3A_213 = tpu.memref_squeeze %dma_start3A_212 : memref<1x80x85xf32, #tpu.memory_space<hbm>> -> memref<80x85xf32, #tpu.memory_space<hbm>>
        %dma_start3A_214 = arith.constant 0 : i32
        %dma_start3A_215 = tpu.memref_slice %arg2[%add3A, %add3A_210, %dma_start3A_214] : memref<16x20000x85xf32, #tpu.memory_space<hbm>> -> memref<1x80x85xf32, #tpu.memory_space<hbm>>
        %dma_start3A_216 = tpu.memref_squeeze %dma_start3A_215 : memref<1x80x85xf32, #tpu.memory_space<hbm>> -> memref<80x85xf32, #tpu.memory_space<hbm>>
        tpu.enqueue_dma source(%dma_start3A_216 : memref<80x85xf32, #tpu.memory_space<hbm>>) target(%arg5 : memref<80x85xf32, #tpu.memory_space<vmem>>) target_semaphore(%arg23 : memref<!tpu.dma_semaphore, #tpu.memory_space<semaphore_mem>>)
      } else {
      }
      %eq3A_195 = arith.constant 0 : i32
      %eq3A_196 = arith.cmpi eq, %sub3A_175, %eq3A_195 : i32
      %convert_element_type3A_197 = arith.extui %eq3A_196 : i1 to i32
      %cond3A_198 = arith.constant 0 : i32
      %cond3A_199 = arith.cmpi ne, %convert_element_type3A_197, %cond3A_198 : i32
      scf.if %cond3A_199 {
        %dma_wait3A = arith.constant 0 : i32
        %dma_wait3A_206 = arith.constant 0 : i32
        %dma_wait3A_207 = tpu.memref_slice %arg2[%add3A, %dma_wait3A, %dma_wait3A_206] : memref<16x20000x85xf32, #tpu.memory_space<hbm>> -> memref<1x80x85xf32, #tpu.memory_space<hbm>>
        %dma_wait3A_208 = tpu.memref_squeeze %dma_wait3A_207 : memref<1x80x85xf32, #tpu.memory_space<hbm>> -> memref<80x85xf32, #tpu.memory_space<hbm>>
        %dma_wait3A_209 = arith.constant 0 : i32
        %dma_wait3A_210 = arith.constant 0 : i32
        %dma_wait3A_211 = tpu.memref_slice %arg2[%add3A, %dma_wait3A_209, %dma_wait3A_210] : memref<16x20000x85xf32, #tpu.memory_space<hbm>> -> memref<1x80x85xf32, #tpu.memory_space<hbm>>
        %dma_wait3A_212 = tpu.memref_squeeze %dma_wait3A_211 : memref<1x80x85xf32, #tpu.memory_space<hbm>> -> memref<80x85xf32, #tpu.memory_space<hbm>>
        tpu.wait_dma2 semaphore(%arg23 : memref<!tpu.dma_semaphore, #tpu.memory_space<semaphore_mem>>) src(%dma_wait3A_212 : memref<80x85xf32, #tpu.memory_space<hbm>>) dst(%arg5 : memref<80x85xf32, #tpu.memory_space<vmem>>)
        %scan3A_213 = arith.constant 0 : i32
        %scan3A_214 = arith.constant 0 : i32
        %scan3A_215 = arith.constant 5 : i32
        %scan3A_216 = arith.addi %scan3A_214, %scan3A_215 : i32
        %scan3A_217 = arith.constant 1 : i32
        %scan3A_218 = scf.for %scan3A_220 = %scan3A_214 to %scan3A_216 step %scan3A_217 iter_args(%scan3A_221 = %scan3A_213) -> (i32)  : i32 {
          %mul3A_222 = arith.constant 16 : i32
          %mul3A_223 = arith.muli %scan3A_220, %mul3A_222 : i32
          %add3A_224 = vector.broadcast %mul3A_223 : i32 to vector<16xi32>
          %add3A_225 = arith.addi %add3A_224, %iota3A : vector<16xi32>
          %broadcast_in_dim3A_226 = arith.constant 4 : i32
          %broadcast_in_dim3A_227 = vector.broadcast %broadcast_in_dim3A_226 : i32 to vector<16xi32>
          %gather3A = arith.constant 0 : i32
          %gather3A_228 = arith.constant 0 : i32
          %gather3A_229 = tpu.memref_slice %arg5[%gather3A, %gather3A_228] : memref<80x85xf32, #tpu.memory_space<vmem>> -> memref<80x85xf32, #tpu.memory_space<vmem>>
          %gather3A_230 = tpu.vector_load_idx %gather3A_229[%add3A_225, %broadcast_in_dim3A_227] : memref<80x85xf32, #tpu.memory_space<vmem>>[vector<16xi32>, vector<16xi32>], vector<16xf32>,
          %mul3A_231 = arith.constant 80 : i32
          %mul3A_232 = arith.muli %scan3A_147, %mul3A_231 : i32
          %mul3A_233 = arith.constant 16 : i32
          %mul3A_234 = arith.muli %scan3A_220, %mul3A_233 : i32
          %add3A_235 = arith.addi %mul3A_232, %mul3A_234 : i32
          %swap3A_236 = arith.index_cast %add3A_235 : i32 to index
          %swap3A_237 = tpu.vector_load %arg4[%swap3A_236] {strides = array<i32>} : memref<10000xf32, #tpu.memory_space<vmem>>, vector<16xf32>,
          tpu.vector_store %arg4[%swap3A_236], %gather3A_230 {strides = array<i32>} : memref<10000xf32, #tpu.memory_space<vmem>>, vector<16xf32>,
          %bitcast3A = vector.bitcast %gather3A_230 : vector<16xf32> to vector<16xi32>
          %shift_right_arithmetic3A = arith.constant 18 : i32
          %shift_right_arithmetic3A_238 = vector.broadcast %shift_right_arithmetic3A : i32 to vector<16xi32>
          %shift_right_arithmetic3A_239 = arith.shrsi %bitcast3A, %shift_right_arithmetic3A_238 : vector<16xi32>
          %scatter3A = arith.constant 0 : i32
          %scatter3A_240 = tpu.memref_slice %arg7[%scatter3A] : memref<4096xi32, #tpu.memory_space<vmem>> -> memref<4096xi32, #tpu.memory_space<vmem>>
          tpu.vector_store_idx %scatter3A_240[%shift_right_arithmetic3A_239], %broadcast_in_dim3A_47 {add = true} : memref<4096xi32, #tpu.memory_space<vmem>>[vector<16xi32>], vector<16xi32>,
          %scan3A_241 = arith.constant 0 : i32
          scf.yield %scan3A_241 : i32
        }
        %scan3A_219 = arith.constant 5 : i32
      } else {
      }
      %eq3A_200 = arith.constant 1 : i32
      %eq3A_201 = arith.cmpi eq, %sub3A_175, %eq3A_200 : i32
      %convert_element_type3A_202 = arith.extui %eq3A_201 : i1 to i32
      %cond3A_203 = arith.constant 0 : i32
      %cond3A_204 = arith.cmpi ne, %convert_element_type3A_202, %cond3A_203 : i32
      scf.if %cond3A_204 {
        %dma_wait3A = arith.constant 0 : i32
        %dma_wait3A_206 = arith.constant 0 : i32
        %dma_wait3A_207 = tpu.memref_slice %arg2[%add3A, %dma_wait3A, %dma_wait3A_206] : memref<16x20000x85xf32, #tpu.memory_space<hbm>> -> memref<1x80x85xf32, #tpu.memory_space<hbm>>
        %dma_wait3A_208 = tpu.memref_squeeze %dma_wait3A_207 : memref<1x80x85xf32, #tpu.memory_space<hbm>> -> memref<80x85xf32, #tpu.memory_space<hbm>>
        %dma_wait3A_209 = arith.constant 0 : i32
        %dma_wait3A_210 = arith.constant 0 : i32
        %dma_wait3A_211 = tpu.memref_slice %arg2[%add3A, %dma_wait3A_209, %dma_wait3A_210] : memref<16x20000x85xf32, #tpu.memory_space<hbm>> -> memref<1x80x85xf32, #tpu.memory_space<hbm>>
        %dma_wait3A_212 = tpu.memref_squeeze %dma_wait3A_211 : memref<1x80x85xf32, #tpu.memory_space<hbm>> -> memref<80x85xf32, #tpu.memory_space<hbm>>
        tpu.wait_dma2 semaphore(%arg24 : memref<!tpu.dma_semaphore, #tpu.memory_space<semaphore_mem>>) src(%dma_wait3A_212 : memref<80x85xf32, #tpu.memory_space<hbm>>) dst(%arg6 : memref<80x85xf32, #tpu.memory_space<vmem>>)
        %scan3A_213 = arith.constant 0 : i32
        %scan3A_214 = arith.constant 0 : i32
        %scan3A_215 = arith.constant 5 : i32
        %scan3A_216 = arith.addi %scan3A_214, %scan3A_215 : i32
        %scan3A_217 = arith.constant 1 : i32
        %scan3A_218 = scf.for %scan3A_220 = %scan3A_214 to %scan3A_216 step %scan3A_217 iter_args(%scan3A_221 = %scan3A_213) -> (i32)  : i32 {
          %mul3A_222 = arith.constant 16 : i32
          %mul3A_223 = arith.muli %scan3A_220, %mul3A_222 : i32
          %add3A_224 = vector.broadcast %mul3A_223 : i32 to vector<16xi32>
          %add3A_225 = arith.addi %add3A_224, %iota3A : vector<16xi32>
          %broadcast_in_dim3A_226 = arith.constant 4 : i32
          %broadcast_in_dim3A_227 = vector.broadcast %broadcast_in_dim3A_226 : i32 to vector<16xi32>
          %gather3A = arith.constant 0 : i32
          %gather3A_228 = arith.constant 0 : i32
          %gather3A_229 = tpu.memref_slice %arg6[%gather3A, %gather3A_228] : memref<80x85xf32, #tpu.memory_space<vmem>> -> memref<80x85xf32, #tpu.memory_space<vmem>>
          %gather3A_230 = tpu.vector_load_idx %gather3A_229[%add3A_225, %broadcast_in_dim3A_227] : memref<80x85xf32, #tpu.memory_space<vmem>>[vector<16xi32>, vector<16xi32>], vector<16xf32>,
          %mul3A_231 = arith.constant 80 : i32
          %mul3A_232 = arith.muli %scan3A_147, %mul3A_231 : i32
          %mul3A_233 = arith.constant 16 : i32
          %mul3A_234 = arith.muli %scan3A_220, %mul3A_233 : i32
          %add3A_235 = arith.addi %mul3A_232, %mul3A_234 : i32
          %swap3A_236 = arith.index_cast %add3A_235 : i32 to index
          %swap3A_237 = tpu.vector_load %arg4[%swap3A_236] {strides = array<i32>} : memref<10000xf32, #tpu.memory_space<vmem>>, vector<16xf32>,
          tpu.vector_store %arg4[%swap3A_236], %gather3A_230 {strides = array<i32>} : memref<10000xf32, #tpu.memory_space<vmem>>, vector<16xf32>,
          %bitcast3A = vector.bitcast %gather3A_230 : vector<16xf32> to vector<16xi32>
          %shift_right_arithmetic3A = arith.constant 18 : i32
          %shift_right_arithmetic3A_238 = vector.broadcast %shift_right_arithmetic3A : i32 to vector<16xi32>
          %shift_right_arithmetic3A_239 = arith.shrsi %bitcast3A, %shift_right_arithmetic3A_238 : vector<16xi32>
          %scatter3A = arith.constant 0 : i32
          %scatter3A_240 = tpu.memref_slice %arg7[%scatter3A] : memref<4096xi32, #tpu.memory_space<vmem>> -> memref<4096xi32, #tpu.memory_space<vmem>>
          tpu.vector_store_idx %scatter3A_240[%shift_right_arithmetic3A_239], %broadcast_in_dim3A_47 {add = true} : memref<4096xi32, #tpu.memory_space<vmem>>[vector<16xi32>], vector<16xi32>,
          %scan3A_241 = arith.constant 0 : i32
          scf.yield %scan3A_241 : i32
        }
        %scan3A_219 = arith.constant 5 : i32
      } else {
      }
      %scan3A_205 = arith.constant 0 : i32
      scf.yield %scan3A_205 : i32
    }
    %scan3A_81 = arith.constant 125 : i32
    "tpu.region"() ({
      %run_scoped3A = tpu.sem_alloc : memref<!tpu.dma_semaphore, #tpu.memory_space<semaphore_mem>>
      %dma_start3A_147 = arith.constant 0 : i32
      %dma_start3A_148 = tpu.memref_slice %arg19[%arg1, %dma_start3A_147] : memref<16x4096xi32, #tpu.memory_space<vmem_shared>> -> memref<1x4096xi32, #tpu.memory_space<vmem_shared>>
      %dma_start3A_149 = tpu.memref_squeeze %dma_start3A_148 : memref<1x4096xi32, #tpu.memory_space<vmem_shared>> -> memref<4096xi32, #tpu.memory_space<vmem_shared>>
      %dma_start3A_150 = arith.constant 0 : i32
      %dma_start3A_151 = tpu.memref_slice %arg19[%arg1, %dma_start3A_150] : memref<16x4096xi32, #tpu.memory_space<vmem_shared>> -> memref<1x4096xi32, #tpu.memory_space<vmem_shared>>
      %dma_start3A_152 = tpu.memref_squeeze %dma_start3A_151 : memref<1x4096xi32, #tpu.memory_space<vmem_shared>> -> memref<4096xi32, #tpu.memory_space<vmem_shared>>
      tpu.enqueue_dma source(%arg7 : memref<4096xi32, #tpu.memory_space<vmem>>) target(%dma_start3A_152 : memref<4096xi32, #tpu.memory_space<vmem_shared>>) target_semaphore(%run_scoped3A : memref<!tpu.dma_semaphore, #tpu.memory_space<semaphore_mem>>)
      %dma_wait3A = arith.constant 0 : i32
      %dma_wait3A_153 = tpu.memref_slice %arg19[%arg1, %dma_wait3A] : memref<16x4096xi32, #tpu.memory_space<vmem_shared>> -> memref<1x4096xi32, #tpu.memory_space<vmem_shared>>
      %dma_wait3A_154 = tpu.memref_squeeze %dma_wait3A_153 : memref<1x4096xi32, #tpu.memory_space<vmem_shared>> -> memref<4096xi32, #tpu.memory_space<vmem_shared>>
      %dma_wait3A_155 = arith.constant 0 : i32
      %dma_wait3A_156 = tpu.memref_slice %arg19[%arg1, %dma_wait3A_155] : memref<16x4096xi32, #tpu.memory_space<vmem_shared>> -> memref<1x4096xi32, #tpu.memory_space<vmem_shared>>
      %dma_wait3A_157 = tpu.memref_squeeze %dma_wait3A_156 : memref<1x4096xi32, #tpu.memory_space<vmem_shared>> -> memref<4096xi32, #tpu.memory_space<vmem_shared>>
      tpu.wait_dma2 semaphore(%run_scoped3A : memref<!tpu.dma_semaphore, #tpu.memory_space<semaphore_mem>>) src(%arg7 : memref<4096xi32, #tpu.memory_space<vmem>>) dst(%dma_wait3A_157 : memref<4096xi32, #tpu.memory_space<vmem_shared>>)
      tpu.yield
    }) : () -> ()
    %barrier3A = arith.constant 0 : index
    tpu.barrier barrier_id(%barrier3A)
    %add3A_82 = arith.constant 1 : i32
    %add3A_83 = arith.addi %arg1, %add3A_82 : i32
    %mul3A_84 = arith.constant 2 : i32
    %mul3A_85 = arith.muli %mul3A_84, %sub3A_43 : i32
    %sub3A_86 = arith.subi %add3A_83, %mul3A_85 : i32
    "tpu.region"() ({
      %run_scoped3A = tpu.sem_alloc : memref<!tpu.dma_semaphore, #tpu.memory_space<semaphore_mem>>
      %dma_start3A_147 = arith.constant 0 : i32
      %dma_start3A_148 = tpu.memref_slice %arg19[%sub3A_86, %dma_start3A_147] : memref<16x4096xi32, #tpu.memory_space<vmem_shared>> -> memref<1x4096xi32, #tpu.memory_space<vmem_shared>>
      %dma_start3A_149 = tpu.memref_squeeze %dma_start3A_148 : memref<1x4096xi32, #tpu.memory_space<vmem_shared>> -> memref<4096xi32, #tpu.memory_space<vmem_shared>>
      %dma_start3A_150 = arith.constant 0 : i32
      %dma_start3A_151 = tpu.memref_slice %arg19[%sub3A_86, %dma_start3A_150] : memref<16x4096xi32, #tpu.memory_space<vmem_shared>> -> memref<1x4096xi32, #tpu.memory_space<vmem_shared>>
      %dma_start3A_152 = tpu.memref_squeeze %dma_start3A_151 : memref<1x4096xi32, #tpu.memory_space<vmem_shared>> -> memref<4096xi32, #tpu.memory_space<vmem_shared>>
      tpu.enqueue_dma source(%dma_start3A_152 : memref<4096xi32, #tpu.memory_space<vmem_shared>>) target(%arg8 : memref<4096xi32, #tpu.memory_space<vmem>>) target_semaphore(%run_scoped3A : memref<!tpu.dma_semaphore, #tpu.memory_space<semaphore_mem>>)
      %dma_wait3A = arith.constant 0 : i32
      %dma_wait3A_153 = tpu.memref_slice %arg19[%sub3A_86, %dma_wait3A] : memref<16x4096xi32, #tpu.memory_space<vmem_shared>> -> memref<1x4096xi32, #tpu.memory_space<vmem_shared>>
      %dma_wait3A_154 = tpu.memref_squeeze %dma_wait3A_153 : memref<1x4096xi32, #tpu.memory_space<vmem_shared>> -> memref<4096xi32, #tpu.memory_space<vmem_shared>>
      %dma_wait3A_155 = arith.constant 0 : i32
      %dma_wait3A_156 = tpu.memref_slice %arg19[%sub3A_86, %dma_wait3A_155] : memref<16x4096xi32, #tpu.memory_space<vmem_shared>> -> memref<1x4096xi32, #tpu.memory_space<vmem_shared>>
      %dma_wait3A_157 = tpu.memref_squeeze %dma_wait3A_156 : memref<1x4096xi32, #tpu.memory_space<vmem_shared>> -> memref<4096xi32, #tpu.memory_space<vmem_shared>>
      tpu.wait_dma2 semaphore(%run_scoped3A : memref<!tpu.dma_semaphore, #tpu.memory_space<semaphore_mem>>) src(%dma_wait3A_157 : memref<4096xi32, #tpu.memory_space<vmem_shared>>) dst(%arg8 : memref<4096xi32, #tpu.memory_space<vmem>>)
      tpu.yield
    }) : () -> ()
    %scan3A_87 = arith.constant 0 : i32
    %scan3A_88 = arith.constant 0 : i32
    %scan3A_89 = arith.constant 256 : i32
    %scan3A_90 = arith.addi %scan3A_88, %scan3A_89 : i32
    %scan3A_91 = arith.constant 1 : i32
    %scan3A_92 = scf.for %scan3A_147 = %scan3A_88 to %scan3A_90 step %scan3A_91 iter_args(%scan3A_148 = %scan3A_87) -> (i32)  : i32 {
      %mul3A_149 = arith.constant 16 : i32
      %mul3A_150 = arith.muli %scan3A_147, %mul3A_149 : i32
      %get3A_151 = arith.index_cast %mul3A_150 : i32 to index
      %get3A_152 = tpu.vector_load %arg7[%get3A_151] {strides = array<i32>} : memref<4096xi32, #tpu.memory_space<vmem>>, vector<16xi32>,
      %get3A_153 = arith.index_cast %mul3A_150 : i32 to index
      %get3A_154 = tpu.vector_load %arg8[%get3A_153] {strides = array<i32>} : memref<4096xi32, #tpu.memory_space<vmem>>, vector<16xi32>,
      %add3A_155 = arith.addi %get3A_152, %get3A_154 : vector<16xi32>
      %swap3A_156 = arith.index_cast %mul3A_150 : i32 to index
      %swap3A_157 = tpu.vector_load %arg7[%swap3A_156] {strides = array<i32>} : memref<4096xi32, #tpu.memory_space<vmem>>, vector<16xi32>,
      tpu.vector_store %arg7[%swap3A_156], %add3A_155 {strides = array<i32>} : memref<4096xi32, #tpu.memory_space<vmem>>, vector<16xi32>,
      %scan3A_158 = arith.constant 0 : i32
      scf.yield %scan3A_158 : i32
    }
    %scan3A_93 = arith.constant 256 : i32
    %broadcast_in_dim3A_94 = arith.constant -1 : i32
    %broadcast_in_dim3A_95 = vector.broadcast %broadcast_in_dim3A_94 : i32 to vector<16xi32>
    %scan3A_96 = arith.constant 0 : i32
    %scan3A_97 = arith.constant 0 : i32
    %scan3A_98 = arith.constant 256 : i32
    %scan3A_99 = arith.addi %scan3A_97, %scan3A_98 : i32
    %scan3A_100 = arith.constant 1 : i32
    %scan3A_101:2 = scf.for %scan3A_147 = %scan3A_97 to %scan3A_99 step %scan3A_100 iter_args(%scan3A_148 = %scan3A_96, %scan3A_149 = %broadcast_in_dim3A_95) -> (i32, vector<16xi32>)  : i32 {
      %sub3A_150 = arith.constant 255 : i32
      %sub3A_151 = arith.subi %sub3A_150, %scan3A_147 : i32
      %mul3A_152 = arith.constant 16 : i32
      %mul3A_153 = arith.muli %sub3A_151, %mul3A_152 : i32
      %get3A_154 = arith.index_cast %mul3A_153 : i32 to index
      %get3A_155 = tpu.vector_load %arg7[%get3A_154] {strides = array<i32>} : memref<4096xi32, #tpu.memory_space<vmem>>, vector<16xi32>,
      %broadcast_in_dim3A_156 = arith.constant true
      %broadcast_in_dim3A_157 = vector.broadcast %broadcast_in_dim3A_156 : i1 to vector<16xi1>
      %masked_cumsum3A = tpu.scan <sum>, %get3A_155 masked %broadcast_in_dim3A_157 : vector<16xi32>, vector<16xi1> -> vector<16xi32>
      %reduce_sum3A = arith.constant true
      %reduce_sum3A_158 = vector.broadcast %reduce_sum3A : i1 to vector<16xi1>
      %reduce_sum3A_159 = tpu.scan <sum>, %get3A_155 masked %reduce_sum3A_158 : vector<16xi32>, vector<16xi1> -> vector<16xi32>
      %reduce_sum3A_160 = vector.extract %reduce_sum3A_159[15] : i32 from vector<16xi32>
      %add3A_161 = arith.addi %scan3A_148, %reduce_sum3A_160 : i32
      %sub3A_162 = vector.broadcast %add3A_161 : i32 to vector<16xi32>
      %sub3A_163 = arith.subi %sub3A_162, %masked_cumsum3A : vector<16xi32>
      %lt3A = arith.constant 1000 : i32
      %lt3A_164 = vector.broadcast %lt3A : i32 to vector<16xi32>
      %lt3A_165 = arith.cmpi slt, %sub3A_163, %lt3A_164 : vector<16xi32>
      %add3A_166 = arith.addi %sub3A_163, %get3A_155 : vector<16xi32>
      %ge3A = arith.constant 1000 : i32
      %ge3A_167 = vector.broadcast %ge3A : i32 to vector<16xi32>
      %ge3A_168 = arith.cmpi sge, %add3A_166, %ge3A_167 : vector<16xi32>
      %and3A_169 = arith.andi %lt3A_165, %ge3A_168 : vector<16xi1>
      %all_reduce_ffs3A = tpu.all_reduce %and3A_169 {dim = 0 : i64, kind = #tpu.reduction_kind<find_first_set>} : vector<16xi1> -> vector<16xi32>
      %lt3A_170 = arith.constant 0 : i32
      %lt3A_171 = vector.broadcast %lt3A_170 : i32 to vector<16xi32>
      %lt3A_172 = arith.cmpi slt, %scan3A_149, %lt3A_171 : vector<16xi32>
      %lt3A_173 = arith.constant 16 : i32
      %lt3A_174 = vector.broadcast %lt3A_173 : i32 to vector<16xi32>
      %lt3A_175 = arith.cmpi slt, %all_reduce_ffs3A, %lt3A_174 : vector<16xi32>
      %and3A_176 = arith.andi %lt3A_172, %lt3A_175 : vector<16xi1>
      %mul3A_177 = arith.constant 16 : i32
      %mul3A_178 = arith.muli %sub3A_151, %mul3A_177 : i32
      %add3A_179 = vector.broadcast %mul3A_178 : i32 to vector<16xi32>
      %add3A_180 = arith.addi %add3A_179, %all_reduce_ffs3A : vector<16xi32>
      %select_n3A_181 = arith.select %and3A_176, %add3A_180, %scan3A_149 : vector<16xi1>, vector<16xi32>
      %add3A_182 = arith.addi %scan3A_148, %reduce_sum3A_160 : i32
      scf.yield %add3A_182, %select_n3A_181 : i32, vector<16xi32>
    }
    %scan3A_102 = arith.constant 256 : i32
    %shift_left3A = arith.constant 18 : i32
    %shift_left3A_103 = vector.broadcast %shift_left3A : i32 to vector<16xi32>
    %shift_left3A_104 = arith.shli %scan3A_101#1, %shift_left3A_103 : vector<16xi32>
    %scan3A_105 = arith.constant 0 : i32
    %scan3A_106 = arith.constant 0 : i32
    %scan3A_107 = arith.constant 625 : i32
    %scan3A_108 = arith.addi %scan3A_106, %scan3A_107 : i32
    %scan3A_109 = arith.constant 1 : i32
    %scan3A_110 = scf.for %scan3A_147 = %scan3A_106 to %scan3A_108 step %scan3A_109 iter_args(%scan3A_148 = %scan3A_105) -> (i32)  : i32 {
      %mul3A_149 = arith.constant 16 : i32
      %mul3A_150 = arith.muli %scan3A_147, %mul3A_149 : i32
      %get3A_151 = arith.index_cast %mul3A_150 : i32 to index
      %get3A_152 = tpu.vector_load %arg4[%get3A_151] {strides = array<i32>} : memref<10000xf32, #tpu.memory_space<vmem>>, vector<16xf32>,
      %bitcast3A = vector.bitcast %get3A_152 : vector<16xf32> to vector<16xi32>
      %ge3A = arith.cmpi sge, %bitcast3A, %shift_left3A_104 : vector<16xi32>
      %jit3A_153 = arith.constant 1 : i32
      %jit3A_154 = arith.constant 0 : i32
      %broadcast_in_dim3A_155 = vector.broadcast %jit3A_153 : i32 to vector<16xi32>
      %broadcast_in_dim3A_156 = vector.broadcast %jit3A_154 : i32 to vector<16xi32>
      %select_n3A_157 = arith.select %ge3A, %broadcast_in_dim3A_155, %broadcast_in_dim3A_156 : vector<16xi1>, vector<16xi32>
      %broadcast_in_dim3A_158 = arith.constant true
      %broadcast_in_dim3A_159 = vector.broadcast %broadcast_in_dim3A_158 : i1 to vector<16xi1>
      %masked_cumsum3A = tpu.scan <sum>, %select_n3A_157 masked %broadcast_in_dim3A_159 : vector<16xi32>, vector<16xi1> -> vector<16xi32>
      %sub3A_160 = arith.subi %masked_cumsum3A, %select_n3A_157 : vector<16xi32>
      %add3A_161 = vector.broadcast %scan3A_148 : i32 to vector<16xi32>
      %add3A_162 = arith.addi %add3A_161, %sub3A_160 : vector<16xi32>
      %lt3A = arith.constant 1024 : i32
      %lt3A_163 = vector.broadcast %lt3A : i32 to vector<16xi32>
      %lt3A_164 = arith.cmpi slt, %add3A_162, %lt3A_163 : vector<16xi32>
      %and3A_165 = arith.andi %ge3A, %lt3A_164 : vector<16xi1>
      %scatter3A = arith.constant 0 : i32
      %scatter3A_166 = tpu.memref_slice %arg9[%scatter3A] : memref<1536xi32, #tpu.memory_space<vmem>> -> memref<1536xi32, #tpu.memory_space<vmem>>
      tpu.vector_store_idx %scatter3A_166[%add3A_162], %bitcast3A masked %and3A_165 : memref<1536xi32, #tpu.memory_space<vmem>>[vector<16xi32>], vector<16xi32>, vector<16xi1>
      %mul3A_167 = arith.constant 16 : i32
      %mul3A_168 = arith.muli %scan3A_147, %mul3A_167 : i32
      %add3A_169 = arith.addi %mul3A_46, %mul3A_168 : i32
      %add3A_170 = vector.broadcast %add3A_169 : i32 to vector<16xi32>
      %add3A_171 = arith.addi %add3A_170, %iota3A : vector<16xi32>
      %scatter3A_172 = arith.constant 0 : i32
      %scatter3A_173 = tpu.memref_slice %arg10[%scatter3A_172] : memref<1536xi32, #tpu.memory_space<vmem>> -> memref<1536xi32, #tpu.memory_space<vmem>>
      tpu.vector_store_idx %scatter3A_173[%add3A_162], %add3A_171 masked %and3A_165 : memref<1536xi32, #tpu.memory_space<vmem>>[vector<16xi32>], vector<16xi32>, vector<16xi1>
      %reduce_sum3A = arith.constant true
      %reduce_sum3A_174 = vector.broadcast %reduce_sum3A : i1 to vector<16xi1>
      %reduce_sum3A_175 = tpu.scan <sum>, %select_n3A_157 masked %reduce_sum3A_174 : vector<16xi32>, vector<16xi1> -> vector<16xi32>
      %reduce_sum3A_176 = vector.extract %reduce_sum3A_175[15] : i32 from vector<16xi32>
      %add3A_177 = arith.addi %scan3A_148, %reduce_sum3A_176 : i32
      %min3A = arith.constant 1024 : i32
      %min3A_178 = arith.minsi %add3A_177, %min3A : i32
      scf.yield %min3A_178 : i32
    }
    %scan3A_111 = arith.constant 625 : i32
    %broadcast_in_dim3A_112 = vector.broadcast %scan3A_110 : i32 to vector<16xi32>
    %swap3A_113 = arith.constant 0 : index
    %swap3A_114 = tpu.vector_load %arg15[%swap3A_113] {strides = array<i32>} : memref<16xi32, #tpu.memory_space<vmem>>, vector<16xi32>,
    tpu.vector_store %arg15[%swap3A_113], %broadcast_in_dim3A_112 {strides = array<i32>} : memref<16xi32, #tpu.memory_space<vmem>>, vector<16xi32>,
    "tpu.region"() ({
      %run_scoped3A = tpu.sem_alloc : memref<!tpu.dma_semaphore, #tpu.memory_space<semaphore_mem>>
      %dma_start3A_147 = arith.constant 0 : i32
      %dma_start3A_148 = tpu.memref_slice %arg9[%dma_start3A_147] : memref<1536xi32, #tpu.memory_space<vmem>> -> memref<1024xi32, #tpu.memory_space<vmem>>
      %dma_start3A_149 = arith.constant 0 : i32
      %dma_start3A_150 = tpu.memref_slice %arg20[%arg1, %dma_start3A_149] : memref<16x1024xi32, #tpu.memory_space<vmem_shared>> -> memref<1x1024xi32, #tpu.memory_space<vmem_shared>>
      %dma_start3A_151 = tpu.memref_squeeze %dma_start3A_150 : memref<1x1024xi32, #tpu.memory_space<vmem_shared>> -> memref<1024xi32, #tpu.memory_space<vmem_shared>>
      %dma_start3A_152 = arith.constant 0 : i32
      %dma_start3A_153 = tpu.memref_slice %arg20[%arg1, %dma_start3A_152] : memref<16x1024xi32, #tpu.memory_space<vmem_shared>> -> memref<1x1024xi32, #tpu.memory_space<vmem_shared>>
      %dma_start3A_154 = tpu.memref_squeeze %dma_start3A_153 : memref<1x1024xi32, #tpu.memory_space<vmem_shared>> -> memref<1024xi32, #tpu.memory_space<vmem_shared>>
      %dma_start3A_155 = arith.constant 0 : i32
      %dma_start3A_156 = tpu.memref_slice %arg9[%dma_start3A_155] : memref<1536xi32, #tpu.memory_space<vmem>> -> memref<1024xi32, #tpu.memory_space<vmem>>
      tpu.enqueue_dma source(%dma_start3A_156 : memref<1024xi32, #tpu.memory_space<vmem>>) target(%dma_start3A_154 : memref<1024xi32, #tpu.memory_space<vmem_shared>>) target_semaphore(%run_scoped3A : memref<!tpu.dma_semaphore, #tpu.memory_space<semaphore_mem>>)
      %dma_wait3A = arith.constant 0 : i32
      %dma_wait3A_157 = tpu.memref_slice %arg9[%dma_wait3A] : memref<1536xi32, #tpu.memory_space<vmem>> -> memref<1024xi32, #tpu.memory_space<vmem>>
      %dma_wait3A_158 = arith.constant 0 : i32
      %dma_wait3A_159 = tpu.memref_slice %arg20[%arg1, %dma_wait3A_158] : memref<16x1024xi32, #tpu.memory_space<vmem_shared>> -> memref<1x1024xi32, #tpu.memory_space<vmem_shared>>
      %dma_wait3A_160 = tpu.memref_squeeze %dma_wait3A_159 : memref<1x1024xi32, #tpu.memory_space<vmem_shared>> -> memref<1024xi32, #tpu.memory_space<vmem_shared>>
      %dma_wait3A_161 = arith.constant 0 : i32
      %dma_wait3A_162 = tpu.memref_slice %arg20[%arg1, %dma_wait3A_161] : memref<16x1024xi32, #tpu.memory_space<vmem_shared>> -> memref<1x1024xi32, #tpu.memory_space<vmem_shared>>
      %dma_wait3A_163 = tpu.memref_squeeze %dma_wait3A_162 : memref<1x1024xi32, #tpu.memory_space<vmem_shared>> -> memref<1024xi32, #tpu.memory_space<vmem_shared>>
      %dma_wait3A_164 = arith.constant 0 : i32
      %dma_wait3A_165 = tpu.memref_slice %arg9[%dma_wait3A_164] : memref<1536xi32, #tpu.memory_space<vmem>> -> memref<1024xi32, #tpu.memory_space<vmem>>
      tpu.wait_dma2 semaphore(%run_scoped3A : memref<!tpu.dma_semaphore, #tpu.memory_space<semaphore_mem>>) src(%dma_wait3A_165 : memref<1024xi32, #tpu.memory_space<vmem>>) dst(%dma_wait3A_163 : memref<1024xi32, #tpu.memory_space<vmem_shared>>)
      tpu.yield
    }) : () -> ()
    "tpu.region"() ({
      %run_scoped3A = tpu.sem_alloc : memref<!tpu.dma_semaphore, #tpu.memory_space<semaphore_mem>>
      %dma_start3A_147 = arith.constant 0 : i32
      %dma_start3A_148 = tpu.memref_slice %arg10[%dma_start3A_147] : memref<1536xi32, #tpu.memory_space<vmem>> -> memref<1024xi32, #tpu.memory_space<vmem>>
      %dma_start3A_149 = arith.constant 0 : i32
      %dma_start3A_150 = tpu.memref_slice %arg21[%arg1, %dma_start3A_149] : memref<16x1024xi32, #tpu.memory_space<vmem_shared>> -> memref<1x1024xi32, #tpu.memory_space<vmem_shared>>
      %dma_start3A_151 = tpu.memref_squeeze %dma_start3A_150 : memref<1x1024xi32, #tpu.memory_space<vmem_shared>> -> memref<1024xi32, #tpu.memory_space<vmem_shared>>
      %dma_start3A_152 = arith.constant 0 : i32
      %dma_start3A_153 = tpu.memref_slice %arg21[%arg1, %dma_start3A_152] : memref<16x1024xi32, #tpu.memory_space<vmem_shared>> -> memref<1x1024xi32, #tpu.memory_space<vmem_shared>>
      %dma_start3A_154 = tpu.memref_squeeze %dma_start3A_153 : memref<1x1024xi32, #tpu.memory_space<vmem_shared>> -> memref<1024xi32, #tpu.memory_space<vmem_shared>>
      %dma_start3A_155 = arith.constant 0 : i32
      %dma_start3A_156 = tpu.memref_slice %arg10[%dma_start3A_155] : memref<1536xi32, #tpu.memory_space<vmem>> -> memref<1024xi32, #tpu.memory_space<vmem>>
      tpu.enqueue_dma source(%dma_start3A_156 : memref<1024xi32, #tpu.memory_space<vmem>>) target(%dma_start3A_154 : memref<1024xi32, #tpu.memory_space<vmem_shared>>) target_semaphore(%run_scoped3A : memref<!tpu.dma_semaphore, #tpu.memory_space<semaphore_mem>>)
      %dma_wait3A = arith.constant 0 : i32
      %dma_wait3A_157 = tpu.memref_slice %arg10[%dma_wait3A] : memref<1536xi32, #tpu.memory_space<vmem>> -> memref<1024xi32, #tpu.memory_space<vmem>>
      %dma_wait3A_158 = arith.constant 0 : i32
      %dma_wait3A_159 = tpu.memref_slice %arg21[%arg1, %dma_wait3A_158] : memref<16x1024xi32, #tpu.memory_space<vmem_shared>> -> memref<1x1024xi32, #tpu.memory_space<vmem_shared>>
      %dma_wait3A_160 = tpu.memref_squeeze %dma_wait3A_159 : memref<1x1024xi32, #tpu.memory_space<vmem_shared>> -> memref<1024xi32, #tpu.memory_space<vmem_shared>>
      %dma_wait3A_161 = arith.constant 0 : i32
      %dma_wait3A_162 = tpu.memref_slice %arg21[%arg1, %dma_wait3A_161] : memref<16x1024xi32, #tpu.memory_space<vmem_shared>> -> memref<1x1024xi32, #tpu.memory_space<vmem_shared>>
      %dma_wait3A_163 = tpu.memref_squeeze %dma_wait3A_162 : memref<1x1024xi32, #tpu.memory_space<vmem_shared>> -> memref<1024xi32, #tpu.memory_space<vmem_shared>>
      %dma_wait3A_164 = arith.constant 0 : i32
      %dma_wait3A_165 = tpu.memref_slice %arg10[%dma_wait3A_164] : memref<1536xi32, #tpu.memory_space<vmem>> -> memref<1024xi32, #tpu.memory_space<vmem>>
      tpu.wait_dma2 semaphore(%run_scoped3A : memref<!tpu.dma_semaphore, #tpu.memory_space<semaphore_mem>>) src(%dma_wait3A_165 : memref<1024xi32, #tpu.memory_space<vmem>>) dst(%dma_wait3A_163 : memref<1024xi32, #tpu.memory_space<vmem_shared>>)
      tpu.yield
    }) : () -> ()
    "tpu.region"() ({
      %run_scoped3A = tpu.sem_alloc : memref<!tpu.dma_semaphore, #tpu.memory_space<semaphore_mem>>
      %dma_start3A_147 = arith.constant 0 : i32
      %dma_start3A_148 = tpu.memref_slice %arg22[%arg1, %dma_start3A_147] : memref<16x16xi32, #tpu.memory_space<vmem_shared>> -> memref<1x16xi32, #tpu.memory_space<vmem_shared>>
      %dma_start3A_149 = tpu.memref_squeeze %dma_start3A_148 : memref<1x16xi32, #tpu.memory_space<vmem_shared>> -> memref<16xi32, #tpu.memory_space<vmem_shared>>
      %dma_start3A_150 = arith.constant 0 : i32
      %dma_start3A_151 = tpu.memref_slice %arg22[%arg1, %dma_start3A_150] : memref<16x16xi32, #tpu.memory_space<vmem_shared>> -> memref<1x16xi32, #tpu.memory_space<vmem_shared>>
      %dma_start3A_152 = tpu.memref_squeeze %dma_start3A_151 : memref<1x16xi32, #tpu.memory_space<vmem_shared>> -> memref<16xi32, #tpu.memory_space<vmem_shared>>
      tpu.enqueue_dma source(%arg15 : memref<16xi32, #tpu.memory_space<vmem>>) target(%dma_start3A_152 : memref<16xi32, #tpu.memory_space<vmem_shared>>) target_semaphore(%run_scoped3A : memref<!tpu.dma_semaphore, #tpu.memory_space<semaphore_mem>>)
      %dma_wait3A = arith.constant 0 : i32
      %dma_wait3A_153 = tpu.memref_slice %arg22[%arg1, %dma_wait3A] : memref<16x16xi32, #tpu.memory_space<vmem_shared>> -> memref<1x16xi32, #tpu.memory_space<vmem_shared>>
      %dma_wait3A_154 = tpu.memref_squeeze %dma_wait3A_153 : memref<1x16xi32, #tpu.memory_space<vmem_shared>> -> memref<16xi32, #tpu.memory_space<vmem_shared>>
      %dma_wait3A_155 = arith.constant 0 : i32
      %dma_wait3A_156 = tpu.memref_slice %arg22[%arg1, %dma_wait3A_155] : memref<16x16xi32, #tpu.memory_space<vmem_shared>> -> memref<1x16xi32, #tpu.memory_space<vmem_shared>>
      %dma_wait3A_157 = tpu.memref_squeeze %dma_wait3A_156 : memref<1x16xi32, #tpu.memory_space<vmem_shared>> -> memref<16xi32, #tpu.memory_space<vmem_shared>>
      tpu.wait_dma2 semaphore(%run_scoped3A : memref<!tpu.dma_semaphore, #tpu.memory_space<semaphore_mem>>) src(%arg15 : memref<16xi32, #tpu.memory_space<vmem>>) dst(%dma_wait3A_157 : memref<16xi32, #tpu.memory_space<vmem_shared>>)
      tpu.yield
    }) : () -> ()
    %barrier3A_115 = arith.constant 0 : index
    tpu.barrier barrier_id(%barrier3A_115)
    %convert_element_type3A = arith.extui %eq3A_44 : i1 to i32
    %cond3A = arith.constant 0 : i32
    %cond3A_116 = arith.cmpi ne, %convert_element_type3A, %cond3A : i32
    scf.if %cond3A_116 {
      %add3A_147 = arith.constant 1 : i32
      %add3A_148 = arith.addi %arg1, %add3A_147 : i32
      "tpu.region"() ({
        %run_scoped3A = tpu.sem_alloc : memref<!tpu.dma_semaphore, #tpu.memory_space<semaphore_mem>>
        %dma_start3A_264 = arith.constant 0 : i32
        %dma_start3A_265 = tpu.memref_slice %arg20[%add3A_148, %dma_start3A_264] : memref<16x1024xi32, #tpu.memory_space<vmem_shared>> -> memref<1x1024xi32, #tpu.memory_space<vmem_shared>>
        %dma_start3A_266 = tpu.memref_squeeze %dma_start3A_265 : memref<1x1024xi32, #tpu.memory_space<vmem_shared>> -> memref<1024xi32, #tpu.memory_space<vmem_shared>>
        %dma_start3A_267 = arith.constant 0 : i32
        %dma_start3A_268 = tpu.memref_slice %arg20[%add3A_148, %dma_start3A_267] : memref<16x1024xi32, #tpu.memory_space<vmem_shared>> -> memref<1x1024xi32, #tpu.memory_space<vmem_shared>>
        %dma_start3A_269 = tpu.memref_squeeze %dma_start3A_268 : memref<1x1024xi32, #tpu.memory_space<vmem_shared>> -> memref<1024xi32, #tpu.memory_space<vmem_shared>>
        tpu.enqueue_dma source(%dma_start3A_269 : memref<1024xi32, #tpu.memory_space<vmem_shared>>) target(%arg13 : memref<1024xi32, #tpu.memory_space<vmem>>) target_semaphore(%run_scoped3A : memref<!tpu.dma_semaphore, #tpu.memory_space<semaphore_mem>>)
        %dma_wait3A = arith.constant 0 : i32
        %dma_wait3A_270 = tpu.memref_slice %arg20[%add3A_148, %dma_wait3A] : memref<16x1024xi32, #tpu.memory_space<vmem_shared>> -> memref<1x1024xi32, #tpu.memory_space<vmem_shared>>
        %dma_wait3A_271 = tpu.memref_squeeze %dma_wait3A_270 : memref<1x1024xi32, #tpu.memory_space<vmem_shared>> -> memref<1024xi32, #tpu.memory_space<vmem_shared>>
        %dma_wait3A_272 = arith.constant 0 : i32
        %dma_wait3A_273 = tpu.memref_slice %arg20[%add3A_148, %dma_wait3A_272] : memref<16x1024xi32, #tpu.memory_space<vmem_shared>> -> memref<1x1024xi32, #tpu.memory_space<vmem_shared>>
        %dma_wait3A_274 = tpu.memref_squeeze %dma_wait3A_273 : memref<1x1024xi32, #tpu.memory_space<vmem_shared>> -> memref<1024xi32, #tpu.memory_space<vmem_shared>>
        tpu.wait_dma2 semaphore(%run_scoped3A : memref<!tpu.dma_semaphore, #tpu.memory_space<semaphore_mem>>) src(%dma_wait3A_274 : memref<1024xi32, #tpu.memory_space<vmem_shared>>) dst(%arg13 : memref<1024xi32, #tpu.memory_space<vmem>>)
        tpu.yield
      }) : () -> ()
      %add3A_149 = arith.constant 1 : i32
      %add3A_150 = arith.addi %arg1, %add3A_149 : i32
      "tpu.region"() ({
        %run_scoped3A = tpu.sem_alloc : memref<!tpu.dma_semaphore, #tpu.memory_space<semaphore_mem>>
        %dma_start3A_264 = arith.constant 0 : i32
        %dma_start3A_265 = tpu.memref_slice %arg21[%add3A_150, %dma_start3A_264] : memref<16x1024xi32, #tpu.memory_space<vmem_shared>> -> memref<1x1024xi32, #tpu.memory_space<vmem_shared>>
        %dma_start3A_266 = tpu.memref_squeeze %dma_start3A_265 : memref<1x1024xi32, #tpu.memory_space<vmem_shared>> -> memref<1024xi32, #tpu.memory_space<vmem_shared>>
        %dma_start3A_267 = arith.constant 0 : i32
        %dma_start3A_268 = tpu.memref_slice %arg21[%add3A_150, %dma_start3A_267] : memref<16x1024xi32, #tpu.memory_space<vmem_shared>> -> memref<1x1024xi32, #tpu.memory_space<vmem_shared>>
        %dma_start3A_269 = tpu.memref_squeeze %dma_start3A_268 : memref<1x1024xi32, #tpu.memory_space<vmem_shared>> -> memref<1024xi32, #tpu.memory_space<vmem_shared>>
        tpu.enqueue_dma source(%dma_start3A_269 : memref<1024xi32, #tpu.memory_space<vmem_shared>>) target(%arg14 : memref<1024xi32, #tpu.memory_space<vmem>>) target_semaphore(%run_scoped3A : memref<!tpu.dma_semaphore, #tpu.memory_space<semaphore_mem>>)
        %dma_wait3A = arith.constant 0 : i32
        %dma_wait3A_270 = tpu.memref_slice %arg21[%add3A_150, %dma_wait3A] : memref<16x1024xi32, #tpu.memory_space<vmem_shared>> -> memref<1x1024xi32, #tpu.memory_space<vmem_shared>>
        %dma_wait3A_271 = tpu.memref_squeeze %dma_wait3A_270 : memref<1x1024xi32, #tpu.memory_space<vmem_shared>> -> memref<1024xi32, #tpu.memory_space<vmem_shared>>
        %dma_wait3A_272 = arith.constant 0 : i32
        %dma_wait3A_273 = tpu.memref_slice %arg21[%add3A_150, %dma_wait3A_272] : memref<16x1024xi32, #tpu.memory_space<vmem_shared>> -> memref<1x1024xi32, #tpu.memory_space<vmem_shared>>
        %dma_wait3A_274 = tpu.memref_squeeze %dma_wait3A_273 : memref<1x1024xi32, #tpu.memory_space<vmem_shared>> -> memref<1024xi32, #tpu.memory_space<vmem_shared>>
        tpu.wait_dma2 semaphore(%run_scoped3A : memref<!tpu.dma_semaphore, #tpu.memory_space<semaphore_mem>>) src(%dma_wait3A_274 : memref<1024xi32, #tpu.memory_space<vmem_shared>>) dst(%arg14 : memref<1024xi32, #tpu.memory_space<vmem>>)
        tpu.yield
      }) : () -> ()
      %add3A_151 = arith.constant 1 : i32
      %add3A_152 = arith.addi %arg1, %add3A_151 : i32
      "tpu.region"() ({
        %run_scoped3A = tpu.sem_alloc : memref<!tpu.dma_semaphore, #tpu.memory_space<semaphore_mem>>
        %dma_start3A_264 = arith.constant 0 : i32
        %dma_start3A_265 = tpu.memref_slice %arg22[%add3A_152, %dma_start3A_264] : memref<16x16xi32, #tpu.memory_space<vmem_shared>> -> memref<1x16xi32, #tpu.memory_space<vmem_shared>>
        %dma_start3A_266 = tpu.memref_squeeze %dma_start3A_265 : memref<1x16xi32, #tpu.memory_space<vmem_shared>> -> memref<16xi32, #tpu.memory_space<vmem_shared>>
        %dma_start3A_267 = arith.constant 0 : i32
        %dma_start3A_268 = tpu.memref_slice %arg22[%add3A_152, %dma_start3A_267] : memref<16x16xi32, #tpu.memory_space<vmem_shared>> -> memref<1x16xi32, #tpu.memory_space<vmem_shared>>
        %dma_start3A_269 = tpu.memref_squeeze %dma_start3A_268 : memref<1x16xi32, #tpu.memory_space<vmem_shared>> -> memref<16xi32, #tpu.memory_space<vmem_shared>>
        tpu.enqueue_dma source(%dma_start3A_269 : memref<16xi32, #tpu.memory_space<vmem_shared>>) target(%arg15 : memref<16xi32, #tpu.memory_space<vmem>>) target_semaphore(%run_scoped3A : memref<!tpu.dma_semaphore, #tpu.memory_space<semaphore_mem>>)
        %dma_wait3A = arith.constant 0 : i32
        %dma_wait3A_270 = tpu.memref_slice %arg22[%add3A_152, %dma_wait3A] : memref<16x16xi32, #tpu.memory_space<vmem_shared>> -> memref<1x16xi32, #tpu.memory_space<vmem_shared>>
        %dma_wait3A_271 = tpu.memref_squeeze %dma_wait3A_270 : memref<1x16xi32, #tpu.memory_space<vmem_shared>> -> memref<16xi32, #tpu.memory_space<vmem_shared>>
        %dma_wait3A_272 = arith.constant 0 : i32
        %dma_wait3A_273 = tpu.memref_slice %arg22[%add3A_152, %dma_wait3A_272] : memref<16x16xi32, #tpu.memory_space<vmem_shared>> -> memref<1x16xi32, #tpu.memory_space<vmem_shared>>
        %dma_wait3A_274 = tpu.memref_squeeze %dma_wait3A_273 : memref<1x16xi32, #tpu.memory_space<vmem_shared>> -> memref<16xi32, #tpu.memory_space<vmem_shared>>
        tpu.wait_dma2 semaphore(%run_scoped3A : memref<!tpu.dma_semaphore, #tpu.memory_space<semaphore_mem>>) src(%dma_wait3A_274 : memref<16xi32, #tpu.memory_space<vmem_shared>>) dst(%arg15 : memref<16xi32, #tpu.memory_space<vmem>>)
        tpu.yield
      }) : () -> ()
      %get3A_153 = arith.constant 0 : index
      %get3A_154 = tpu.vector_load %arg15[%get3A_153] {strides = array<i32>} : memref<16xi32, #tpu.memory_space<vmem>>, vector<16xi32>,
      %slice3A_155 = vector.extract_strided_slice %get3A_154 {offsets = [0], sizes = [1], strides = [1]} : vector<16xi32> to vector<1xi32>
      %squeeze3A_156 = vector.extract %slice3A_155[0] : i32 from vector<1xi32>
      %scan3A_157 = arith.constant 0 : i32
      %scan3A_158 = arith.constant 0 : i32
      %scan3A_159 = arith.constant 64 : i32
      %scan3A_160 = arith.addi %scan3A_158, %scan3A_159 : i32
      %scan3A_161 = arith.constant 1 : i32
      %scan3A_162 = scf.for %scan3A_264 = %scan3A_158 to %scan3A_160 step %scan3A_161 iter_args(%scan3A_265 = %scan3A_157) -> (i32)  : i32 {
        %mul3A_266 = arith.constant 16 : i32
        %mul3A_267 = arith.muli %scan3A_264, %mul3A_266 : i32
        %add3A_268 = vector.broadcast %mul3A_267 : i32 to vector<16xi32>
        %add3A_269 = arith.addi %add3A_268, %iota3A : vector<16xi32>
        %add3A_270 = vector.broadcast %scan3A_110 : i32 to vector<16xi32>
        %add3A_271 = arith.addi %add3A_270, %add3A_269 : vector<16xi32>
        %lt3A = vector.broadcast %squeeze3A_156 : i32 to vector<16xi32>
        %lt3A_272 = arith.cmpi slt, %add3A_269, %lt3A : vector<16xi32>
        %lt3A_273 = arith.constant 1536 : i32
        %lt3A_274 = vector.broadcast %lt3A_273 : i32 to vector<16xi32>
        %lt3A_275 = arith.cmpi slt, %add3A_271, %lt3A_274 : vector<16xi32>
        %and3A_276 = arith.andi %lt3A_272, %lt3A_275 : vector<16xi1>
        %mul3A_277 = arith.constant 16 : i32
        %mul3A_278 = arith.muli %scan3A_264, %mul3A_277 : i32
        %get3A_279 = arith.index_cast %mul3A_278 : i32 to index
        %get3A_280 = tpu.vector_load %arg13[%get3A_279] {strides = array<i32>} : memref<1024xi32, #tpu.memory_space<vmem>>, vector<16xi32>,
        %scatter3A = arith.constant 0 : i32
        %scatter3A_281 = tpu.memref_slice %arg9[%scatter3A] : memref<1536xi32, #tpu.memory_space<vmem>> -> memref<1536xi32, #tpu.memory_space<vmem>>
        tpu.vector_store_idx %scatter3A_281[%add3A_271], %get3A_280 masked %and3A_276 : memref<1536xi32, #tpu.memory_space<vmem>>[vector<16xi32>], vector<16xi32>, vector<16xi1>
        %mul3A_282 = arith.constant 16 : i32
        %mul3A_283 = arith.muli %scan3A_264, %mul3A_282 : i32
        %get3A_284 = arith.index_cast %mul3A_283 : i32 to index
        %get3A_285 = tpu.vector_load %arg14[%get3A_284] {strides = array<i32>} : memref<1024xi32, #tpu.memory_space<vmem>>, vector<16xi32>,
        %scatter3A_286 = arith.constant 0 : i32
        %scatter3A_287 = tpu.memref_slice %arg10[%scatter3A_286] : memref<1536xi32, #tpu.memory_space<vmem>> -> memref<1536xi32, #tpu.memory_space<vmem>>
        tpu.vector_store_idx %scatter3A_287[%add3A_271], %get3A_285 masked %and3A_276 : memref<1536xi32, #tpu.memory_space<vmem>>[vector<16xi32>], vector<16xi32>, vector<16xi1>
        %scan3A_288 = arith.constant 0 : i32
        scf.yield %scan3A_288 : i32
      }
      %scan3A_163 = arith.constant 64 : i32
      %scan3A_164 = arith.constant 0 : i32
      %scan3A_165 = arith.constant 0 : i32
      %scan3A_166 = arith.constant 64 : i32
      %scan3A_167 = arith.addi %scan3A_165, %scan3A_166 : i32
      %scan3A_168 = arith.constant 1 : i32
      %scan3A_169 = scf.for %scan3A_264 = %scan3A_165 to %scan3A_167 step %scan3A_168 iter_args(%scan3A_265 = %scan3A_164) -> (i32)  : i32 {
        %mul3A_266 = arith.constant 16 : i32
        %mul3A_267 = arith.muli %scan3A_264, %mul3A_266 : i32
        %swap3A_268 = arith.index_cast %mul3A_267 : i32 to index
        %swap3A_269 = tpu.vector_load %arg7[%swap3A_268] {strides = array<i32>} : memref<4096xi32, #tpu.memory_space<vmem>>, vector<16xi32>,
        tpu.vector_store %arg7[%swap3A_268], %broadcast_in_dim3A_49 {strides = array<i32>} : memref<4096xi32, #tpu.memory_space<vmem>>, vector<16xi32>,
        %scan3A_270 = arith.constant 0 : i32
        scf.yield %scan3A_270 : i32
      }
      %scan3A_170 = arith.constant 64 : i32
      %scan3A_171 = arith.constant 0 : i32
      %scan3A_172 = arith.constant 0 : i32
      %scan3A_173 = arith.constant 96 : i32
      %scan3A_174 = arith.addi %scan3A_172, %scan3A_173 : i32
      %scan3A_175 = arith.constant 1 : i32
      %scan3A_176 = scf.for %scan3A_264 = %scan3A_172 to %scan3A_174 step %scan3A_175 iter_args(%scan3A_265 = %scan3A_171) -> (i32)  : i32 {
        %mul3A_266 = arith.constant 16 : i32
        %mul3A_267 = arith.muli %scan3A_264, %mul3A_266 : i32
        %get3A_268 = arith.index_cast %mul3A_267 : i32 to index
        %get3A_269 = tpu.vector_load %arg9[%get3A_268] {strides = array<i32>} : memref<1536xi32, #tpu.memory_space<vmem>>, vector<16xi32>,
        %sub3A_270 = arith.constant 1073741823 : i32
        %sub3A_271 = vector.broadcast %sub3A_270 : i32 to vector<16xi32>
        %sub3A_272 = arith.subi %sub3A_271, %get3A_269 : vector<16xi32>
        %shift_right_arithmetic3A = arith.constant 0 : i32
        %shift_right_arithmetic3A_273 = vector.broadcast %shift_right_arithmetic3A : i32 to vector<16xi32>
        %shift_right_arithmetic3A_274 = arith.shrsi %sub3A_272, %shift_right_arithmetic3A_273 : vector<16xi32>
        %and3A_275 = arith.constant 1023 : i32
        %and3A_276 = vector.broadcast %and3A_275 : i32 to vector<16xi32>
        %and3A_277 = arith.andi %shift_right_arithmetic3A_274, %and3A_276 : vector<16xi32>
        %scatter3A = arith.constant 0 : i32
        %scatter3A_278 = tpu.memref_slice %arg7[%scatter3A] : memref<4096xi32, #tpu.memory_space<vmem>> -> memref<1024xi32, #tpu.memory_space<vmem>>
        tpu.vector_store_idx %scatter3A_278[%and3A_277], %broadcast_in_dim3A_47 {add = true} : memref<1024xi32, #tpu.memory_space<vmem>>[vector<16xi32>], vector<16xi32>,
        %scan3A_279 = arith.constant 0 : i32
        scf.yield %scan3A_279 : i32
      }
      %scan3A_177 = arith.constant 96 : i32
      %scan3A_178 = arith.constant 0 : i32
      %scan3A_179 = arith.constant 0 : i32
      %scan3A_180 = arith.constant 64 : i32
      %scan3A_181 = arith.addi %scan3A_179, %scan3A_180 : i32
      %scan3A_182 = arith.constant 1 : i32
      %scan3A_183 = scf.for %scan3A_264 = %scan3A_179 to %scan3A_181 step %scan3A_182 iter_args(%scan3A_265 = %scan3A_178) -> (i32)  : i32 {
        %mul3A_266 = arith.constant 16 : i32
        %mul3A_267 = arith.muli %scan3A_264, %mul3A_266 : i32
        %get3A_268 = arith.index_cast %mul3A_267 : i32 to index
        %get3A_269 = tpu.vector_load %arg7[%get3A_268] {strides = array<i32>} : memref<4096xi32, #tpu.memory_space<vmem>>, vector<16xi32>,
        %broadcast_in_dim3A_270 = arith.constant true
        %broadcast_in_dim3A_271 = vector.broadcast %broadcast_in_dim3A_270 : i1 to vector<16xi1>
        %masked_cumsum3A = tpu.scan <sum>, %get3A_269 masked %broadcast_in_dim3A_271 : vector<16xi32>, vector<16xi1> -> vector<16xi32>
        %sub3A_272 = arith.subi %masked_cumsum3A, %get3A_269 : vector<16xi32>
        %add3A_273 = vector.broadcast %scan3A_265 : i32 to vector<16xi32>
        %add3A_274 = arith.addi %sub3A_272, %add3A_273 : vector<16xi32>
        %mul3A_275 = arith.constant 16 : i32
        %mul3A_276 = arith.muli %scan3A_264, %mul3A_275 : i32
        %swap3A_277 = arith.index_cast %mul3A_276 : i32 to index
        %swap3A_278 = tpu.vector_load %arg7[%swap3A_277] {strides = array<i32>} : memref<4096xi32, #tpu.memory_space<vmem>>, vector<16xi32>,
        tpu.vector_store %arg7[%swap3A_277], %add3A_274 {strides = array<i32>} : memref<4096xi32, #tpu.memory_space<vmem>>, vector<16xi32>,
        %reduce_sum3A_279 = arith.constant true
        %reduce_sum3A_280 = vector.broadcast %reduce_sum3A_279 : i1 to vector<16xi1>
        %reduce_sum3A_281 = tpu.scan <sum>, %get3A_269 masked %reduce_sum3A_280 : vector<16xi32>, vector<16xi1> -> vector<16xi32>
        %reduce_sum3A_282 = vector.extract %reduce_sum3A_281[15] : i32 from vector<16xi32>
        %add3A_283 = arith.addi %scan3A_265, %reduce_sum3A_282 : i32
        scf.yield %add3A_283 : i32
      }
      %scan3A_184 = arith.constant 64 : i32
      %scan3A_185 = arith.constant 0 : i32
      %scan3A_186 = arith.constant 0 : i32
      %scan3A_187 = arith.constant 96 : i32
      %scan3A_188 = arith.addi %scan3A_186, %scan3A_187 : i32
      %scan3A_189 = arith.constant 1 : i32
      %scan3A_190 = scf.for %scan3A_264 = %scan3A_186 to %scan3A_188 step %scan3A_189 iter_args(%scan3A_265 = %scan3A_185) -> (i32)  : i32 {
        %mul3A_266 = arith.constant 16 : i32
        %mul3A_267 = arith.muli %scan3A_264, %mul3A_266 : i32
        %get3A_268 = arith.index_cast %mul3A_267 : i32 to index
        %get3A_269 = tpu.vector_load %arg9[%get3A_268] {strides = array<i32>} : memref<1536xi32, #tpu.memory_space<vmem>>, vector<16xi32>,
        %sub3A_270 = arith.constant 1073741823 : i32
        %sub3A_271 = vector.broadcast %sub3A_270 : i32 to vector<16xi32>
        %sub3A_272 = arith.subi %sub3A_271, %get3A_269 : vector<16xi32>
        %shift_right_arithmetic3A = arith.constant 0 : i32
        %shift_right_arithmetic3A_273 = vector.broadcast %shift_right_arithmetic3A : i32 to vector<16xi32>
        %shift_right_arithmetic3A_274 = arith.shrsi %sub3A_272, %shift_right_arithmetic3A_273 : vector<16xi32>
        %and3A_275 = arith.constant 1023 : i32
        %and3A_276 = vector.broadcast %and3A_275 : i32 to vector<16xi32>
        %and3A_277 = arith.andi %shift_right_arithmetic3A_274, %and3A_276 : vector<16xi32>
        %mul3A_278 = arith.constant 16 : i32
        %mul3A_279 = vector.broadcast %mul3A_278 : i32 to vector<16xi32>
        %mul3A_280 = arith.muli %and3A_277, %mul3A_279 : vector<16xi32>
        %add3A_281 = arith.addi %mul3A_280, %iota3A : vector<16xi32>
        %masked_sort3A = arith.constant dense<true> : vector<16xi1>
        %masked_sort3A_282 = arith.constant -2147483648 : i32
        %masked_sort3A_283 = vector.broadcast %masked_sort3A_282 : i32 to vector<16xi32>
        %masked_sort3A_284 = arith.xori %add3A_281, %masked_sort3A_283 : vector<16xi32>
        %masked_sort3A_285, %masked_sort3A_286, %masked_sort3A_287 = tpu.sort %masked_sort3A_284, %iota3A masked %masked_sort3A : (vector<16xi32>, vector<16xi32>, vector<16xi1>) -> (vector<16xi1>, vector<16xi32>, vector<16xi32>)
        %masked_sort3A_288 = arith.xori %masked_sort3A_286, %masked_sort3A_283 : vector<16xi32>
        %shift_right_arithmetic3A_289 = arith.constant 4 : i32
        %shift_right_arithmetic3A_290 = vector.broadcast %shift_right_arithmetic3A_289 : i32 to vector<16xi32>
        %shift_right_arithmetic3A_291 = arith.shrsi %masked_sort3A_288, %shift_right_arithmetic3A_290 : vector<16xi32>
        %swap3A_292 = arith.constant 1 : index
        %swap3A_293 = tpu.vector_load %arg16[%swap3A_292] {strides = array<i32>} : memref<17xi32, #tpu.memory_space<vmem>>, vector<16xi32>,
        tpu.vector_store %arg16[%swap3A_292], %shift_right_arithmetic3A_291 {strides = array<i32>} : memref<17xi32, #tpu.memory_space<vmem>>, vector<16xi32>,
        %get3A_294 = arith.constant 0 : index
        %get3A_295 = tpu.vector_load %arg16[%get3A_294] {strides = array<i32>} : memref<17xi32, #tpu.memory_space<vmem>>, vector<16xi32>,
        %ne3A_296 = arith.cmpi ne, %shift_right_arithmetic3A_291, %get3A_295 : vector<16xi32>
        %jit3A_297 = arith.constant 0 : i32
        %broadcast_in_dim3A_298 = vector.broadcast %jit3A_297 : i32 to vector<16xi32>
        %select_n3A_299 = arith.select %ne3A_296, %iota3A, %broadcast_in_dim3A_298 : vector<16xi1>, vector<16xi32>
        %broadcast_in_dim3A_300 = arith.constant true
        %broadcast_in_dim3A_301 = vector.broadcast %broadcast_in_dim3A_300 : i1 to vector<16xi1>
        %masked_cummax3A = arith.constant -2147483648 : i32
        %masked_cummax3A_302 = vector.broadcast %masked_cummax3A : i32 to vector<16xi32>
        %masked_cummax3A_303 = arith.xori %select_n3A_299, %masked_cummax3A_302 : vector<16xi32>
        %masked_cummax3A_304 = tpu.scan <max>, %masked_cummax3A_303 masked %broadcast_in_dim3A_301 : vector<16xi32>, vector<16xi1> -> vector<16xi32>
        %masked_cummax3A_305 = arith.xori %masked_cummax3A_304, %masked_cummax3A_302 : vector<16xi32>
        %sub3A_306 = arith.subi %iota3A, %masked_cummax3A_305 : vector<16xi32>
        %gather3A = arith.constant 0 : i32
        %gather3A_307 = tpu.memref_slice %arg7[%gather3A] : memref<4096xi32, #tpu.memory_space<vmem>> -> memref<1024xi32, #tpu.memory_space<vmem>>
        %gather3A_308 = tpu.vector_load_idx %gather3A_307[%shift_right_arithmetic3A_291] : memref<1024xi32, #tpu.memory_space<vmem>>[vector<16xi32>], vector<16xi32>,
        %add3A_309 = arith.addi %gather3A_308, %sub3A_306 : vector<16xi32>
        %gather3A_310 = tpu.memref_slice %arg9[%mul3A_267] : memref<1536xi32, #tpu.memory_space<vmem>> -> memref<16xi32, #tpu.memory_space<vmem>>
        %gather3A_311 = tpu.vector_load_idx %gather3A_310[%masked_sort3A_287] : memref<16xi32, #tpu.memory_space<vmem>>[vector<16xi32>], vector<16xi32>,
        %gather3A_312 = tpu.memref_slice %arg10[%mul3A_267] : memref<1536xi32, #tpu.memory_space<vmem>> -> memref<16xi32, #tpu.memory_space<vmem>>
        %gather3A_313 = tpu.vector_load_idx %gather3A_312[%masked_sort3A_287] : memref<16xi32, #tpu.memory_space<vmem>>[vector<16xi32>], vector<16xi32>,
        %scatter3A = arith.constant 0 : i32
        %scatter3A_314 = tpu.memref_slice %arg11[%scatter3A] : memref<1536xi32, #tpu.memory_space<vmem>> -> memref<1536xi32, #tpu.memory_space<vmem>>
        tpu.vector_store_idx %scatter3A_314[%add3A_309], %gather3A_311 : memref<1536xi32, #tpu.memory_space<vmem>>[vector<16xi32>], vector<16xi32>,
        %scatter3A_315 = arith.constant 0 : i32
        %scatter3A_316 = tpu.memref_slice %arg12[%scatter3A_315] : memref<1536xi32, #tpu.memory_space<vmem>> -> memref<1536xi32, #tpu.memory_space<vmem>>
        tpu.vector_store_idx %scatter3A_316[%add3A_309], %gather3A_313 : memref<1536xi32, #tpu.memory_space<vmem>>[vector<16xi32>], vector<16xi32>,
        %add3A_317 = arith.constant 1 : i32
        %add3A_318 = vector.broadcast %add3A_317 : i32 to vector<16xi32>
        %add3A_319 = arith.addi %add3A_309, %add3A_318 : vector<16xi32>
        %scatter3A_320 = arith.constant 0 : i32
        %scatter3A_321 = tpu.memref_slice %arg7[%scatter3A_320] : memref<4096xi32, #tpu.memory_space<vmem>> -> memref<1024xi32, #tpu.memory_space<vmem>>
        tpu.vector_store_idx %scatter3A_321[%shift_right_arithmetic3A_291], %add3A_319 : memref<1024xi32, #tpu.memory_space<vmem>>[vector<16xi32>], vector<16xi32>,
        %scan3A_322 = arith.constant 0 : i32
        scf.yield %scan3A_322 : i32
      }
      %scan3A_191 = arith.constant 96 : i32
      %scan3A_192 = arith.constant 0 : i32
      %scan3A_193 = arith.constant 0 : i32
      %scan3A_194 = arith.constant 64 : i32
      %scan3A_195 = arith.addi %scan3A_193, %scan3A_194 : i32
      %scan3A_196 = arith.constant 1 : i32
      %scan3A_197 = scf.for %scan3A_264 = %scan3A_193 to %scan3A_195 step %scan3A_196 iter_args(%scan3A_265 = %scan3A_192) -> (i32)  : i32 {
        %mul3A_266 = arith.constant 16 : i32
        %mul3A_267 = arith.muli %scan3A_264, %mul3A_266 : i32
        %swap3A_268 = arith.index_cast %mul3A_267 : i32 to index
        %swap3A_269 = tpu.vector_load %arg7[%swap3A_268] {strides = array<i32>} : memref<4096xi32, #tpu.memory_space<vmem>>, vector<16xi32>,
        tpu.vector_store %arg7[%swap3A_268], %broadcast_in_dim3A_49 {strides = array<i32>} : memref<4096xi32, #tpu.memory_space<vmem>>, vector<16xi32>,
        %scan3A_270 = arith.constant 0 : i32
        scf.yield %scan3A_270 : i32
      }
      %scan3A_198 = arith.constant 64 : i32
      %scan3A_199 = arith.constant 0 : i32
      %scan3A_200 = arith.constant 0 : i32
      %scan3A_201 = arith.constant 96 : i32
      %scan3A_202 = arith.addi %scan3A_200, %scan3A_201 : i32
      %scan3A_203 = arith.constant 1 : i32
      %scan3A_204 = scf.for %scan3A_264 = %scan3A_200 to %scan3A_202 step %scan3A_203 iter_args(%scan3A_265 = %scan3A_199) -> (i32)  : i32 {
        %mul3A_266 = arith.constant 16 : i32
        %mul3A_267 = arith.muli %scan3A_264, %mul3A_266 : i32
        %get3A_268 = arith.index_cast %mul3A_267 : i32 to index
        %get3A_269 = tpu.vector_load %arg11[%get3A_268] {strides = array<i32>} : memref<1536xi32, #tpu.memory_space<vmem>>, vector<16xi32>,
        %sub3A_270 = arith.constant 1073741823 : i32
        %sub3A_271 = vector.broadcast %sub3A_270 : i32 to vector<16xi32>
        %sub3A_272 = arith.subi %sub3A_271, %get3A_269 : vector<16xi32>
        %shift_right_arithmetic3A = arith.constant 10 : i32
        %shift_right_arithmetic3A_273 = vector.broadcast %shift_right_arithmetic3A : i32 to vector<16xi32>
        %shift_right_arithmetic3A_274 = arith.shrsi %sub3A_272, %shift_right_arithmetic3A_273 : vector<16xi32>
        %and3A_275 = arith.constant 1023 : i32
        %and3A_276 = vector.broadcast %and3A_275 : i32 to vector<16xi32>
        %and3A_277 = arith.andi %shift_right_arithmetic3A_274, %and3A_276 : vector<16xi32>
        %scatter3A = arith.constant 0 : i32
        %scatter3A_278 = tpu.memref_slice %arg7[%scatter3A] : memref<4096xi32, #tpu.memory_space<vmem>> -> memref<1024xi32, #tpu.memory_space<vmem>>
        tpu.vector_store_idx %scatter3A_278[%and3A_277], %broadcast_in_dim3A_47 {add = true} : memref<1024xi32, #tpu.memory_space<vmem>>[vector<16xi32>], vector<16xi32>,
        %scan3A_279 = arith.constant 0 : i32
        scf.yield %scan3A_279 : i32
      }
      %scan3A_205 = arith.constant 96 : i32
      %scan3A_206 = arith.constant 0 : i32
      %scan3A_207 = arith.constant 0 : i32
      %scan3A_208 = arith.constant 64 : i32
      %scan3A_209 = arith.addi %scan3A_207, %scan3A_208 : i32
      %scan3A_210 = arith.constant 1 : i32
      %scan3A_211 = scf.for %scan3A_264 = %scan3A_207 to %scan3A_209 step %scan3A_210 iter_args(%scan3A_265 = %scan3A_206) -> (i32)  : i32 {
        %mul3A_266 = arith.constant 16 : i32
        %mul3A_267 = arith.muli %scan3A_264, %mul3A_266 : i32
        %get3A_268 = arith.index_cast %mul3A_267 : i32 to index
        %get3A_269 = tpu.vector_load %arg7[%get3A_268] {strides = array<i32>} : memref<4096xi32, #tpu.memory_space<vmem>>, vector<16xi32>,
        %broadcast_in_dim3A_270 = arith.constant true
        %broadcast_in_dim3A_271 = vector.broadcast %broadcast_in_dim3A_270 : i1 to vector<16xi1>
        %masked_cumsum3A = tpu.scan <sum>, %get3A_269 masked %broadcast_in_dim3A_271 : vector<16xi32>, vector<16xi1> -> vector<16xi32>
        %sub3A_272 = arith.subi %masked_cumsum3A, %get3A_269 : vector<16xi32>
        %add3A_273 = vector.broadcast %scan3A_265 : i32 to vector<16xi32>
        %add3A_274 = arith.addi %sub3A_272, %add3A_273 : vector<16xi32>
        %mul3A_275 = arith.constant 16 : i32
        %mul3A_276 = arith.muli %scan3A_264, %mul3A_275 : i32
        %swap3A_277 = arith.index_cast %mul3A_276 : i32 to index
        %swap3A_278 = tpu.vector_load %arg7[%swap3A_277] {strides = array<i32>} : memref<4096xi32, #tpu.memory_space<vmem>>, vector<16xi32>,
        tpu.vector_store %arg7[%swap3A_277], %add3A_274 {strides = array<i32>} : memref<4096xi32, #tpu.memory_space<vmem>>, vector<16xi32>,
        %reduce_sum3A_279 = arith.constant true
        %reduce_sum3A_280 = vector.broadcast %reduce_sum3A_279 : i1 to vector<16xi1>
        %reduce_sum3A_281 = tpu.scan <sum>, %get3A_269 masked %reduce_sum3A_280 : vector<16xi32>, vector<16xi1> -> vector<16xi32>
        %reduce_sum3A_282 = vector.extract %reduce_sum3A_281[15] : i32 from vector<16xi32>
        %add3A_283 = arith.addi %scan3A_265, %reduce_sum3A_282 : i32
        scf.yield %add3A_283 : i32
      }
      %scan3A_212 = arith.constant 64 : i32
      %scan3A_213 = arith.constant 0 : i32
      %scan3A_214 = arith.constant 0 : i32
      %scan3A_215 = arith.constant 96 : i32
      %scan3A_216 = arith.addi %scan3A_214, %scan3A_215 : i32
      %scan3A_217 = arith.constant 1 : i32
      %scan3A_218 = scf.for %scan3A_264 = %scan3A_214 to %scan3A_216 step %scan3A_217 iter_args(%scan3A_265 = %scan3A_213) -> (i32)  : i32 {
        %mul3A_266 = arith.constant 16 : i32
        %mul3A_267 = arith.muli %scan3A_264, %mul3A_266 : i32
        %get3A_268 = arith.index_cast %mul3A_267 : i32 to index
        %get3A_269 = tpu.vector_load %arg11[%get3A_268] {strides = array<i32>} : memref<1536xi32, #tpu.memory_space<vmem>>, vector<16xi32>,
        %sub3A_270 = arith.constant 1073741823 : i32
        %sub3A_271 = vector.broadcast %sub3A_270 : i32 to vector<16xi32>
        %sub3A_272 = arith.subi %sub3A_271, %get3A_269 : vector<16xi32>
        %shift_right_arithmetic3A = arith.constant 10 : i32
        %shift_right_arithmetic3A_273 = vector.broadcast %shift_right_arithmetic3A : i32 to vector<16xi32>
        %shift_right_arithmetic3A_274 = arith.shrsi %sub3A_272, %shift_right_arithmetic3A_273 : vector<16xi32>
        %and3A_275 = arith.constant 1023 : i32
        %and3A_276 = vector.broadcast %and3A_275 : i32 to vector<16xi32>
        %and3A_277 = arith.andi %shift_right_arithmetic3A_274, %and3A_276 : vector<16xi32>
        %mul3A_278 = arith.constant 16 : i32
        %mul3A_279 = vector.broadcast %mul3A_278 : i32 to vector<16xi32>
        %mul3A_280 = arith.muli %and3A_277, %mul3A_279 : vector<16xi32>
        %add3A_281 = arith.addi %mul3A_280, %iota3A : vector<16xi32>
        %masked_sort3A = arith.constant dense<true> : vector<16xi1>
        %masked_sort3A_282 = arith.constant -2147483648 : i32
        %masked_sort3A_283 = vector.broadcast %masked_sort3A_282 : i32 to vector<16xi32>
        %masked_sort3A_284 = arith.xori %add3A_281, %masked_sort3A_283 : vector<16xi32>
        %masked_sort3A_285, %masked_sort3A_286, %masked_sort3A_287 = tpu.sort %masked_sort3A_284, %iota3A masked %masked_sort3A : (vector<16xi32>, vector<16xi32>, vector<16xi1>) -> (vector<16xi1>, vector<16xi32>, vector<16xi32>)
        %masked_sort3A_288 = arith.xori %masked_sort3A_286, %masked_sort3A_283 : vector<16xi32>
        %shift_right_arithmetic3A_289 = arith.constant 4 : i32
        %shift_right_arithmetic3A_290 = vector.broadcast %shift_right_arithmetic3A_289 : i32 to vector<16xi32>
        %shift_right_arithmetic3A_291 = arith.shrsi %masked_sort3A_288, %shift_right_arithmetic3A_290 : vector<16xi32>
        %swap3A_292 = arith.constant 1 : index
        %swap3A_293 = tpu.vector_load %arg16[%swap3A_292] {strides = array<i32>} : memref<17xi32, #tpu.memory_space<vmem>>, vector<16xi32>,
        tpu.vector_store %arg16[%swap3A_292], %shift_right_arithmetic3A_291 {strides = array<i32>} : memref<17xi32, #tpu.memory_space<vmem>>, vector<16xi32>,
        %get3A_294 = arith.constant 0 : index
        %get3A_295 = tpu.vector_load %arg16[%get3A_294] {strides = array<i32>} : memref<17xi32, #tpu.memory_space<vmem>>, vector<16xi32>,
        %ne3A_296 = arith.cmpi ne, %shift_right_arithmetic3A_291, %get3A_295 : vector<16xi32>
        %jit3A_297 = arith.constant 0 : i32
        %broadcast_in_dim3A_298 = vector.broadcast %jit3A_297 : i32 to vector<16xi32>
        %select_n3A_299 = arith.select %ne3A_296, %iota3A, %broadcast_in_dim3A_298 : vector<16xi1>, vector<16xi32>
        %broadcast_in_dim3A_300 = arith.constant true
        %broadcast_in_dim3A_301 = vector.broadcast %broadcast_in_dim3A_300 : i1 to vector<16xi1>
        %masked_cummax3A = arith.constant -2147483648 : i32
        %masked_cummax3A_302 = vector.broadcast %masked_cummax3A : i32 to vector<16xi32>
        %masked_cummax3A_303 = arith.xori %select_n3A_299, %masked_cummax3A_302 : vector<16xi32>
        %masked_cummax3A_304 = tpu.scan <max>, %masked_cummax3A_303 masked %broadcast_in_dim3A_301 : vector<16xi32>, vector<16xi1> -> vector<16xi32>
        %masked_cummax3A_305 = arith.xori %masked_cummax3A_304, %masked_cummax3A_302 : vector<16xi32>
        %sub3A_306 = arith.subi %iota3A, %masked_cummax3A_305 : vector<16xi32>
        %gather3A = arith.constant 0 : i32
        %gather3A_307 = tpu.memref_slice %arg7[%gather3A] : memref<4096xi32, #tpu.memory_space<vmem>> -> memref<1024xi32, #tpu.memory_space<vmem>>
        %gather3A_308 = tpu.vector_load_idx %gather3A_307[%shift_right_arithmetic3A_291] : memref<1024xi32, #tpu.memory_space<vmem>>[vector<16xi32>], vector<16xi32>,
        %add3A_309 = arith.addi %gather3A_308, %sub3A_306 : vector<16xi32>
        %gather3A_310 = tpu.memref_slice %arg11[%mul3A_267] : memref<1536xi32, #tpu.memory_space<vmem>> -> memref<16xi32, #tpu.memory_space<vmem>>
        %gather3A_311 = tpu.vector_load_idx %gather3A_310[%masked_sort3A_287] : memref<16xi32, #tpu.memory_space<vmem>>[vector<16xi32>], vector<16xi32>,
        %gather3A_312 = tpu.memref_slice %arg12[%mul3A_267] : memref<1536xi32, #tpu.memory_space<vmem>> -> memref<16xi32, #tpu.memory_space<vmem>>
        %gather3A_313 = tpu.vector_load_idx %gather3A_312[%masked_sort3A_287] : memref<16xi32, #tpu.memory_space<vmem>>[vector<16xi32>], vector<16xi32>,
        %scatter3A = arith.constant 0 : i32
        %scatter3A_314 = tpu.memref_slice %arg9[%scatter3A] : memref<1536xi32, #tpu.memory_space<vmem>> -> memref<1536xi32, #tpu.memory_space<vmem>>
        tpu.vector_store_idx %scatter3A_314[%add3A_309], %gather3A_311 : memref<1536xi32, #tpu.memory_space<vmem>>[vector<16xi32>], vector<16xi32>,
        %scatter3A_315 = arith.constant 0 : i32
        %scatter3A_316 = tpu.memref_slice %arg10[%scatter3A_315] : memref<1536xi32, #tpu.memory_space<vmem>> -> memref<1536xi32, #tpu.memory_space<vmem>>
        tpu.vector_store_idx %scatter3A_316[%add3A_309], %gather3A_313 : memref<1536xi32, #tpu.memory_space<vmem>>[vector<16xi32>], vector<16xi32>,
        %add3A_317 = arith.constant 1 : i32
        %add3A_318 = vector.broadcast %add3A_317 : i32 to vector<16xi32>
        %add3A_319 = arith.addi %add3A_309, %add3A_318 : vector<16xi32>
        %scatter3A_320 = arith.constant 0 : i32
        %scatter3A_321 = tpu.memref_slice %arg7[%scatter3A_320] : memref<4096xi32, #tpu.memory_space<vmem>> -> memref<1024xi32, #tpu.memory_space<vmem>>
        tpu.vector_store_idx %scatter3A_321[%shift_right_arithmetic3A_291], %add3A_319 : memref<1024xi32, #tpu.memory_space<vmem>>[vector<16xi32>], vector<16xi32>,
        %scan3A_322 = arith.constant 0 : i32
        scf.yield %scan3A_322 : i32
      }
      %scan3A_219 = arith.constant 96 : i32
      %scan3A_220 = arith.constant 0 : i32
      %scan3A_221 = arith.constant 0 : i32
      %scan3A_222 = arith.constant 64 : i32
      %scan3A_223 = arith.addi %scan3A_221, %scan3A_222 : i32
      %scan3A_224 = arith.constant 1 : i32
      %scan3A_225 = scf.for %scan3A_264 = %scan3A_221 to %scan3A_223 step %scan3A_224 iter_args(%scan3A_265 = %scan3A_220) -> (i32)  : i32 {
        %mul3A_266 = arith.constant 16 : i32
        %mul3A_267 = arith.muli %scan3A_264, %mul3A_266 : i32
        %swap3A_268 = arith.index_cast %mul3A_267 : i32 to index
        %swap3A_269 = tpu.vector_load %arg7[%swap3A_268] {strides = array<i32>} : memref<4096xi32, #tpu.memory_space<vmem>>, vector<16xi32>,
        tpu.vector_store %arg7[%swap3A_268], %broadcast_in_dim3A_49 {strides = array<i32>} : memref<4096xi32, #tpu.memory_space<vmem>>, vector<16xi32>,
        %scan3A_270 = arith.constant 0 : i32
        scf.yield %scan3A_270 : i32
      }
      %scan3A_226 = arith.constant 64 : i32
      %scan3A_227 = arith.constant 0 : i32
      %scan3A_228 = arith.constant 0 : i32
      %scan3A_229 = arith.constant 96 : i32
      %scan3A_230 = arith.addi %scan3A_228, %scan3A_229 : i32
      %scan3A_231 = arith.constant 1 : i32
      %scan3A_232 = scf.for %scan3A_264 = %scan3A_228 to %scan3A_230 step %scan3A_231 iter_args(%scan3A_265 = %scan3A_227) -> (i32)  : i32 {
        %mul3A_266 = arith.constant 16 : i32
        %mul3A_267 = arith.muli %scan3A_264, %mul3A_266 : i32
        %get3A_268 = arith.index_cast %mul3A_267 : i32 to index
        %get3A_269 = tpu.vector_load %arg9[%get3A_268] {strides = array<i32>} : memref<1536xi32, #tpu.memory_space<vmem>>, vector<16xi32>,
        %sub3A_270 = arith.constant 1073741823 : i32
        %sub3A_271 = vector.broadcast %sub3A_270 : i32 to vector<16xi32>
        %sub3A_272 = arith.subi %sub3A_271, %get3A_269 : vector<16xi32>
        %shift_right_arithmetic3A = arith.constant 20 : i32
        %shift_right_arithmetic3A_273 = vector.broadcast %shift_right_arithmetic3A : i32 to vector<16xi32>
        %shift_right_arithmetic3A_274 = arith.shrsi %sub3A_272, %shift_right_arithmetic3A_273 : vector<16xi32>
        %and3A_275 = arith.constant 1023 : i32
        %and3A_276 = vector.broadcast %and3A_275 : i32 to vector<16xi32>
        %and3A_277 = arith.andi %shift_right_arithmetic3A_274, %and3A_276 : vector<16xi32>
        %scatter3A = arith.constant 0 : i32
        %scatter3A_278 = tpu.memref_slice %arg7[%scatter3A] : memref<4096xi32, #tpu.memory_space<vmem>> -> memref<1024xi32, #tpu.memory_space<vmem>>
        tpu.vector_store_idx %scatter3A_278[%and3A_277], %broadcast_in_dim3A_47 {add = true} : memref<1024xi32, #tpu.memory_space<vmem>>[vector<16xi32>], vector<16xi32>,
        %scan3A_279 = arith.constant 0 : i32
        scf.yield %scan3A_279 : i32
      }
      %scan3A_233 = arith.constant 96 : i32
      %scan3A_234 = arith.constant 0 : i32
      %scan3A_235 = arith.constant 0 : i32
      %scan3A_236 = arith.constant 64 : i32
      %scan3A_237 = arith.addi %scan3A_235, %scan3A_236 : i32
      %scan3A_238 = arith.constant 1 : i32
      %scan3A_239 = scf.for %scan3A_264 = %scan3A_235 to %scan3A_237 step %scan3A_238 iter_args(%scan3A_265 = %scan3A_234) -> (i32)  : i32 {
        %mul3A_266 = arith.constant 16 : i32
        %mul3A_267 = arith.muli %scan3A_264, %mul3A_266 : i32
        %get3A_268 = arith.index_cast %mul3A_267 : i32 to index
        %get3A_269 = tpu.vector_load %arg7[%get3A_268] {strides = array<i32>} : memref<4096xi32, #tpu.memory_space<vmem>>, vector<16xi32>,
        %broadcast_in_dim3A_270 = arith.constant true
        %broadcast_in_dim3A_271 = vector.broadcast %broadcast_in_dim3A_270 : i1 to vector<16xi1>
        %masked_cumsum3A = tpu.scan <sum>, %get3A_269 masked %broadcast_in_dim3A_271 : vector<16xi32>, vector<16xi1> -> vector<16xi32>
        %sub3A_272 = arith.subi %masked_cumsum3A, %get3A_269 : vector<16xi32>
        %add3A_273 = vector.broadcast %scan3A_265 : i32 to vector<16xi32>
        %add3A_274 = arith.addi %sub3A_272, %add3A_273 : vector<16xi32>
        %mul3A_275 = arith.constant 16 : i32
        %mul3A_276 = arith.muli %scan3A_264, %mul3A_275 : i32
        %swap3A_277 = arith.index_cast %mul3A_276 : i32 to index
        %swap3A_278 = tpu.vector_load %arg7[%swap3A_277] {strides = array<i32>} : memref<4096xi32, #tpu.memory_space<vmem>>, vector<16xi32>,
        tpu.vector_store %arg7[%swap3A_277], %add3A_274 {strides = array<i32>} : memref<4096xi32, #tpu.memory_space<vmem>>, vector<16xi32>,
        %reduce_sum3A_279 = arith.constant true
        %reduce_sum3A_280 = vector.broadcast %reduce_sum3A_279 : i1 to vector<16xi1>
        %reduce_sum3A_281 = tpu.scan <sum>, %get3A_269 masked %reduce_sum3A_280 : vector<16xi32>, vector<16xi1> -> vector<16xi32>
        %reduce_sum3A_282 = vector.extract %reduce_sum3A_281[15] : i32 from vector<16xi32>
        %add3A_283 = arith.addi %scan3A_265, %reduce_sum3A_282 : i32
        scf.yield %add3A_283 : i32
      }
      %scan3A_240 = arith.constant 64 : i32
      %scan3A_241 = arith.constant 0 : i32
      %scan3A_242 = arith.constant 0 : i32
      %scan3A_243 = arith.constant 96 : i32
      %scan3A_244 = arith.addi %scan3A_242, %scan3A_243 : i32
      %scan3A_245 = arith.constant 1 : i32
      %scan3A_246 = scf.for %scan3A_264 = %scan3A_242 to %scan3A_244 step %scan3A_245 iter_args(%scan3A_265 = %scan3A_241) -> (i32)  : i32 {
        %mul3A_266 = arith.constant 16 : i32
        %mul3A_267 = arith.muli %scan3A_264, %mul3A_266 : i32
        %get3A_268 = arith.index_cast %mul3A_267 : i32 to index
        %get3A_269 = tpu.vector_load %arg9[%get3A_268] {strides = array<i32>} : memref<1536xi32, #tpu.memory_space<vmem>>, vector<16xi32>,
        %sub3A_270 = arith.constant 1073741823 : i32
        %sub3A_271 = vector.broadcast %sub3A_270 : i32 to vector<16xi32>
        %sub3A_272 = arith.subi %sub3A_271, %get3A_269 : vector<16xi32>
        %shift_right_arithmetic3A = arith.constant 20 : i32
        %shift_right_arithmetic3A_273 = vector.broadcast %shift_right_arithmetic3A : i32 to vector<16xi32>
        %shift_right_arithmetic3A_274 = arith.shrsi %sub3A_272, %shift_right_arithmetic3A_273 : vector<16xi32>
        %and3A_275 = arith.constant 1023 : i32
        %and3A_276 = vector.broadcast %and3A_275 : i32 to vector<16xi32>
        %and3A_277 = arith.andi %shift_right_arithmetic3A_274, %and3A_276 : vector<16xi32>
        %mul3A_278 = arith.constant 16 : i32
        %mul3A_279 = vector.broadcast %mul3A_278 : i32 to vector<16xi32>
        %mul3A_280 = arith.muli %and3A_277, %mul3A_279 : vector<16xi32>
        %add3A_281 = arith.addi %mul3A_280, %iota3A : vector<16xi32>
        %masked_sort3A = arith.constant dense<true> : vector<16xi1>
        %masked_sort3A_282 = arith.constant -2147483648 : i32
        %masked_sort3A_283 = vector.broadcast %masked_sort3A_282 : i32 to vector<16xi32>
        %masked_sort3A_284 = arith.xori %add3A_281, %masked_sort3A_283 : vector<16xi32>
        %masked_sort3A_285, %masked_sort3A_286, %masked_sort3A_287 = tpu.sort %masked_sort3A_284, %iota3A masked %masked_sort3A : (vector<16xi32>, vector<16xi32>, vector<16xi1>) -> (vector<16xi1>, vector<16xi32>, vector<16xi32>)
        %masked_sort3A_288 = arith.xori %masked_sort3A_286, %masked_sort3A_283 : vector<16xi32>
        %shift_right_arithmetic3A_289 = arith.constant 4 : i32
        %shift_right_arithmetic3A_290 = vector.broadcast %shift_right_arithmetic3A_289 : i32 to vector<16xi32>
        %shift_right_arithmetic3A_291 = arith.shrsi %masked_sort3A_288, %shift_right_arithmetic3A_290 : vector<16xi32>
        %swap3A_292 = arith.constant 1 : index
        %swap3A_293 = tpu.vector_load %arg16[%swap3A_292] {strides = array<i32>} : memref<17xi32, #tpu.memory_space<vmem>>, vector<16xi32>,
        tpu.vector_store %arg16[%swap3A_292], %shift_right_arithmetic3A_291 {strides = array<i32>} : memref<17xi32, #tpu.memory_space<vmem>>, vector<16xi32>,
        %get3A_294 = arith.constant 0 : index
        %get3A_295 = tpu.vector_load %arg16[%get3A_294] {strides = array<i32>} : memref<17xi32, #tpu.memory_space<vmem>>, vector<16xi32>,
        %ne3A_296 = arith.cmpi ne, %shift_right_arithmetic3A_291, %get3A_295 : vector<16xi32>
        %jit3A_297 = arith.constant 0 : i32
        %broadcast_in_dim3A_298 = vector.broadcast %jit3A_297 : i32 to vector<16xi32>
        %select_n3A_299 = arith.select %ne3A_296, %iota3A, %broadcast_in_dim3A_298 : vector<16xi1>, vector<16xi32>
        %broadcast_in_dim3A_300 = arith.constant true
        %broadcast_in_dim3A_301 = vector.broadcast %broadcast_in_dim3A_300 : i1 to vector<16xi1>
        %masked_cummax3A = arith.constant -2147483648 : i32
        %masked_cummax3A_302 = vector.broadcast %masked_cummax3A : i32 to vector<16xi32>
        %masked_cummax3A_303 = arith.xori %select_n3A_299, %masked_cummax3A_302 : vector<16xi32>
        %masked_cummax3A_304 = tpu.scan <max>, %masked_cummax3A_303 masked %broadcast_in_dim3A_301 : vector<16xi32>, vector<16xi1> -> vector<16xi32>
        %masked_cummax3A_305 = arith.xori %masked_cummax3A_304, %masked_cummax3A_302 : vector<16xi32>
        %sub3A_306 = arith.subi %iota3A, %masked_cummax3A_305 : vector<16xi32>
        %gather3A = arith.constant 0 : i32
        %gather3A_307 = tpu.memref_slice %arg7[%gather3A] : memref<4096xi32, #tpu.memory_space<vmem>> -> memref<1024xi32, #tpu.memory_space<vmem>>
        %gather3A_308 = tpu.vector_load_idx %gather3A_307[%shift_right_arithmetic3A_291] : memref<1024xi32, #tpu.memory_space<vmem>>[vector<16xi32>], vector<16xi32>,
        %add3A_309 = arith.addi %gather3A_308, %sub3A_306 : vector<16xi32>
        %gather3A_310 = tpu.memref_slice %arg9[%mul3A_267] : memref<1536xi32, #tpu.memory_space<vmem>> -> memref<16xi32, #tpu.memory_space<vmem>>
        %gather3A_311 = tpu.vector_load_idx %gather3A_310[%masked_sort3A_287] : memref<16xi32, #tpu.memory_space<vmem>>[vector<16xi32>], vector<16xi32>,
        %gather3A_312 = tpu.memref_slice %arg10[%mul3A_267] : memref<1536xi32, #tpu.memory_space<vmem>> -> memref<16xi32, #tpu.memory_space<vmem>>
        %gather3A_313 = tpu.vector_load_idx %gather3A_312[%masked_sort3A_287] : memref<16xi32, #tpu.memory_space<vmem>>[vector<16xi32>], vector<16xi32>,
        %scatter3A = arith.constant 0 : i32
        %scatter3A_314 = tpu.memref_slice %arg11[%scatter3A] : memref<1536xi32, #tpu.memory_space<vmem>> -> memref<1536xi32, #tpu.memory_space<vmem>>
        tpu.vector_store_idx %scatter3A_314[%add3A_309], %gather3A_311 : memref<1536xi32, #tpu.memory_space<vmem>>[vector<16xi32>], vector<16xi32>,
        %scatter3A_315 = arith.constant 0 : i32
        %scatter3A_316 = tpu.memref_slice %arg12[%scatter3A_315] : memref<1536xi32, #tpu.memory_space<vmem>> -> memref<1536xi32, #tpu.memory_space<vmem>>
        tpu.vector_store_idx %scatter3A_316[%add3A_309], %gather3A_313 : memref<1536xi32, #tpu.memory_space<vmem>>[vector<16xi32>], vector<16xi32>,
        %add3A_317 = arith.constant 1 : i32
        %add3A_318 = vector.broadcast %add3A_317 : i32 to vector<16xi32>
        %add3A_319 = arith.addi %add3A_309, %add3A_318 : vector<16xi32>
        %scatter3A_320 = arith.constant 0 : i32
        %scatter3A_321 = tpu.memref_slice %arg7[%scatter3A_320] : memref<4096xi32, #tpu.memory_space<vmem>> -> memref<1024xi32, #tpu.memory_space<vmem>>
        tpu.vector_store_idx %scatter3A_321[%shift_right_arithmetic3A_291], %add3A_319 : memref<1024xi32, #tpu.memory_space<vmem>>[vector<16xi32>], vector<16xi32>,
        %scan3A_322 = arith.constant 0 : i32
        scf.yield %scan3A_322 : i32
      }
      %scan3A_247 = arith.constant 96 : i32
      %scan3A_248 = arith.constant 0 : i32
      %scan3A_249 = arith.constant 63 : i32
      %scan3A_250 = arith.addi %scan3A_248, %scan3A_249 : i32
      %scan3A_251 = arith.constant 1 : i32
      %scan3A_252 = scf.for %scan3A_264 = %scan3A_248 to %scan3A_250 step %scan3A_251 iter_args(%scan3A_265 = %broadcast_in_dim3A_49) -> (vector<16xi32>)  : i32 {
        %mul3A_266 = arith.constant 16 : i32
        %mul3A_267 = arith.muli %scan3A_264, %mul3A_266 : i32
        %get3A_268 = arith.index_cast %mul3A_267 : i32 to index
        %get3A_269 = tpu.vector_load %arg11[%get3A_268] {strides = array<i32>} : memref<1536xi32, #tpu.memory_space<vmem>>, vector<16xi32>,
        %mul3A_270 = arith.constant 16 : i32
        %mul3A_271 = arith.muli %scan3A_264, %mul3A_270 : i32
        %add3A_272 = vector.broadcast %mul3A_271 : i32 to vector<16xi32>
        %add3A_273 = arith.addi %add3A_272, %iota3A : vector<16xi32>
        %gt3A = arith.constant 1048576000 : i32
        %gt3A_274 = vector.broadcast %gt3A : i32 to vector<16xi32>
        %gt3A_275 = arith.cmpi sgt, %get3A_269, %gt3A_274 : vector<16xi32>
        %lt3A = arith.constant 1000 : i32
        %lt3A_276 = vector.broadcast %lt3A : i32 to vector<16xi32>
        %lt3A_277 = arith.cmpi slt, %add3A_273, %lt3A_276 : vector<16xi32>
        %and3A_278 = arith.andi %gt3A_275, %lt3A_277 : vector<16xi1>
        %jit3A_279 = arith.constant 1 : i32
        %jit3A_280 = arith.constant 0 : i32
        %broadcast_in_dim3A_281 = vector.broadcast %jit3A_279 : i32 to vector<16xi32>
        %broadcast_in_dim3A_282 = vector.broadcast %jit3A_280 : i32 to vector<16xi32>
        %select_n3A_283 = arith.select %and3A_278, %broadcast_in_dim3A_281, %broadcast_in_dim3A_282 : vector<16xi1>, vector<16xi32>
        %add3A_284 = arith.addi %scan3A_265, %select_n3A_283 : vector<16xi32>
        scf.yield %add3A_284 : vector<16xi32>
      }
      %scan3A_253 = arith.constant 63 : i32
      %mul3A_254 = arith.constant 0 : i32
      %mul3A_255 = vector.broadcast %mul3A_254 : i32 to vector<16xi32>
      %mul3A_256 = arith.muli %scan3A_252, %mul3A_255 : vector<16xi32>
      %reduce_sum3A = arith.constant true
      %reduce_sum3A_257 = vector.broadcast %reduce_sum3A : i1 to vector<16xi1>
      %reduce_sum3A_258 = tpu.scan <sum>, %scan3A_252 masked %reduce_sum3A_257 : vector<16xi32>, vector<16xi1> -> vector<16xi32>
      %reduce_sum3A_259 = vector.extract %reduce_sum3A_258[15] : i32 from vector<16xi32>
      %add3A_260 = vector.broadcast %reduce_sum3A_259 : i32 to vector<16xi32>
      %add3A_261 = arith.addi %mul3A_256, %add3A_260 : vector<16xi32>
      %swap3A_262 = arith.constant 0 : index
      %swap3A_263 = tpu.vector_load %arg15[%swap3A_262] {strides = array<i32>} : memref<16xi32, #tpu.memory_space<vmem>>, vector<16xi32>,
      tpu.vector_store %arg15[%swap3A_262], %add3A_261 {strides = array<i32>} : memref<16xi32, #tpu.memory_space<vmem>>, vector<16xi32>,
      "tpu.region"() ({
        %run_scoped3A = tpu.sem_alloc : memref<!tpu.dma_semaphore, #tpu.memory_space<semaphore_mem>>
        %dma_start3A_264 = arith.constant 0 : i32
        %dma_start3A_265 = tpu.memref_slice %arg12[%dma_start3A_264] : memref<1536xi32, #tpu.memory_space<vmem>> -> memref<1024xi32, #tpu.memory_space<vmem>>
        %dma_start3A_266 = arith.constant 0 : i32
        %dma_start3A_267 = tpu.memref_slice %arg21[%arg1, %dma_start3A_266] : memref<16x1024xi32, #tpu.memory_space<vmem_shared>> -> memref<1x1024xi32, #tpu.memory_space<vmem_shared>>
        %dma_start3A_268 = tpu.memref_squeeze %dma_start3A_267 : memref<1x1024xi32, #tpu.memory_space<vmem_shared>> -> memref<1024xi32, #tpu.memory_space<vmem_shared>>
        %dma_start3A_269 = arith.constant 0 : i32
        %dma_start3A_270 = tpu.memref_slice %arg21[%arg1, %dma_start3A_269] : memref<16x1024xi32, #tpu.memory_space<vmem_shared>> -> memref<1x1024xi32, #tpu.memory_space<vmem_shared>>
        %dma_start3A_271 = tpu.memref_squeeze %dma_start3A_270 : memref<1x1024xi32, #tpu.memory_space<vmem_shared>> -> memref<1024xi32, #tpu.memory_space<vmem_shared>>
        %dma_start3A_272 = arith.constant 0 : i32
        %dma_start3A_273 = tpu.memref_slice %arg12[%dma_start3A_272] : memref<1536xi32, #tpu.memory_space<vmem>> -> memref<1024xi32, #tpu.memory_space<vmem>>
        tpu.enqueue_dma source(%dma_start3A_273 : memref<1024xi32, #tpu.memory_space<vmem>>) target(%dma_start3A_271 : memref<1024xi32, #tpu.memory_space<vmem_shared>>) target_semaphore(%run_scoped3A : memref<!tpu.dma_semaphore, #tpu.memory_space<semaphore_mem>>)
        %dma_wait3A = arith.constant 0 : i32
        %dma_wait3A_274 = tpu.memref_slice %arg12[%dma_wait3A] : memref<1536xi32, #tpu.memory_space<vmem>> -> memref<1024xi32, #tpu.memory_space<vmem>>
        %dma_wait3A_275 = arith.constant 0 : i32
        %dma_wait3A_276 = tpu.memref_slice %arg21[%arg1, %dma_wait3A_275] : memref<16x1024xi32, #tpu.memory_space<vmem_shared>> -> memref<1x1024xi32, #tpu.memory_space<vmem_shared>>
        %dma_wait3A_277 = tpu.memref_squeeze %dma_wait3A_276 : memref<1x1024xi32, #tpu.memory_space<vmem_shared>> -> memref<1024xi32, #tpu.memory_space<vmem_shared>>
        %dma_wait3A_278 = arith.constant 0 : i32
        %dma_wait3A_279 = tpu.memref_slice %arg21[%arg1, %dma_wait3A_278] : memref<16x1024xi32, #tpu.memory_space<vmem_shared>> -> memref<1x1024xi32, #tpu.memory_space<vmem_shared>>
        %dma_wait3A_280 = tpu.memref_squeeze %dma_wait3A_279 : memref<1x1024xi32, #tpu.memory_space<vmem_shared>> -> memref<1024xi32, #tpu.memory_space<vmem_shared>>
        %dma_wait3A_281 = arith.constant 0 : i32
        %dma_wait3A_282 = tpu.memref_slice %arg12[%dma_wait3A_281] : memref<1536xi32, #tpu.memory_space<vmem>> -> memref<1024xi32, #tpu.memory_space<vmem>>
        tpu.wait_dma2 semaphore(%run_scoped3A : memref<!tpu.dma_semaphore, #tpu.memory_space<semaphore_mem>>) src(%dma_wait3A_282 : memref<1024xi32, #tpu.memory_space<vmem>>) dst(%dma_wait3A_280 : memref<1024xi32, #tpu.memory_space<vmem_shared>>)
        tpu.yield
      }) : () -> ()
      "tpu.region"() ({
        %run_scoped3A = tpu.sem_alloc : memref<!tpu.dma_semaphore, #tpu.memory_space<semaphore_mem>>
        %dma_start3A_264 = arith.constant 0 : i32
        %dma_start3A_265 = tpu.memref_slice %arg22[%arg1, %dma_start3A_264] : memref<16x16xi32, #tpu.memory_space<vmem_shared>> -> memref<1x16xi32, #tpu.memory_space<vmem_shared>>
        %dma_start3A_266 = tpu.memref_squeeze %dma_start3A_265 : memref<1x16xi32, #tpu.memory_space<vmem_shared>> -> memref<16xi32, #tpu.memory_space<vmem_shared>>
        %dma_start3A_267 = arith.constant 0 : i32
        %dma_start3A_268 = tpu.memref_slice %arg22[%arg1, %dma_start3A_267] : memref<16x16xi32, #tpu.memory_space<vmem_shared>> -> memref<1x16xi32, #tpu.memory_space<vmem_shared>>
        %dma_start3A_269 = tpu.memref_squeeze %dma_start3A_268 : memref<1x16xi32, #tpu.memory_space<vmem_shared>> -> memref<16xi32, #tpu.memory_space<vmem_shared>>
        tpu.enqueue_dma source(%arg15 : memref<16xi32, #tpu.memory_space<vmem>>) target(%dma_start3A_269 : memref<16xi32, #tpu.memory_space<vmem_shared>>) target_semaphore(%run_scoped3A : memref<!tpu.dma_semaphore, #tpu.memory_space<semaphore_mem>>)
        %dma_wait3A = arith.constant 0 : i32
        %dma_wait3A_270 = tpu.memref_slice %arg22[%arg1, %dma_wait3A] : memref<16x16xi32, #tpu.memory_space<vmem_shared>> -> memref<1x16xi32, #tpu.memory_space<vmem_shared>>
        %dma_wait3A_271 = tpu.memref_squeeze %dma_wait3A_270 : memref<1x16xi32, #tpu.memory_space<vmem_shared>> -> memref<16xi32, #tpu.memory_space<vmem_shared>>
        %dma_wait3A_272 = arith.constant 0 : i32
        %dma_wait3A_273 = tpu.memref_slice %arg22[%arg1, %dma_wait3A_272] : memref<16x16xi32, #tpu.memory_space<vmem_shared>> -> memref<1x16xi32, #tpu.memory_space<vmem_shared>>
        %dma_wait3A_274 = tpu.memref_squeeze %dma_wait3A_273 : memref<1x16xi32, #tpu.memory_space<vmem_shared>> -> memref<16xi32, #tpu.memory_space<vmem_shared>>
        tpu.wait_dma2 semaphore(%run_scoped3A : memref<!tpu.dma_semaphore, #tpu.memory_space<semaphore_mem>>) src(%arg15 : memref<16xi32, #tpu.memory_space<vmem>>) dst(%dma_wait3A_274 : memref<16xi32, #tpu.memory_space<vmem_shared>>)
        tpu.yield
      }) : () -> ()
    } else {
    }
    %barrier3A_117 = arith.constant 0 : index
    tpu.barrier barrier_id(%barrier3A_117)
    %not3A = arith.constant true
    %not3A_118 = arith.xori %eq3A_44, %not3A : i1
    %convert_element_type3A_119 = arith.extui %not3A_118 : i1 to i32
    %cond3A_120 = arith.constant 0 : i32
    %cond3A_121 = arith.cmpi ne, %convert_element_type3A_119, %cond3A_120 : i32
    scf.if %cond3A_121 {
      %sub3A_147 = arith.constant 1 : i32
      %sub3A_148 = arith.subi %arg1, %sub3A_147 : i32
      "tpu.region"() ({
        %run_scoped3A = tpu.sem_alloc : memref<!tpu.dma_semaphore, #tpu.memory_space<semaphore_mem>>
        %dma_start3A_151 = arith.constant 0 : i32
        %dma_start3A_152 = tpu.memref_slice %arg12[%dma_start3A_151] : memref<1536xi32, #tpu.memory_space<vmem>> -> memref<1024xi32, #tpu.memory_space<vmem>>
        %dma_start3A_153 = arith.constant 0 : i32
        %dma_start3A_154 = tpu.memref_slice %arg21[%sub3A_148, %dma_start3A_153] : memref<16x1024xi32, #tpu.memory_space<vmem_shared>> -> memref<1x1024xi32, #tpu.memory_space<vmem_shared>>
        %dma_start3A_155 = tpu.memref_squeeze %dma_start3A_154 : memref<1x1024xi32, #tpu.memory_space<vmem_shared>> -> memref<1024xi32, #tpu.memory_space<vmem_shared>>
        %dma_start3A_156 = arith.constant 0 : i32
        %dma_start3A_157 = tpu.memref_slice %arg12[%dma_start3A_156] : memref<1536xi32, #tpu.memory_space<vmem>> -> memref<1024xi32, #tpu.memory_space<vmem>>
        %dma_start3A_158 = arith.constant 0 : i32
        %dma_start3A_159 = tpu.memref_slice %arg21[%sub3A_148, %dma_start3A_158] : memref<16x1024xi32, #tpu.memory_space<vmem_shared>> -> memref<1x1024xi32, #tpu.memory_space<vmem_shared>>
        %dma_start3A_160 = tpu.memref_squeeze %dma_start3A_159 : memref<1x1024xi32, #tpu.memory_space<vmem_shared>> -> memref<1024xi32, #tpu.memory_space<vmem_shared>>
        tpu.enqueue_dma source(%dma_start3A_160 : memref<1024xi32, #tpu.memory_space<vmem_shared>>) target(%dma_start3A_157 : memref<1024xi32, #tpu.memory_space<vmem>>) target_semaphore(%run_scoped3A : memref<!tpu.dma_semaphore, #tpu.memory_space<semaphore_mem>>)
        %dma_wait3A = arith.constant 0 : i32
        %dma_wait3A_161 = tpu.memref_slice %arg12[%dma_wait3A] : memref<1536xi32, #tpu.memory_space<vmem>> -> memref<1024xi32, #tpu.memory_space<vmem>>
        %dma_wait3A_162 = arith.constant 0 : i32
        %dma_wait3A_163 = tpu.memref_slice %arg21[%sub3A_148, %dma_wait3A_162] : memref<16x1024xi32, #tpu.memory_space<vmem_shared>> -> memref<1x1024xi32, #tpu.memory_space<vmem_shared>>
        %dma_wait3A_164 = tpu.memref_squeeze %dma_wait3A_163 : memref<1x1024xi32, #tpu.memory_space<vmem_shared>> -> memref<1024xi32, #tpu.memory_space<vmem_shared>>
        %dma_wait3A_165 = arith.constant 0 : i32
        %dma_wait3A_166 = tpu.memref_slice %arg12[%dma_wait3A_165] : memref<1536xi32, #tpu.memory_space<vmem>> -> memref<1024xi32, #tpu.memory_space<vmem>>
        %dma_wait3A_167 = arith.constant 0 : i32
        %dma_wait3A_168 = tpu.memref_slice %arg21[%sub3A_148, %dma_wait3A_167] : memref<16x1024xi32, #tpu.memory_space<vmem_shared>> -> memref<1x1024xi32, #tpu.memory_space<vmem_shared>>
        %dma_wait3A_169 = tpu.memref_squeeze %dma_wait3A_168 : memref<1x1024xi32, #tpu.memory_space<vmem_shared>> -> memref<1024xi32, #tpu.memory_space<vmem_shared>>
        tpu.wait_dma2 semaphore(%run_scoped3A : memref<!tpu.dma_semaphore, #tpu.memory_space<semaphore_mem>>) src(%dma_wait3A_169 : memref<1024xi32, #tpu.memory_space<vmem_shared>>) dst(%dma_wait3A_166 : memref<1024xi32, #tpu.memory_space<vmem>>)
        tpu.yield
      }) : () -> ()
      %sub3A_149 = arith.constant 1 : i32
      %sub3A_150 = arith.subi %arg1, %sub3A_149 : i32
      "tpu.region"() ({
        %run_scoped3A = tpu.sem_alloc : memref<!tpu.dma_semaphore, #tpu.memory_space<semaphore_mem>>
        %dma_start3A_151 = arith.constant 0 : i32
        %dma_start3A_152 = tpu.memref_slice %arg22[%sub3A_150, %dma_start3A_151] : memref<16x16xi32, #tpu.memory_space<vmem_shared>> -> memref<1x16xi32, #tpu.memory_space<vmem_shared>>
        %dma_start3A_153 = tpu.memref_squeeze %dma_start3A_152 : memref<1x16xi32, #tpu.memory_space<vmem_shared>> -> memref<16xi32, #tpu.memory_space<vmem_shared>>
        %dma_start3A_154 = arith.constant 0 : i32
        %dma_start3A_155 = tpu.memref_slice %arg22[%sub3A_150, %dma_start3A_154] : memref<16x16xi32, #tpu.memory_space<vmem_shared>> -> memref<1x16xi32, #tpu.memory_space<vmem_shared>>
        %dma_start3A_156 = tpu.memref_squeeze %dma_start3A_155 : memref<1x16xi32, #tpu.memory_space<vmem_shared>> -> memref<16xi32, #tpu.memory_space<vmem_shared>>
        tpu.enqueue_dma source(%dma_start3A_156 : memref<16xi32, #tpu.memory_space<vmem_shared>>) target(%arg15 : memref<16xi32, #tpu.memory_space<vmem>>) target_semaphore(%run_scoped3A : memref<!tpu.dma_semaphore, #tpu.memory_space<semaphore_mem>>)
        %dma_wait3A = arith.constant 0 : i32
        %dma_wait3A_157 = tpu.memref_slice %arg22[%sub3A_150, %dma_wait3A] : memref<16x16xi32, #tpu.memory_space<vmem_shared>> -> memref<1x16xi32, #tpu.memory_space<vmem_shared>>
        %dma_wait3A_158 = tpu.memref_squeeze %dma_wait3A_157 : memref<1x16xi32, #tpu.memory_space<vmem_shared>> -> memref<16xi32, #tpu.memory_space<vmem_shared>>
        %dma_wait3A_159 = arith.constant 0 : i32
        %dma_wait3A_160 = tpu.memref_slice %arg22[%sub3A_150, %dma_wait3A_159] : memref<16x16xi32, #tpu.memory_space<vmem_shared>> -> memref<1x16xi32, #tpu.memory_space<vmem_shared>>
        %dma_wait3A_161 = tpu.memref_squeeze %dma_wait3A_160 : memref<1x16xi32, #tpu.memory_space<vmem_shared>> -> memref<16xi32, #tpu.memory_space<vmem_shared>>
        tpu.wait_dma2 semaphore(%run_scoped3A : memref<!tpu.dma_semaphore, #tpu.memory_space<semaphore_mem>>) src(%dma_wait3A_161 : memref<16xi32, #tpu.memory_space<vmem_shared>>) dst(%arg15 : memref<16xi32, #tpu.memory_space<vmem>>)
        tpu.yield
      }) : () -> ()
    } else {
    }
    %get3A = arith.constant 0 : index
    %get3A_122 = tpu.vector_load %arg15[%get3A] {strides = array<i32>} : memref<16xi32, #tpu.memory_space<vmem>>, vector<16xi32>,
    %slice3A = vector.extract_strided_slice %get3A_122 {offsets = [0], sizes = [1], strides = [1]} : vector<16xi32> to vector<1xi32>
    %squeeze3A = vector.extract %slice3A[0] : i32 from vector<1xi32>
    %mul3A_123 = arith.constant 512 : i32
    %mul3A_124 = arith.muli %sub3A_43, %mul3A_123 : i32
    %scan3A_125 = arith.constant 0 : i32
    %scan3A_126 = arith.constant 0 : i32
    %scan3A_127 = arith.constant 8 : i32
    %scan3A_128 = arith.addi %scan3A_126, %scan3A_127 : i32
    %scan3A_129 = arith.constant 1 : i32
    %scan3A_130 = scf.for %scan3A_147 = %scan3A_126 to %scan3A_128 step %scan3A_129 iter_args(%scan3A_148 = %scan3A_125) -> (i32)  : i32 {
      %add3A_149 = arith.constant 0 : i32
      %add3A_150 = arith.addi %mul3A_124, %add3A_149 : i32
      %add3A_151 = arith.addi %add3A_150, %scan3A_147 : i32
      %get3A_152 = arith.index_cast %add3A_151 : i32 to index
      %get3A_153 = tpu.vector_load %arg12[%get3A_152] {strides = array<i32>} : memref<1536xi32, #tpu.memory_space<vmem>>, vector<16xi32>,
      %slice3A_154 = vector.extract_strided_slice %get3A_153 {offsets = [0], sizes = [1], strides = [1]} : vector<16xi32> to vector<1xi32>
      %squeeze3A_155 = vector.extract %slice3A_154[0] : i32 from vector<1xi32>
      %jit3A_156 = arith.constant 8 : i32
      %div3A_157 = arith.divsi %squeeze3A_155, %jit3A_156 : i32
      %sign3A_158 = arith.constant 0 : i32
      %sign3A_159 = arith.cmpi sgt, %squeeze3A_155, %sign3A_158 : i32
      %sign3A_160 = arith.extui %sign3A_159 : i1 to i32
      %sign3A_161 = arith.constant 0 : i32
      %sign3A_162 = arith.cmpi slt, %squeeze3A_155, %sign3A_161 : i32
      %sign3A_163 = arith.extui %sign3A_162 : i1 to i32
      %sign3A_164 = arith.subi %sign3A_160, %sign3A_163 : i32
      %sign3A_165 = arith.constant 0 : i32
      %sign3A_166 = arith.cmpi sgt, %jit3A_156, %sign3A_165 : i32
      %sign3A_167 = arith.extui %sign3A_166 : i1 to i32
      %sign3A_168 = arith.constant 0 : i32
      %sign3A_169 = arith.cmpi slt, %jit3A_156, %sign3A_168 : i32
      %sign3A_170 = arith.extui %sign3A_169 : i1 to i32
      %sign3A_171 = arith.subi %sign3A_167, %sign3A_170 : i32
      %ne3A_172 = arith.cmpi ne, %sign3A_164, %sign3A_171 : i32
      %rem3A_173 = arith.remsi %squeeze3A_155, %jit3A_156 : i32
      %ne3A_174 = arith.constant 0 : i32
      %ne3A_175 = arith.cmpi ne, %rem3A_173, %ne3A_174 : i32
      %and3A_176 = arith.andi %ne3A_172, %ne3A_175 : i1
      %sub3A_177 = arith.constant 1 : i32
      %sub3A_178 = arith.subi %div3A_157, %sub3A_177 : i32
      %select_n3A_179 = arith.select %and3A_176, %sub3A_178, %div3A_157 : i32
      %mul3A_180 = arith.constant 8 : i32
      %mul3A_181 = arith.muli %select_n3A_179, %mul3A_180 : i32
      %multiple_of3A = tpu.assume_multiple %mul3A_181, 8 : i32
      %jit3A_182 = arith.constant 16 : i32
      %div3A_183 = arith.divsi %add3A_151, %jit3A_182 : i32
      %sign3A_184 = arith.constant 0 : i32
      %sign3A_185 = arith.cmpi sgt, %add3A_151, %sign3A_184 : i32
      %sign3A_186 = arith.extui %sign3A_185 : i1 to i32
      %sign3A_187 = arith.constant 0 : i32
      %sign3A_188 = arith.cmpi slt, %add3A_151, %sign3A_187 : i32
      %sign3A_189 = arith.extui %sign3A_188 : i1 to i32
      %sign3A_190 = arith.subi %sign3A_186, %sign3A_189 : i32
      %sign3A_191 = arith.constant 0 : i32
      %sign3A_192 = arith.cmpi sgt, %jit3A_182, %sign3A_191 : i32
      %sign3A_193 = arith.extui %sign3A_192 : i1 to i32
      %sign3A_194 = arith.constant 0 : i32
      %sign3A_195 = arith.cmpi slt, %jit3A_182, %sign3A_194 : i32
      %sign3A_196 = arith.extui %sign3A_195 : i1 to i32
      %sign3A_197 = arith.subi %sign3A_193, %sign3A_196 : i32
      %ne3A_198 = arith.cmpi ne, %sign3A_190, %sign3A_197 : i32
      %rem3A_199 = arith.remsi %add3A_151, %jit3A_182 : i32
      %ne3A_200 = arith.constant 0 : i32
      %ne3A_201 = arith.cmpi ne, %rem3A_199, %ne3A_200 : i32
      %and3A_202 = arith.andi %ne3A_198, %ne3A_201 : i1
      %sub3A_203 = arith.constant 1 : i32
      %sub3A_204 = arith.subi %div3A_183, %sub3A_203 : i32
      %select_n3A_205 = arith.select %and3A_202, %sub3A_204, %div3A_183 : i32
      %mul3A_206 = arith.constant 16 : i32
      %mul3A_207 = arith.muli %select_n3A_205, %mul3A_206 : i32
      %sub3A_208 = arith.subi %add3A_151, %mul3A_207 : i32
      %mul3A_209 = arith.constant 8 : i32
      %mul3A_210 = arith.muli %sub3A_208, %mul3A_209 : i32
      %dma_start3A_211 = arith.constant 0 : i32
      %dma_start3A_212 = tpu.memref_slice %arg17[%mul3A_210, %dma_start3A_211] : memref<128x85xf32, #tpu.memory_space<vmem>> -> memref<8x85xf32, #tpu.memory_space<vmem>>
      %dma_start3A_213 = arith.constant 0 : i32
      %dma_start3A_214 = tpu.memref_slice %arg2[%add3A, %multiple_of3A, %dma_start3A_213] : memref<16x20000x85xf32, #tpu.memory_space<hbm>> -> memref<1x8x85xf32, #tpu.memory_space<hbm>>
      %dma_start3A_215 = tpu.memref_squeeze %dma_start3A_214 : memref<1x8x85xf32, #tpu.memory_space<hbm>> -> memref<8x85xf32, #tpu.memory_space<hbm>>
      %dma_start3A_216 = arith.constant 0 : i32
      %dma_start3A_217 = tpu.memref_slice %arg17[%mul3A_210, %dma_start3A_216] : memref<128x85xf32, #tpu.memory_space<vmem>> -> memref<8x85xf32, #tpu.memory_space<vmem>>
      %dma_start3A_218 = arith.constant 0 : i32
      %dma_start3A_219 = tpu.memref_slice %arg2[%add3A, %multiple_of3A, %dma_start3A_218] : memref<16x20000x85xf32, #tpu.memory_space<hbm>> -> memref<1x8x85xf32, #tpu.memory_space<hbm>>
      %dma_start3A_220 = tpu.memref_squeeze %dma_start3A_219 : memref<1x8x85xf32, #tpu.memory_space<hbm>> -> memref<8x85xf32, #tpu.memory_space<hbm>>
      tpu.enqueue_dma source(%dma_start3A_220 : memref<8x85xf32, #tpu.memory_space<hbm>>) target(%dma_start3A_217 : memref<8x85xf32, #tpu.memory_space<vmem>>) target_semaphore(%arg23 : memref<!tpu.dma_semaphore, #tpu.memory_space<semaphore_mem>>)
      %scan3A_221 = arith.constant 0 : i32
      scf.yield %scan3A_221 : i32
    }
    %scan3A_131 = arith.constant 8 : i32
    %scan3A_132 = arith.constant 0 : i32
    %scan3A_133 = arith.constant 1 : i32
    %scan3A_134 = arith.constant 64 : i32
    %scan3A_135 = arith.addi %scan3A_133, %scan3A_134 : i32
    %scan3A_136 = arith.constant 1 : i32
    %scan3A_137 = scf.for %scan3A_147 = %scan3A_133 to %scan3A_135 step %scan3A_136 iter_args(%scan3A_148 = %scan3A_132) -> (i32)  : i32 {
      %jit3A_149 = arith.constant 2 : i32
      %div3A_150 = arith.divsi %scan3A_147, %jit3A_149 : i32
      %sign3A_151 = arith.constant 0 : i32
      %sign3A_152 = arith.cmpi sgt, %scan3A_147, %sign3A_151 : i32
      %sign3A_153 = arith.extui %sign3A_152 : i1 to i32
      %sign3A_154 = arith.constant 0 : i32
      %sign3A_155 = arith.cmpi slt, %scan3A_147, %sign3A_154 : i32
      %sign3A_156 = arith.extui %sign3A_155 : i1 to i32
      %sign3A_157 = arith.subi %sign3A_153, %sign3A_156 : i32
      %sign3A_158 = arith.constant 0 : i32
      %sign3A_159 = arith.cmpi sgt, %jit3A_149, %sign3A_158 : i32
      %sign3A_160 = arith.extui %sign3A_159 : i1 to i32
      %sign3A_161 = arith.constant 0 : i32
      %sign3A_162 = arith.cmpi slt, %jit3A_149, %sign3A_161 : i32
      %sign3A_163 = arith.extui %sign3A_162 : i1 to i32
      %sign3A_164 = arith.subi %sign3A_160, %sign3A_163 : i32
      %ne3A_165 = arith.cmpi ne, %sign3A_157, %sign3A_164 : i32
      %rem3A_166 = arith.remsi %scan3A_147, %jit3A_149 : i32
      %ne3A_167 = arith.constant 0 : i32
      %ne3A_168 = arith.cmpi ne, %rem3A_166, %ne3A_167 : i32
      %and3A_169 = arith.andi %ne3A_165, %ne3A_168 : i1
      %sub3A_170 = arith.constant 1 : i32
      %sub3A_171 = arith.subi %div3A_150, %sub3A_170 : i32
      %select_n3A_172 = arith.select %and3A_169, %sub3A_171, %div3A_150 : i32
      %mul3A_173 = arith.constant 2 : i32
      %mul3A_174 = arith.muli %select_n3A_172, %mul3A_173 : i32
      %sub3A_175 = arith.subi %scan3A_147, %mul3A_174 : i32
      %lt3A = arith.constant 64 : i32
      %lt3A_176 = arith.cmpi slt, %scan3A_147, %lt3A : i32
      %eq3A_177 = arith.constant 1 : i32
      %eq3A_178 = arith.cmpi eq, %sub3A_175, %eq3A_177 : i32
      %and3A_179 = arith.andi %lt3A_176, %eq3A_178 : i1
      %convert_element_type3A_180 = arith.extui %and3A_179 : i1 to i32
      %cond3A_181 = arith.constant 0 : i32
      %cond3A_182 = arith.cmpi ne, %convert_element_type3A_180, %cond3A_181 : i32
      scf.if %cond3A_182 {
        %scan3A_237 = arith.constant 0 : i32
        %scan3A_238 = arith.constant 0 : i32
        %scan3A_239 = arith.constant 8 : i32
        %scan3A_240 = arith.addi %scan3A_238, %scan3A_239 : i32
        %scan3A_241 = arith.constant 1 : i32
        %scan3A_242 = scf.for %scan3A_244 = %scan3A_238 to %scan3A_240 step %scan3A_241 iter_args(%scan3A_245 = %scan3A_237) -> (i32)  : i32 {
          %mul3A_246 = arith.constant 8 : i32
          %mul3A_247 = arith.muli %scan3A_147, %mul3A_246 : i32
          %add3A_248 = arith.addi %mul3A_124, %mul3A_247 : i32
          %add3A_249 = arith.addi %add3A_248, %scan3A_244 : i32
          %get3A_250 = arith.index_cast %add3A_249 : i32 to index
          %get3A_251 = tpu.vector_load %arg12[%get3A_250] {strides = array<i32>} : memref<1536xi32, #tpu.memory_space<vmem>>, vector<16xi32>,
          %slice3A_252 = vector.extract_strided_slice %get3A_251 {offsets = [0], sizes = [1], strides = [1]} : vector<16xi32> to vector<1xi32>
          %squeeze3A_253 = vector.extract %slice3A_252[0] : i32 from vector<1xi32>
          %jit3A_254 = arith.constant 8 : i32
          %div3A_255 = arith.divsi %squeeze3A_253, %jit3A_254 : i32
          %sign3A_256 = arith.constant 0 : i32
          %sign3A_257 = arith.cmpi sgt, %squeeze3A_253, %sign3A_256 : i32
          %sign3A_258 = arith.extui %sign3A_257 : i1 to i32
          %sign3A_259 = arith.constant 0 : i32
          %sign3A_260 = arith.cmpi slt, %squeeze3A_253, %sign3A_259 : i32
          %sign3A_261 = arith.extui %sign3A_260 : i1 to i32
          %sign3A_262 = arith.subi %sign3A_258, %sign3A_261 : i32
          %sign3A_263 = arith.constant 0 : i32
          %sign3A_264 = arith.cmpi sgt, %jit3A_254, %sign3A_263 : i32
          %sign3A_265 = arith.extui %sign3A_264 : i1 to i32
          %sign3A_266 = arith.constant 0 : i32
          %sign3A_267 = arith.cmpi slt, %jit3A_254, %sign3A_266 : i32
          %sign3A_268 = arith.extui %sign3A_267 : i1 to i32
          %sign3A_269 = arith.subi %sign3A_265, %sign3A_268 : i32
          %ne3A_270 = arith.cmpi ne, %sign3A_262, %sign3A_269 : i32
          %rem3A_271 = arith.remsi %squeeze3A_253, %jit3A_254 : i32
          %ne3A_272 = arith.constant 0 : i32
          %ne3A_273 = arith.cmpi ne, %rem3A_271, %ne3A_272 : i32
          %and3A_274 = arith.andi %ne3A_270, %ne3A_273 : i1
          %sub3A_275 = arith.constant 1 : i32
          %sub3A_276 = arith.subi %div3A_255, %sub3A_275 : i32
          %select_n3A_277 = arith.select %and3A_274, %sub3A_276, %div3A_255 : i32
          %mul3A_278 = arith.constant 8 : i32
          %mul3A_279 = arith.muli %select_n3A_277, %mul3A_278 : i32
          %multiple_of3A = tpu.assume_multiple %mul3A_279, 8 : i32
          %jit3A_280 = arith.constant 16 : i32
          %div3A_281 = arith.divsi %add3A_249, %jit3A_280 : i32
          %sign3A_282 = arith.constant 0 : i32
          %sign3A_283 = arith.cmpi sgt, %add3A_249, %sign3A_282 : i32
          %sign3A_284 = arith.extui %sign3A_283 : i1 to i32
          %sign3A_285 = arith.constant 0 : i32
          %sign3A_286 = arith.cmpi slt, %add3A_249, %sign3A_285 : i32
          %sign3A_287 = arith.extui %sign3A_286 : i1 to i32
          %sign3A_288 = arith.subi %sign3A_284, %sign3A_287 : i32
          %sign3A_289 = arith.constant 0 : i32
          %sign3A_290 = arith.cmpi sgt, %jit3A_280, %sign3A_289 : i32
          %sign3A_291 = arith.extui %sign3A_290 : i1 to i32
          %sign3A_292 = arith.constant 0 : i32
          %sign3A_293 = arith.cmpi slt, %jit3A_280, %sign3A_292 : i32
          %sign3A_294 = arith.extui %sign3A_293 : i1 to i32
          %sign3A_295 = arith.subi %sign3A_291, %sign3A_294 : i32
          %ne3A_296 = arith.cmpi ne, %sign3A_288, %sign3A_295 : i32
          %rem3A_297 = arith.remsi %add3A_249, %jit3A_280 : i32
          %ne3A_298 = arith.constant 0 : i32
          %ne3A_299 = arith.cmpi ne, %rem3A_297, %ne3A_298 : i32
          %and3A_300 = arith.andi %ne3A_296, %ne3A_299 : i1
          %sub3A_301 = arith.constant 1 : i32
          %sub3A_302 = arith.subi %div3A_281, %sub3A_301 : i32
          %select_n3A_303 = arith.select %and3A_300, %sub3A_302, %div3A_281 : i32
          %mul3A_304 = arith.constant 16 : i32
          %mul3A_305 = arith.muli %select_n3A_303, %mul3A_304 : i32
          %sub3A_306 = arith.subi %add3A_249, %mul3A_305 : i32
          %mul3A_307 = arith.constant 8 : i32
          %mul3A_308 = arith.muli %sub3A_306, %mul3A_307 : i32
          %dma_start3A_309 = arith.constant 0 : i32
          %dma_start3A_310 = tpu.memref_slice %arg17[%mul3A_308, %dma_start3A_309] : memref<128x85xf32, #tpu.memory_space<vmem>> -> memref<8x85xf32, #tpu.memory_space<vmem>>
          %dma_start3A_311 = arith.constant 0 : i32
          %dma_start3A_312 = tpu.memref_slice %arg2[%add3A, %multiple_of3A, %dma_start3A_311] : memref<16x20000x85xf32, #tpu.memory_space<hbm>> -> memref<1x8x85xf32, #tpu.memory_space<hbm>>
          %dma_start3A_313 = tpu.memref_squeeze %dma_start3A_312 : memref<1x8x85xf32, #tpu.memory_space<hbm>> -> memref<8x85xf32, #tpu.memory_space<hbm>>
          %dma_start3A_314 = arith.constant 0 : i32
          %dma_start3A_315 = tpu.memref_slice %arg17[%mul3A_308, %dma_start3A_314] : memref<128x85xf32, #tpu.memory_space<vmem>> -> memref<8x85xf32, #tpu.memory_space<vmem>>
          %dma_start3A_316 = arith.constant 0 : i32
          %dma_start3A_317 = tpu.memref_slice %arg2[%add3A, %multiple_of3A, %dma_start3A_316] : memref<16x20000x85xf32, #tpu.memory_space<hbm>> -> memref<1x8x85xf32, #tpu.memory_space<hbm>>
          %dma_start3A_318 = tpu.memref_squeeze %dma_start3A_317 : memref<1x8x85xf32, #tpu.memory_space<hbm>> -> memref<8x85xf32, #tpu.memory_space<hbm>>
          tpu.enqueue_dma source(%dma_start3A_318 : memref<8x85xf32, #tpu.memory_space<hbm>>) target(%dma_start3A_315 : memref<8x85xf32, #tpu.memory_space<vmem>>) target_semaphore(%arg24 : memref<!tpu.dma_semaphore, #tpu.memory_space<semaphore_mem>>)
          %scan3A_319 = arith.constant 0 : i32
          scf.yield %scan3A_319 : i32
        }
        %scan3A_243 = arith.constant 8 : i32
      } else {
      }
      %lt3A_183 = arith.constant 64 : i32
      %lt3A_184 = arith.cmpi slt, %scan3A_147, %lt3A_183 : i32
      %eq3A_185 = arith.constant 0 : i32
      %eq3A_186 = arith.cmpi eq, %sub3A_175, %eq3A_185 : i32
      %and3A_187 = arith.andi %lt3A_184, %eq3A_186 : i1
      %convert_element_type3A_188 = arith.extui %and3A_187 : i1 to i32
      %cond3A_189 = arith.constant 0 : i32
      %cond3A_190 = arith.cmpi ne, %convert_element_type3A_188, %cond3A_189 : i32
      scf.if %cond3A_190 {
        %scan3A_237 = arith.constant 0 : i32
        %scan3A_238 = arith.constant 0 : i32
        %scan3A_239 = arith.constant 8 : i32
        %scan3A_240 = arith.addi %scan3A_238, %scan3A_239 : i32
        %scan3A_241 = arith.constant 1 : i32
        %scan3A_242 = scf.for %scan3A_244 = %scan3A_238 to %scan3A_240 step %scan3A_241 iter_args(%scan3A_245 = %scan3A_237) -> (i32)  : i32 {
          %mul3A_246 = arith.constant 8 : i32
          %mul3A_247 = arith.muli %scan3A_147, %mul3A_246 : i32
          %add3A_248 = arith.addi %mul3A_124, %mul3A_247 : i32
          %add3A_249 = arith.addi %add3A_248, %scan3A_244 : i32
          %get3A_250 = arith.index_cast %add3A_249 : i32 to index
          %get3A_251 = tpu.vector_load %arg12[%get3A_250] {strides = array<i32>} : memref<1536xi32, #tpu.memory_space<vmem>>, vector<16xi32>,
          %slice3A_252 = vector.extract_strided_slice %get3A_251 {offsets = [0], sizes = [1], strides = [1]} : vector<16xi32> to vector<1xi32>
          %squeeze3A_253 = vector.extract %slice3A_252[0] : i32 from vector<1xi32>
          %jit3A_254 = arith.constant 8 : i32
          %div3A_255 = arith.divsi %squeeze3A_253, %jit3A_254 : i32
          %sign3A_256 = arith.constant 0 : i32
          %sign3A_257 = arith.cmpi sgt, %squeeze3A_253, %sign3A_256 : i32
          %sign3A_258 = arith.extui %sign3A_257 : i1 to i32
          %sign3A_259 = arith.constant 0 : i32
          %sign3A_260 = arith.cmpi slt, %squeeze3A_253, %sign3A_259 : i32
          %sign3A_261 = arith.extui %sign3A_260 : i1 to i32
          %sign3A_262 = arith.subi %sign3A_258, %sign3A_261 : i32
          %sign3A_263 = arith.constant 0 : i32
          %sign3A_264 = arith.cmpi sgt, %jit3A_254, %sign3A_263 : i32
          %sign3A_265 = arith.extui %sign3A_264 : i1 to i32
          %sign3A_266 = arith.constant 0 : i32
          %sign3A_267 = arith.cmpi slt, %jit3A_254, %sign3A_266 : i32
          %sign3A_268 = arith.extui %sign3A_267 : i1 to i32
          %sign3A_269 = arith.subi %sign3A_265, %sign3A_268 : i32
          %ne3A_270 = arith.cmpi ne, %sign3A_262, %sign3A_269 : i32
          %rem3A_271 = arith.remsi %squeeze3A_253, %jit3A_254 : i32
          %ne3A_272 = arith.constant 0 : i32
          %ne3A_273 = arith.cmpi ne, %rem3A_271, %ne3A_272 : i32
          %and3A_274 = arith.andi %ne3A_270, %ne3A_273 : i1
          %sub3A_275 = arith.constant 1 : i32
          %sub3A_276 = arith.subi %div3A_255, %sub3A_275 : i32
          %select_n3A_277 = arith.select %and3A_274, %sub3A_276, %div3A_255 : i32
          %mul3A_278 = arith.constant 8 : i32
          %mul3A_279 = arith.muli %select_n3A_277, %mul3A_278 : i32
          %multiple_of3A = tpu.assume_multiple %mul3A_279, 8 : i32
          %jit3A_280 = arith.constant 16 : i32
          %div3A_281 = arith.divsi %add3A_249, %jit3A_280 : i32
          %sign3A_282 = arith.constant 0 : i32
          %sign3A_283 = arith.cmpi sgt, %add3A_249, %sign3A_282 : i32
          %sign3A_284 = arith.extui %sign3A_283 : i1 to i32
          %sign3A_285 = arith.constant 0 : i32
          %sign3A_286 = arith.cmpi slt, %add3A_249, %sign3A_285 : i32
          %sign3A_287 = arith.extui %sign3A_286 : i1 to i32
          %sign3A_288 = arith.subi %sign3A_284, %sign3A_287 : i32
          %sign3A_289 = arith.constant 0 : i32
          %sign3A_290 = arith.cmpi sgt, %jit3A_280, %sign3A_289 : i32
          %sign3A_291 = arith.extui %sign3A_290 : i1 to i32
          %sign3A_292 = arith.constant 0 : i32
          %sign3A_293 = arith.cmpi slt, %jit3A_280, %sign3A_292 : i32
          %sign3A_294 = arith.extui %sign3A_293 : i1 to i32
          %sign3A_295 = arith.subi %sign3A_291, %sign3A_294 : i32
          %ne3A_296 = arith.cmpi ne, %sign3A_288, %sign3A_295 : i32
          %rem3A_297 = arith.remsi %add3A_249, %jit3A_280 : i32
          %ne3A_298 = arith.constant 0 : i32
          %ne3A_299 = arith.cmpi ne, %rem3A_297, %ne3A_298 : i32
          %and3A_300 = arith.andi %ne3A_296, %ne3A_299 : i1
          %sub3A_301 = arith.constant 1 : i32
          %sub3A_302 = arith.subi %div3A_281, %sub3A_301 : i32
          %select_n3A_303 = arith.select %and3A_300, %sub3A_302, %div3A_281 : i32
          %mul3A_304 = arith.constant 16 : i32
          %mul3A_305 = arith.muli %select_n3A_303, %mul3A_304 : i32
          %sub3A_306 = arith.subi %add3A_249, %mul3A_305 : i32
          %mul3A_307 = arith.constant 8 : i32
          %mul3A_308 = arith.muli %sub3A_306, %mul3A_307 : i32
          %dma_start3A_309 = arith.constant 0 : i32
          %dma_start3A_310 = tpu.memref_slice %arg17[%mul3A_308, %dma_start3A_309] : memref<128x85xf32, #tpu.memory_space<vmem>> -> memref<8x85xf32, #tpu.memory_space<vmem>>
          %dma_start3A_311 = arith.constant 0 : i32
          %dma_start3A_312 = tpu.memref_slice %arg2[%add3A, %multiple_of3A, %dma_start3A_311] : memref<16x20000x85xf32, #tpu.memory_space<hbm>> -> memref<1x8x85xf32, #tpu.memory_space<hbm>>
          %dma_start3A_313 = tpu.memref_squeeze %dma_start3A_312 : memref<1x8x85xf32, #tpu.memory_space<hbm>> -> memref<8x85xf32, #tpu.memory_space<hbm>>
          %dma_start3A_314 = arith.constant 0 : i32
          %dma_start3A_315 = tpu.memref_slice %arg17[%mul3A_308, %dma_start3A_314] : memref<128x85xf32, #tpu.memory_space<vmem>> -> memref<8x85xf32, #tpu.memory_space<vmem>>
          %dma_start3A_316 = arith.constant 0 : i32
          %dma_start3A_317 = tpu.memref_slice %arg2[%add3A, %multiple_of3A, %dma_start3A_316] : memref<16x20000x85xf32, #tpu.memory_space<hbm>> -> memref<1x8x85xf32, #tpu.memory_space<hbm>>
          %dma_start3A_318 = tpu.memref_squeeze %dma_start3A_317 : memref<1x8x85xf32, #tpu.memory_space<hbm>> -> memref<8x85xf32, #tpu.memory_space<hbm>>
          tpu.enqueue_dma source(%dma_start3A_318 : memref<8x85xf32, #tpu.memory_space<hbm>>) target(%dma_start3A_315 : memref<8x85xf32, #tpu.memory_space<vmem>>) target_semaphore(%arg23 : memref<!tpu.dma_semaphore, #tpu.memory_space<semaphore_mem>>)
          %scan3A_319 = arith.constant 0 : i32
          scf.yield %scan3A_319 : i32
        }
        %scan3A_243 = arith.constant 8 : i32
      } else {
      }
      %eq3A_191 = arith.constant 1 : i32
      %eq3A_192 = arith.cmpi eq, %sub3A_175, %eq3A_191 : i32
      %convert_element_type3A_193 = arith.extui %eq3A_192 : i1 to i32
      %cond3A_194 = arith.constant 0 : i32
      %cond3A_195 = arith.cmpi ne, %convert_element_type3A_193, %cond3A_194 : i32
      scf.if %cond3A_195 {
        %sub3A_237 = arith.constant 1 : i32
        %sub3A_238 = arith.subi %scan3A_147, %sub3A_237 : i32
        %scan3A_239 = arith.constant 0 : i32
        %scan3A_240 = arith.constant 0 : i32
        %scan3A_241 = arith.constant 8 : i32
        %scan3A_242 = arith.addi %scan3A_240, %scan3A_241 : i32
        %scan3A_243 = arith.constant 1 : i32
        %scan3A_244 = scf.for %scan3A_246 = %scan3A_240 to %scan3A_242 step %scan3A_243 iter_args(%scan3A_247 = %scan3A_239) -> (i32)  : i32 {
          %mul3A_248 = arith.constant 8 : i32
          %mul3A_249 = arith.muli %sub3A_238, %mul3A_248 : i32
          %add3A_250 = arith.addi %mul3A_124, %mul3A_249 : i32
          %add3A_251 = arith.addi %add3A_250, %scan3A_246 : i32
          %jit3A_252 = arith.constant 16 : i32
          %div3A_253 = arith.divsi %add3A_251, %jit3A_252 : i32
          %sign3A_254 = arith.constant 0 : i32
          %sign3A_255 = arith.cmpi sgt, %add3A_251, %sign3A_254 : i32
          %sign3A_256 = arith.extui %sign3A_255 : i1 to i32
          %sign3A_257 = arith.constant 0 : i32
          %sign3A_258 = arith.cmpi slt, %add3A_251, %sign3A_257 : i32
          %sign3A_259 = arith.extui %sign3A_258 : i1 to i32
          %sign3A_260 = arith.subi %sign3A_256, %sign3A_259 : i32
          %sign3A_261 = arith.constant 0 : i32
          %sign3A_262 = arith.cmpi sgt, %jit3A_252, %sign3A_261 : i32
          %sign3A_263 = arith.extui %sign3A_262 : i1 to i32
          %sign3A_264 = arith.constant 0 : i32
          %sign3A_265 = arith.cmpi slt, %jit3A_252, %sign3A_264 : i32
          %sign3A_266 = arith.extui %sign3A_265 : i1 to i32
          %sign3A_267 = arith.subi %sign3A_263, %sign3A_266 : i32
          %ne3A_268 = arith.cmpi ne, %sign3A_260, %sign3A_267 : i32
          %rem3A_269 = arith.remsi %add3A_251, %jit3A_252 : i32
          %ne3A_270 = arith.constant 0 : i32
          %ne3A_271 = arith.cmpi ne, %rem3A_269, %ne3A_270 : i32
          %and3A_272 = arith.andi %ne3A_268, %ne3A_271 : i1
          %sub3A_273 = arith.constant 1 : i32
          %sub3A_274 = arith.subi %div3A_253, %sub3A_273 : i32
          %select_n3A_275 = arith.select %and3A_272, %sub3A_274, %div3A_253 : i32
          %mul3A_276 = arith.constant 16 : i32
          %mul3A_277 = arith.muli %select_n3A_275, %mul3A_276 : i32
          %sub3A_278 = arith.subi %add3A_251, %mul3A_277 : i32
          %mul3A_279 = arith.constant 8 : i32
          %mul3A_280 = arith.muli %sub3A_278, %mul3A_279 : i32
          %dma_wait3A = arith.constant 0 : i32
          %dma_wait3A_281 = tpu.memref_slice %arg17[%mul3A_280, %dma_wait3A] : memref<128x85xf32, #tpu.memory_space<vmem>> -> memref<8x85xf32, #tpu.memory_space<vmem>>
          %dma_wait3A_282 = arith.constant 0 : i32
          %dma_wait3A_283 = arith.constant 0 : i32
          %dma_wait3A_284 = tpu.memref_slice %arg2[%add3A, %dma_wait3A_282, %dma_wait3A_283] : memref<16x20000x85xf32, #tpu.memory_space<hbm>> -> memref<1x8x85xf32, #tpu.memory_space<hbm>>
          %dma_wait3A_285 = tpu.memref_squeeze %dma_wait3A_284 : memref<1x8x85xf32, #tpu.memory_space<hbm>> -> memref<8x85xf32, #tpu.memory_space<hbm>>
          %dma_wait3A_286 = arith.constant 0 : i32
          %dma_wait3A_287 = tpu.memref_slice %arg17[%mul3A_280, %dma_wait3A_286] : memref<128x85xf32, #tpu.memory_space<vmem>> -> memref<8x85xf32, #tpu.memory_space<vmem>>
          %dma_wait3A_288 = arith.constant 0 : i32
          %dma_wait3A_289 = arith.constant 0 : i32
          %dma_wait3A_290 = tpu.memref_slice %arg2[%add3A, %dma_wait3A_288, %dma_wait3A_289] : memref<16x20000x85xf32, #tpu.memory_space<hbm>> -> memref<1x8x85xf32, #tpu.memory_space<hbm>>
          %dma_wait3A_291 = tpu.memref_squeeze %dma_wait3A_290 : memref<1x8x85xf32, #tpu.memory_space<hbm>> -> memref<8x85xf32, #tpu.memory_space<hbm>>
          tpu.wait_dma2 semaphore(%arg23 : memref<!tpu.dma_semaphore, #tpu.memory_space<semaphore_mem>>) src(%dma_wait3A_291 : memref<8x85xf32, #tpu.memory_space<hbm>>) dst(%dma_wait3A_287 : memref<8x85xf32, #tpu.memory_space<vmem>>)
          %get3A_292 = arith.index_cast %add3A_251 : i32 to index
          %get3A_293 = tpu.vector_load %arg12[%get3A_292] {strides = array<i32>} : memref<1536xi32, #tpu.memory_space<vmem>>, vector<16xi32>,
          %slice3A_294 = vector.extract_strided_slice %get3A_293 {offsets = [0], sizes = [1], strides = [1]} : vector<16xi32> to vector<1xi32>
          %squeeze3A_295 = vector.extract %slice3A_294[0] : i32 from vector<1xi32>
          %jit3A_296 = arith.constant 8 : i32
          %div3A_297 = arith.divsi %squeeze3A_295, %jit3A_296 : i32
          %sign3A_298 = arith.constant 0 : i32
          %sign3A_299 = arith.cmpi sgt, %squeeze3A_295, %sign3A_298 : i32
          %sign3A_300 = arith.extui %sign3A_299 : i1 to i32
          %sign3A_301 = arith.constant 0 : i32
          %sign3A_302 = arith.cmpi slt, %squeeze3A_295, %sign3A_301 : i32
          %sign3A_303 = arith.extui %sign3A_302 : i1 to i32
          %sign3A_304 = arith.subi %sign3A_300, %sign3A_303 : i32
          %sign3A_305 = arith.constant 0 : i32
          %sign3A_306 = arith.cmpi sgt, %jit3A_296, %sign3A_305 : i32
          %sign3A_307 = arith.extui %sign3A_306 : i1 to i32
          %sign3A_308 = arith.constant 0 : i32
          %sign3A_309 = arith.cmpi slt, %jit3A_296, %sign3A_308 : i32
          %sign3A_310 = arith.extui %sign3A_309 : i1 to i32
          %sign3A_311 = arith.subi %sign3A_307, %sign3A_310 : i32
          %ne3A_312 = arith.cmpi ne, %sign3A_304, %sign3A_311 : i32
          %rem3A_313 = arith.remsi %squeeze3A_295, %jit3A_296 : i32
          %ne3A_314 = arith.constant 0 : i32
          %ne3A_315 = arith.cmpi ne, %rem3A_313, %ne3A_314 : i32
          %and3A_316 = arith.andi %ne3A_312, %ne3A_315 : i1
          %sub3A_317 = arith.constant 1 : i32
          %sub3A_318 = arith.subi %div3A_297, %sub3A_317 : i32
          %select_n3A_319 = arith.select %and3A_316, %sub3A_318, %div3A_297 : i32
          %mul3A_320 = arith.constant 8 : i32
          %mul3A_321 = arith.muli %select_n3A_319, %mul3A_320 : i32
          %sub3A_322 = arith.subi %squeeze3A_295, %mul3A_321 : i32
          %mul3A_323 = arith.constant 8 : i32
          %mul3A_324 = arith.muli %sub3A_278, %mul3A_323 : i32
          %add3A_325 = arith.addi %mul3A_324, %sub3A_322 : i32
          %jit3A_326 = arith.constant 128 : i32
          %div3A_327 = arith.divsi %add3A_251, %jit3A_326 : i32
          %sign3A_328 = arith.constant 0 : i32
          %sign3A_329 = arith.cmpi sgt, %add3A_251, %sign3A_328 : i32
          %sign3A_330 = arith.extui %sign3A_329 : i1 to i32
          %sign3A_331 = arith.constant 0 : i32
          %sign3A_332 = arith.cmpi slt, %add3A_251, %sign3A_331 : i32
          %sign3A_333 = arith.extui %sign3A_332 : i1 to i32
          %sign3A_334 = arith.subi %sign3A_330, %sign3A_333 : i32
          %sign3A_335 = arith.constant 0 : i32
          %sign3A_336 = arith.cmpi sgt, %jit3A_326, %sign3A_335 : i32
          %sign3A_337 = arith.extui %sign3A_336 : i1 to i32
          %sign3A_338 = arith.constant 0 : i32
          %sign3A_339 = arith.cmpi slt, %jit3A_326, %sign3A_338 : i32
          %sign3A_340 = arith.extui %sign3A_339 : i1 to i32
          %sign3A_341 = arith.subi %sign3A_337, %sign3A_340 : i32
          %ne3A_342 = arith.cmpi ne, %sign3A_334, %sign3A_341 : i32
          %rem3A_343 = arith.remsi %add3A_251, %jit3A_326 : i32
          %ne3A_344 = arith.constant 0 : i32
          %ne3A_345 = arith.cmpi ne, %rem3A_343, %ne3A_344 : i32
          %and3A_346 = arith.andi %ne3A_342, %ne3A_345 : i1
          %sub3A_347 = arith.constant 1 : i32
          %sub3A_348 = arith.subi %div3A_327, %sub3A_347 : i32
          %select_n3A_349 = arith.select %and3A_346, %sub3A_348, %div3A_327 : i32
          %mul3A_350 = arith.constant 128 : i32
          %mul3A_351 = arith.muli %select_n3A_349, %mul3A_350 : i32
          %sub3A_352 = arith.subi %add3A_251, %mul3A_351 : i32
          %scan3A_353 = arith.constant 0 : i32
          %scan3A_354 = arith.constant 0 : i32
          %mul3A_355 = arith.constant 16 : i32
          %mul3A_356 = arith.muli %scan3A_354, %mul3A_355 : i32
          %get3A_357 = arith.constant 0 : i32
          %get3A_358 = tpu.memref_slice %arg17[%add3A_325, %get3A_357] : memref<128x85xf32, #tpu.memory_space<vmem>> -> memref<1x85xf32, #tpu.memory_space<vmem>>
          %get3A_359 = tpu.memref_squeeze %get3A_358 : memref<1x85xf32, #tpu.memory_space<vmem>> -> memref<85xf32, #tpu.memory_space<vmem>>
          %get3A_360 = arith.index_cast %mul3A_356 : i32 to index
          %get3A_361 = tpu.vector_load %get3A_359[%get3A_360] {strides = array<i32>} : memref<85xf32, #tpu.memory_space<vmem>>, vector<16xf32>,
          %mul3A_362 = arith.constant 16 : i32
          %mul3A_363 = arith.muli %scan3A_354, %mul3A_362 : i32
          %swap3A_364 = arith.constant 0 : i32
          %swap3A_365 = tpu.memref_slice %arg18[%sub3A_352, %swap3A_364] : memref<128x85xf32, #tpu.memory_space<vmem>> -> memref<1x85xf32, #tpu.memory_space<vmem>>
          %swap3A_366 = tpu.memref_squeeze %swap3A_365 : memref<1x85xf32, #tpu.memory_space<vmem>> -> memref<85xf32, #tpu.memory_space<vmem>>
          %swap3A_367 = arith.index_cast %mul3A_363 : i32 to index
          %swap3A_368 = tpu.vector_load %swap3A_366[%swap3A_367] {strides = array<i32>} : memref<85xf32, #tpu.memory_space<vmem>>, vector<16xf32>,
          tpu.vector_store %swap3A_366[%swap3A_367], %get3A_361 {strides = array<i32>} : memref<85xf32, #tpu.memory_space<vmem>>, vector<16xf32>,
          %scan3A_369 = arith.constant 0 : i32
          %scan3A_370 = arith.constant 1 : i32
          %mul3A_371 = arith.constant 16 : i32
          %mul3A_372 = arith.muli %scan3A_370, %mul3A_371 : i32
          %get3A_373 = arith.constant 0 : i32
          %get3A_374 = tpu.memref_slice %arg17[%add3A_325, %get3A_373] : memref<128x85xf32, #tpu.memory_space<vmem>> -> memref<1x85xf32, #tpu.memory_space<vmem>>
          %get3A_375 = tpu.memref_squeeze %get3A_374 : memref<1x85xf32, #tpu.memory_space<vmem>> -> memref<85xf32, #tpu.memory_space<vmem>>
          %get3A_376 = arith.index_cast %mul3A_372 : i32 to index
          %get3A_377 = tpu.vector_load %get3A_375[%get3A_376] {strides = array<i32>} : memref<85xf32, #tpu.memory_space<vmem>>, vector<16xf32>,
          %mul3A_378 = arith.constant 16 : i32
          %mul3A_379 = arith.muli %scan3A_370, %mul3A_378 : i32
          %swap3A_380 = arith.constant 0 : i32
          %swap3A_381 = tpu.memref_slice %arg18[%sub3A_352, %swap3A_380] : memref<128x85xf32, #tpu.memory_space<vmem>> -> memref<1x85xf32, #tpu.memory_space<vmem>>
          %swap3A_382 = tpu.memref_squeeze %swap3A_381 : memref<1x85xf32, #tpu.memory_space<vmem>> -> memref<85xf32, #tpu.memory_space<vmem>>
          %swap3A_383 = arith.index_cast %mul3A_379 : i32 to index
          %swap3A_384 = tpu.vector_load %swap3A_382[%swap3A_383] {strides = array<i32>} : memref<85xf32, #tpu.memory_space<vmem>>, vector<16xf32>,
          tpu.vector_store %swap3A_382[%swap3A_383], %get3A_377 {strides = array<i32>} : memref<85xf32, #tpu.memory_space<vmem>>, vector<16xf32>,
          %scan3A_385 = arith.constant 0 : i32
          %scan3A_386 = arith.constant 2 : i32
          %mul3A_387 = arith.constant 16 : i32
          %mul3A_388 = arith.muli %scan3A_386, %mul3A_387 : i32
          %get3A_389 = arith.constant 0 : i32
          %get3A_390 = tpu.memref_slice %arg17[%add3A_325, %get3A_389] : memref<128x85xf32, #tpu.memory_space<vmem>> -> memref<1x85xf32, #tpu.memory_space<vmem>>
          %get3A_391 = tpu.memref_squeeze %get3A_390 : memref<1x85xf32, #tpu.memory_space<vmem>> -> memref<85xf32, #tpu.memory_space<vmem>>
          %get3A_392 = arith.index_cast %mul3A_388 : i32 to index
          %get3A_393 = tpu.vector_load %get3A_391[%get3A_392] {strides = array<i32>} : memref<85xf32, #tpu.memory_space<vmem>>, vector<16xf32>,
          %mul3A_394 = arith.constant 16 : i32
          %mul3A_395 = arith.muli %scan3A_386, %mul3A_394 : i32
          %swap3A_396 = arith.constant 0 : i32
          %swap3A_397 = tpu.memref_slice %arg18[%sub3A_352, %swap3A_396] : memref<128x85xf32, #tpu.memory_space<vmem>> -> memref<1x85xf32, #tpu.memory_space<vmem>>
          %swap3A_398 = tpu.memref_squeeze %swap3A_397 : memref<1x85xf32, #tpu.memory_space<vmem>> -> memref<85xf32, #tpu.memory_space<vmem>>
          %swap3A_399 = arith.index_cast %mul3A_395 : i32 to index
          %swap3A_400 = tpu.vector_load %swap3A_398[%swap3A_399] {strides = array<i32>} : memref<85xf32, #tpu.memory_space<vmem>>, vector<16xf32>,
          tpu.vector_store %swap3A_398[%swap3A_399], %get3A_393 {strides = array<i32>} : memref<85xf32, #tpu.memory_space<vmem>>, vector<16xf32>,
          %scan3A_401 = arith.constant 0 : i32
          %scan3A_402 = arith.constant 3 : i32
          %mul3A_403 = arith.constant 16 : i32
          %mul3A_404 = arith.muli %scan3A_402, %mul3A_403 : i32
          %get3A_405 = arith.constant 0 : i32
          %get3A_406 = tpu.memref_slice %arg17[%add3A_325, %get3A_405] : memref<128x85xf32, #tpu.memory_space<vmem>> -> memref<1x85xf32, #tpu.memory_space<vmem>>
          %get3A_407 = tpu.memref_squeeze %get3A_406 : memref<1x85xf32, #tpu.memory_space<vmem>> -> memref<85xf32, #tpu.memory_space<vmem>>
          %get3A_408 = arith.index_cast %mul3A_404 : i32 to index
          %get3A_409 = tpu.vector_load %get3A_407[%get3A_408] {strides = array<i32>} : memref<85xf32, #tpu.memory_space<vmem>>, vector<16xf32>,
          %mul3A_410 = arith.constant 16 : i32
          %mul3A_411 = arith.muli %scan3A_402, %mul3A_410 : i32
          %swap3A_412 = arith.constant 0 : i32
          %swap3A_413 = tpu.memref_slice %arg18[%sub3A_352, %swap3A_412] : memref<128x85xf32, #tpu.memory_space<vmem>> -> memref<1x85xf32, #tpu.memory_space<vmem>>
          %swap3A_414 = tpu.memref_squeeze %swap3A_413 : memref<1x85xf32, #tpu.memory_space<vmem>> -> memref<85xf32, #tpu.memory_space<vmem>>
          %swap3A_415 = arith.index_cast %mul3A_411 : i32 to index
          %swap3A_416 = tpu.vector_load %swap3A_414[%swap3A_415] {strides = array<i32>} : memref<85xf32, #tpu.memory_space<vmem>>, vector<16xf32>,
          tpu.vector_store %swap3A_414[%swap3A_415], %get3A_409 {strides = array<i32>} : memref<85xf32, #tpu.memory_space<vmem>>, vector<16xf32>,
          %scan3A_417 = arith.constant 0 : i32
          %scan3A_418 = arith.constant 4 : i32
          %mul3A_419 = arith.constant 16 : i32
          %mul3A_420 = arith.muli %scan3A_418, %mul3A_419 : i32
          %get3A_421 = arith.constant 0 : i32
          %get3A_422 = tpu.memref_slice %arg17[%add3A_325, %get3A_421] : memref<128x85xf32, #tpu.memory_space<vmem>> -> memref<1x85xf32, #tpu.memory_space<vmem>>
          %get3A_423 = tpu.memref_squeeze %get3A_422 : memref<1x85xf32, #tpu.memory_space<vmem>> -> memref<85xf32, #tpu.memory_space<vmem>>
          %get3A_424 = arith.index_cast %mul3A_420 : i32 to index
          %get3A_425 = tpu.vector_load %get3A_423[%get3A_424] {strides = array<i32>} : memref<85xf32, #tpu.memory_space<vmem>>, vector<16xf32>,
          %mul3A_426 = arith.constant 16 : i32
          %mul3A_427 = arith.muli %scan3A_418, %mul3A_426 : i32
          %swap3A_428 = arith.constant 0 : i32
          %swap3A_429 = tpu.memref_slice %arg18[%sub3A_352, %swap3A_428] : memref<128x85xf32, #tpu.memory_space<vmem>> -> memref<1x85xf32, #tpu.memory_space<vmem>>
          %swap3A_430 = tpu.memref_squeeze %swap3A_429 : memref<1x85xf32, #tpu.memory_space<vmem>> -> memref<85xf32, #tpu.memory_space<vmem>>
          %swap3A_431 = arith.index_cast %mul3A_427 : i32 to index
          %swap3A_432 = tpu.vector_load %swap3A_430[%swap3A_431] {strides = array<i32>} : memref<85xf32, #tpu.memory_space<vmem>>, vector<16xf32>,
          tpu.vector_store %swap3A_430[%swap3A_431], %get3A_425 {strides = array<i32>} : memref<85xf32, #tpu.memory_space<vmem>>, vector<16xf32>,
          %scan3A_433 = arith.constant 0 : i32
          %scan3A_434 = arith.constant 5 : i32
          %get3A_435 = arith.constant 0 : i32
          %get3A_436 = tpu.memref_slice %arg17[%add3A_325, %get3A_435] : memref<128x85xf32, #tpu.memory_space<vmem>> -> memref<1x85xf32, #tpu.memory_space<vmem>>
          %get3A_437 = tpu.memref_squeeze %get3A_436 : memref<1x85xf32, #tpu.memory_space<vmem>> -> memref<85xf32, #tpu.memory_space<vmem>>
          %get3A_438 = arith.constant 69 : index
          %get3A_439 = tpu.vector_load %get3A_437[%get3A_438] {strides = array<i32>} : memref<85xf32, #tpu.memory_space<vmem>>, vector<16xf32>,
          %swap3A_440 = arith.constant 0 : i32
          %swap3A_441 = tpu.memref_slice %arg18[%sub3A_352, %swap3A_440] : memref<128x85xf32, #tpu.memory_space<vmem>> -> memref<1x85xf32, #tpu.memory_space<vmem>>
          %swap3A_442 = tpu.memref_squeeze %swap3A_441 : memref<1x85xf32, #tpu.memory_space<vmem>> -> memref<85xf32, #tpu.memory_space<vmem>>
          %swap3A_443 = arith.constant 69 : index
          %swap3A_444 = tpu.vector_load %swap3A_442[%swap3A_443] {strides = array<i32>} : memref<85xf32, #tpu.memory_space<vmem>>, vector<16xf32>,
          tpu.vector_store %swap3A_442[%swap3A_443], %get3A_439 {strides = array<i32>} : memref<85xf32, #tpu.memory_space<vmem>>, vector<16xf32>,
          %scan3A_445 = arith.constant 0 : i32
          scf.yield %scan3A_445 : i32
        }
        %scan3A_245 = arith.constant 8 : i32
      } else {
      }
      %eq3A_196 = arith.constant 0 : i32
      %eq3A_197 = arith.cmpi eq, %sub3A_175, %eq3A_196 : i32
      %convert_element_type3A_198 = arith.extui %eq3A_197 : i1 to i32
      %cond3A_199 = arith.constant 0 : i32
      %cond3A_200 = arith.cmpi ne, %convert_element_type3A_198, %cond3A_199 : i32
      scf.if %cond3A_200 {
        %sub3A_237 = arith.constant 1 : i32
        %sub3A_238 = arith.subi %scan3A_147, %sub3A_237 : i32
        %scan3A_239 = arith.constant 0 : i32
        %scan3A_240 = arith.constant 0 : i32
        %scan3A_241 = arith.constant 8 : i32
        %scan3A_242 = arith.addi %scan3A_240, %scan3A_241 : i32
        %scan3A_243 = arith.constant 1 : i32
        %scan3A_244 = scf.for %scan3A_246 = %scan3A_240 to %scan3A_242 step %scan3A_243 iter_args(%scan3A_247 = %scan3A_239) -> (i32)  : i32 {
          %mul3A_248 = arith.constant 8 : i32
          %mul3A_249 = arith.muli %sub3A_238, %mul3A_248 : i32
          %add3A_250 = arith.addi %mul3A_124, %mul3A_249 : i32
          %add3A_251 = arith.addi %add3A_250, %scan3A_246 : i32
          %jit3A_252 = arith.constant 16 : i32
          %div3A_253 = arith.divsi %add3A_251, %jit3A_252 : i32
          %sign3A_254 = arith.constant 0 : i32
          %sign3A_255 = arith.cmpi sgt, %add3A_251, %sign3A_254 : i32
          %sign3A_256 = arith.extui %sign3A_255 : i1 to i32
          %sign3A_257 = arith.constant 0 : i32
          %sign3A_258 = arith.cmpi slt, %add3A_251, %sign3A_257 : i32
          %sign3A_259 = arith.extui %sign3A_258 : i1 to i32
          %sign3A_260 = arith.subi %sign3A_256, %sign3A_259 : i32
          %sign3A_261 = arith.constant 0 : i32
          %sign3A_262 = arith.cmpi sgt, %jit3A_252, %sign3A_261 : i32
          %sign3A_263 = arith.extui %sign3A_262 : i1 to i32
          %sign3A_264 = arith.constant 0 : i32
          %sign3A_265 = arith.cmpi slt, %jit3A_252, %sign3A_264 : i32
          %sign3A_266 = arith.extui %sign3A_265 : i1 to i32
          %sign3A_267 = arith.subi %sign3A_263, %sign3A_266 : i32
          %ne3A_268 = arith.cmpi ne, %sign3A_260, %sign3A_267 : i32
          %rem3A_269 = arith.remsi %add3A_251, %jit3A_252 : i32
          %ne3A_270 = arith.constant 0 : i32
          %ne3A_271 = arith.cmpi ne, %rem3A_269, %ne3A_270 : i32
          %and3A_272 = arith.andi %ne3A_268, %ne3A_271 : i1
          %sub3A_273 = arith.constant 1 : i32
          %sub3A_274 = arith.subi %div3A_253, %sub3A_273 : i32
          %select_n3A_275 = arith.select %and3A_272, %sub3A_274, %div3A_253 : i32
          %mul3A_276 = arith.constant 16 : i32
          %mul3A_277 = arith.muli %select_n3A_275, %mul3A_276 : i32
          %sub3A_278 = arith.subi %add3A_251, %mul3A_277 : i32
          %mul3A_279 = arith.constant 8 : i32
          %mul3A_280 = arith.muli %sub3A_278, %mul3A_279 : i32
          %dma_wait3A = arith.constant 0 : i32
          %dma_wait3A_281 = tpu.memref_slice %arg17[%mul3A_280, %dma_wait3A] : memref<128x85xf32, #tpu.memory_space<vmem>> -> memref<8x85xf32, #tpu.memory_space<vmem>>
          %dma_wait3A_282 = arith.constant 0 : i32
          %dma_wait3A_283 = arith.constant 0 : i32
          %dma_wait3A_284 = tpu.memref_slice %arg2[%add3A, %dma_wait3A_282, %dma_wait3A_283] : memref<16x20000x85xf32, #tpu.memory_space<hbm>> -> memref<1x8x85xf32, #tpu.memory_space<hbm>>
          %dma_wait3A_285 = tpu.memref_squeeze %dma_wait3A_284 : memref<1x8x85xf32, #tpu.memory_space<hbm>> -> memref<8x85xf32, #tpu.memory_space<hbm>>
          %dma_wait3A_286 = arith.constant 0 : i32
          %dma_wait3A_287 = tpu.memref_slice %arg17[%mul3A_280, %dma_wait3A_286] : memref<128x85xf32, #tpu.memory_space<vmem>> -> memref<8x85xf32, #tpu.memory_space<vmem>>
          %dma_wait3A_288 = arith.constant 0 : i32
          %dma_wait3A_289 = arith.constant 0 : i32
          %dma_wait3A_290 = tpu.memref_slice %arg2[%add3A, %dma_wait3A_288, %dma_wait3A_289] : memref<16x20000x85xf32, #tpu.memory_space<hbm>> -> memref<1x8x85xf32, #tpu.memory_space<hbm>>
          %dma_wait3A_291 = tpu.memref_squeeze %dma_wait3A_290 : memref<1x8x85xf32, #tpu.memory_space<hbm>> -> memref<8x85xf32, #tpu.memory_space<hbm>>
          tpu.wait_dma2 semaphore(%arg24 : memref<!tpu.dma_semaphore, #tpu.memory_space<semaphore_mem>>) src(%dma_wait3A_291 : memref<8x85xf32, #tpu.memory_space<hbm>>) dst(%dma_wait3A_287 : memref<8x85xf32, #tpu.memory_space<vmem>>)
          %get3A_292 = arith.index_cast %add3A_251 : i32 to index
          %get3A_293 = tpu.vector_load %arg12[%get3A_292] {strides = array<i32>} : memref<1536xi32, #tpu.memory_space<vmem>>, vector<16xi32>,
          %slice3A_294 = vector.extract_strided_slice %get3A_293 {offsets = [0], sizes = [1], strides = [1]} : vector<16xi32> to vector<1xi32>
          %squeeze3A_295 = vector.extract %slice3A_294[0] : i32 from vector<1xi32>
          %jit3A_296 = arith.constant 8 : i32
          %div3A_297 = arith.divsi %squeeze3A_295, %jit3A_296 : i32
          %sign3A_298 = arith.constant 0 : i32
          %sign3A_299 = arith.cmpi sgt, %squeeze3A_295, %sign3A_298 : i32
          %sign3A_300 = arith.extui %sign3A_299 : i1 to i32
          %sign3A_301 = arith.constant 0 : i32
          %sign3A_302 = arith.cmpi slt, %squeeze3A_295, %sign3A_301 : i32
          %sign3A_303 = arith.extui %sign3A_302 : i1 to i32
          %sign3A_304 = arith.subi %sign3A_300, %sign3A_303 : i32
          %sign3A_305 = arith.constant 0 : i32
          %sign3A_306 = arith.cmpi sgt, %jit3A_296, %sign3A_305 : i32
          %sign3A_307 = arith.extui %sign3A_306 : i1 to i32
          %sign3A_308 = arith.constant 0 : i32
          %sign3A_309 = arith.cmpi slt, %jit3A_296, %sign3A_308 : i32
          %sign3A_310 = arith.extui %sign3A_309 : i1 to i32
          %sign3A_311 = arith.subi %sign3A_307, %sign3A_310 : i32
          %ne3A_312 = arith.cmpi ne, %sign3A_304, %sign3A_311 : i32
          %rem3A_313 = arith.remsi %squeeze3A_295, %jit3A_296 : i32
          %ne3A_314 = arith.constant 0 : i32
          %ne3A_315 = arith.cmpi ne, %rem3A_313, %ne3A_314 : i32
          %and3A_316 = arith.andi %ne3A_312, %ne3A_315 : i1
          %sub3A_317 = arith.constant 1 : i32
          %sub3A_318 = arith.subi %div3A_297, %sub3A_317 : i32
          %select_n3A_319 = arith.select %and3A_316, %sub3A_318, %div3A_297 : i32
          %mul3A_320 = arith.constant 8 : i32
          %mul3A_321 = arith.muli %select_n3A_319, %mul3A_320 : i32
          %sub3A_322 = arith.subi %squeeze3A_295, %mul3A_321 : i32
          %mul3A_323 = arith.constant 8 : i32
          %mul3A_324 = arith.muli %sub3A_278, %mul3A_323 : i32
          %add3A_325 = arith.addi %mul3A_324, %sub3A_322 : i32
          %jit3A_326 = arith.constant 128 : i32
          %div3A_327 = arith.divsi %add3A_251, %jit3A_326 : i32
          %sign3A_328 = arith.constant 0 : i32
          %sign3A_329 = arith.cmpi sgt, %add3A_251, %sign3A_328 : i32
          %sign3A_330 = arith.extui %sign3A_329 : i1 to i32
          %sign3A_331 = arith.constant 0 : i32
          %sign3A_332 = arith.cmpi slt, %add3A_251, %sign3A_331 : i32
          %sign3A_333 = arith.extui %sign3A_332 : i1 to i32
          %sign3A_334 = arith.subi %sign3A_330, %sign3A_333 : i32
          %sign3A_335 = arith.constant 0 : i32
          %sign3A_336 = arith.cmpi sgt, %jit3A_326, %sign3A_335 : i32
          %sign3A_337 = arith.extui %sign3A_336 : i1 to i32
          %sign3A_338 = arith.constant 0 : i32
          %sign3A_339 = arith.cmpi slt, %jit3A_326, %sign3A_338 : i32
          %sign3A_340 = arith.extui %sign3A_339 : i1 to i32
          %sign3A_341 = arith.subi %sign3A_337, %sign3A_340 : i32
          %ne3A_342 = arith.cmpi ne, %sign3A_334, %sign3A_341 : i32
          %rem3A_343 = arith.remsi %add3A_251, %jit3A_326 : i32
          %ne3A_344 = arith.constant 0 : i32
          %ne3A_345 = arith.cmpi ne, %rem3A_343, %ne3A_344 : i32
          %and3A_346 = arith.andi %ne3A_342, %ne3A_345 : i1
          %sub3A_347 = arith.constant 1 : i32
          %sub3A_348 = arith.subi %div3A_327, %sub3A_347 : i32
          %select_n3A_349 = arith.select %and3A_346, %sub3A_348, %div3A_327 : i32
          %mul3A_350 = arith.constant 128 : i32
          %mul3A_351 = arith.muli %select_n3A_349, %mul3A_350 : i32
          %sub3A_352 = arith.subi %add3A_251, %mul3A_351 : i32
          %scan3A_353 = arith.constant 0 : i32
          %scan3A_354 = arith.constant 0 : i32
          %mul3A_355 = arith.constant 16 : i32
          %mul3A_356 = arith.muli %scan3A_354, %mul3A_355 : i32
          %get3A_357 = arith.constant 0 : i32
          %get3A_358 = tpu.memref_slice %arg17[%add3A_325, %get3A_357] : memref<128x85xf32, #tpu.memory_space<vmem>> -> memref<1x85xf32, #tpu.memory_space<vmem>>
          %get3A_359 = tpu.memref_squeeze %get3A_358 : memref<1x85xf32, #tpu.memory_space<vmem>> -> memref<85xf32, #tpu.memory_space<vmem>>
          %get3A_360 = arith.index_cast %mul3A_356 : i32 to index
          %get3A_361 = tpu.vector_load %get3A_359[%get3A_360] {strides = array<i32>} : memref<85xf32, #tpu.memory_space<vmem>>, vector<16xf32>,
          %mul3A_362 = arith.constant 16 : i32
          %mul3A_363 = arith.muli %scan3A_354, %mul3A_362 : i32
          %swap3A_364 = arith.constant 0 : i32
          %swap3A_365 = tpu.memref_slice %arg18[%sub3A_352, %swap3A_364] : memref<128x85xf32, #tpu.memory_space<vmem>> -> memref<1x85xf32, #tpu.memory_space<vmem>>
          %swap3A_366 = tpu.memref_squeeze %swap3A_365 : memref<1x85xf32, #tpu.memory_space<vmem>> -> memref<85xf32, #tpu.memory_space<vmem>>
          %swap3A_367 = arith.index_cast %mul3A_363 : i32 to index
          %swap3A_368 = tpu.vector_load %swap3A_366[%swap3A_367] {strides = array<i32>} : memref<85xf32, #tpu.memory_space<vmem>>, vector<16xf32>,
          tpu.vector_store %swap3A_366[%swap3A_367], %get3A_361 {strides = array<i32>} : memref<85xf32, #tpu.memory_space<vmem>>, vector<16xf32>,
          %scan3A_369 = arith.constant 0 : i32
          %scan3A_370 = arith.constant 1 : i32
          %mul3A_371 = arith.constant 16 : i32
          %mul3A_372 = arith.muli %scan3A_370, %mul3A_371 : i32
          %get3A_373 = arith.constant 0 : i32
          %get3A_374 = tpu.memref_slice %arg17[%add3A_325, %get3A_373] : memref<128x85xf32, #tpu.memory_space<vmem>> -> memref<1x85xf32, #tpu.memory_space<vmem>>
          %get3A_375 = tpu.memref_squeeze %get3A_374 : memref<1x85xf32, #tpu.memory_space<vmem>> -> memref<85xf32, #tpu.memory_space<vmem>>
          %get3A_376 = arith.index_cast %mul3A_372 : i32 to index
          %get3A_377 = tpu.vector_load %get3A_375[%get3A_376] {strides = array<i32>} : memref<85xf32, #tpu.memory_space<vmem>>, vector<16xf32>,
          %mul3A_378 = arith.constant 16 : i32
          %mul3A_379 = arith.muli %scan3A_370, %mul3A_378 : i32
          %swap3A_380 = arith.constant 0 : i32
          %swap3A_381 = tpu.memref_slice %arg18[%sub3A_352, %swap3A_380] : memref<128x85xf32, #tpu.memory_space<vmem>> -> memref<1x85xf32, #tpu.memory_space<vmem>>
          %swap3A_382 = tpu.memref_squeeze %swap3A_381 : memref<1x85xf32, #tpu.memory_space<vmem>> -> memref<85xf32, #tpu.memory_space<vmem>>
          %swap3A_383 = arith.index_cast %mul3A_379 : i32 to index
          %swap3A_384 = tpu.vector_load %swap3A_382[%swap3A_383] {strides = array<i32>} : memref<85xf32, #tpu.memory_space<vmem>>, vector<16xf32>,
          tpu.vector_store %swap3A_382[%swap3A_383], %get3A_377 {strides = array<i32>} : memref<85xf32, #tpu.memory_space<vmem>>, vector<16xf32>,
          %scan3A_385 = arith.constant 0 : i32
          %scan3A_386 = arith.constant 2 : i32
          %mul3A_387 = arith.constant 16 : i32
          %mul3A_388 = arith.muli %scan3A_386, %mul3A_387 : i32
          %get3A_389 = arith.constant 0 : i32
          %get3A_390 = tpu.memref_slice %arg17[%add3A_325, %get3A_389] : memref<128x85xf32, #tpu.memory_space<vmem>> -> memref<1x85xf32, #tpu.memory_space<vmem>>
          %get3A_391 = tpu.memref_squeeze %get3A_390 : memref<1x85xf32, #tpu.memory_space<vmem>> -> memref<85xf32, #tpu.memory_space<vmem>>
          %get3A_392 = arith.index_cast %mul3A_388 : i32 to index
          %get3A_393 = tpu.vector_load %get3A_391[%get3A_392] {strides = array<i32>} : memref<85xf32, #tpu.memory_space<vmem>>, vector<16xf32>,
          %mul3A_394 = arith.constant 16 : i32
          %mul3A_395 = arith.muli %scan3A_386, %mul3A_394 : i32
          %swap3A_396 = arith.constant 0 : i32
          %swap3A_397 = tpu.memref_slice %arg18[%sub3A_352, %swap3A_396] : memref<128x85xf32, #tpu.memory_space<vmem>> -> memref<1x85xf32, #tpu.memory_space<vmem>>
          %swap3A_398 = tpu.memref_squeeze %swap3A_397 : memref<1x85xf32, #tpu.memory_space<vmem>> -> memref<85xf32, #tpu.memory_space<vmem>>
          %swap3A_399 = arith.index_cast %mul3A_395 : i32 to index
          %swap3A_400 = tpu.vector_load %swap3A_398[%swap3A_399] {strides = array<i32>} : memref<85xf32, #tpu.memory_space<vmem>>, vector<16xf32>,
          tpu.vector_store %swap3A_398[%swap3A_399], %get3A_393 {strides = array<i32>} : memref<85xf32, #tpu.memory_space<vmem>>, vector<16xf32>,
          %scan3A_401 = arith.constant 0 : i32
          %scan3A_402 = arith.constant 3 : i32
          %mul3A_403 = arith.constant 16 : i32
          %mul3A_404 = arith.muli %scan3A_402, %mul3A_403 : i32
          %get3A_405 = arith.constant 0 : i32
          %get3A_406 = tpu.memref_slice %arg17[%add3A_325, %get3A_405] : memref<128x85xf32, #tpu.memory_space<vmem>> -> memref<1x85xf32, #tpu.memory_space<vmem>>
          %get3A_407 = tpu.memref_squeeze %get3A_406 : memref<1x85xf32, #tpu.memory_space<vmem>> -> memref<85xf32, #tpu.memory_space<vmem>>
          %get3A_408 = arith.index_cast %mul3A_404 : i32 to index
          %get3A_409 = tpu.vector_load %get3A_407[%get3A_408] {strides = array<i32>} : memref<85xf32, #tpu.memory_space<vmem>>, vector<16xf32>,
          %mul3A_410 = arith.constant 16 : i32
          %mul3A_411 = arith.muli %scan3A_402, %mul3A_410 : i32
          %swap3A_412 = arith.constant 0 : i32
          %swap3A_413 = tpu.memref_slice %arg18[%sub3A_352, %swap3A_412] : memref<128x85xf32, #tpu.memory_space<vmem>> -> memref<1x85xf32, #tpu.memory_space<vmem>>
          %swap3A_414 = tpu.memref_squeeze %swap3A_413 : memref<1x85xf32, #tpu.memory_space<vmem>> -> memref<85xf32, #tpu.memory_space<vmem>>
          %swap3A_415 = arith.index_cast %mul3A_411 : i32 to index
          %swap3A_416 = tpu.vector_load %swap3A_414[%swap3A_415] {strides = array<i32>} : memref<85xf32, #tpu.memory_space<vmem>>, vector<16xf32>,
          tpu.vector_store %swap3A_414[%swap3A_415], %get3A_409 {strides = array<i32>} : memref<85xf32, #tpu.memory_space<vmem>>, vector<16xf32>,
          %scan3A_417 = arith.constant 0 : i32
          %scan3A_418 = arith.constant 4 : i32
          %mul3A_419 = arith.constant 16 : i32
          %mul3A_420 = arith.muli %scan3A_418, %mul3A_419 : i32
          %get3A_421 = arith.constant 0 : i32
          %get3A_422 = tpu.memref_slice %arg17[%add3A_325, %get3A_421] : memref<128x85xf32, #tpu.memory_space<vmem>> -> memref<1x85xf32, #tpu.memory_space<vmem>>
          %get3A_423 = tpu.memref_squeeze %get3A_422 : memref<1x85xf32, #tpu.memory_space<vmem>> -> memref<85xf32, #tpu.memory_space<vmem>>
          %get3A_424 = arith.index_cast %mul3A_420 : i32 to index
          %get3A_425 = tpu.vector_load %get3A_423[%get3A_424] {strides = array<i32>} : memref<85xf32, #tpu.memory_space<vmem>>, vector<16xf32>,
          %mul3A_426 = arith.constant 16 : i32
          %mul3A_427 = arith.muli %scan3A_418, %mul3A_426 : i32
          %swap3A_428 = arith.constant 0 : i32
          %swap3A_429 = tpu.memref_slice %arg18[%sub3A_352, %swap3A_428] : memref<128x85xf32, #tpu.memory_space<vmem>> -> memref<1x85xf32, #tpu.memory_space<vmem>>
          %swap3A_430 = tpu.memref_squeeze %swap3A_429 : memref<1x85xf32, #tpu.memory_space<vmem>> -> memref<85xf32, #tpu.memory_space<vmem>>
          %swap3A_431 = arith.index_cast %mul3A_427 : i32 to index
          %swap3A_432 = tpu.vector_load %swap3A_430[%swap3A_431] {strides = array<i32>} : memref<85xf32, #tpu.memory_space<vmem>>, vector<16xf32>,
          tpu.vector_store %swap3A_430[%swap3A_431], %get3A_425 {strides = array<i32>} : memref<85xf32, #tpu.memory_space<vmem>>, vector<16xf32>,
          %scan3A_433 = arith.constant 0 : i32
          %scan3A_434 = arith.constant 5 : i32
          %get3A_435 = arith.constant 0 : i32
          %get3A_436 = tpu.memref_slice %arg17[%add3A_325, %get3A_435] : memref<128x85xf32, #tpu.memory_space<vmem>> -> memref<1x85xf32, #tpu.memory_space<vmem>>
          %get3A_437 = tpu.memref_squeeze %get3A_436 : memref<1x85xf32, #tpu.memory_space<vmem>> -> memref<85xf32, #tpu.memory_space<vmem>>
          %get3A_438 = arith.constant 69 : index
          %get3A_439 = tpu.vector_load %get3A_437[%get3A_438] {strides = array<i32>} : memref<85xf32, #tpu.memory_space<vmem>>, vector<16xf32>,
          %swap3A_440 = arith.constant 0 : i32
          %swap3A_441 = tpu.memref_slice %arg18[%sub3A_352, %swap3A_440] : memref<128x85xf32, #tpu.memory_space<vmem>> -> memref<1x85xf32, #tpu.memory_space<vmem>>
          %swap3A_442 = tpu.memref_squeeze %swap3A_441 : memref<1x85xf32, #tpu.memory_space<vmem>> -> memref<85xf32, #tpu.memory_space<vmem>>
          %swap3A_443 = arith.constant 69 : index
          %swap3A_444 = tpu.vector_load %swap3A_442[%swap3A_443] {strides = array<i32>} : memref<85xf32, #tpu.memory_space<vmem>>, vector<16xf32>,
          tpu.vector_store %swap3A_442[%swap3A_443], %get3A_439 {strides = array<i32>} : memref<85xf32, #tpu.memory_space<vmem>>, vector<16xf32>,
          %scan3A_445 = arith.constant 0 : i32
          scf.yield %scan3A_445 : i32
        }
        %scan3A_245 = arith.constant 8 : i32
      } else {
      }
      %jit3A_201 = arith.constant 16 : i32
      %div3A_202 = arith.divsi %scan3A_147, %jit3A_201 : i32
      %sign3A_203 = arith.constant 0 : i32
      %sign3A_204 = arith.cmpi sgt, %scan3A_147, %sign3A_203 : i32
      %sign3A_205 = arith.extui %sign3A_204 : i1 to i32
      %sign3A_206 = arith.constant 0 : i32
      %sign3A_207 = arith.cmpi slt, %scan3A_147, %sign3A_206 : i32
      %sign3A_208 = arith.extui %sign3A_207 : i1 to i32
      %sign3A_209 = arith.subi %sign3A_205, %sign3A_208 : i32
      %sign3A_210 = arith.constant 0 : i32
      %sign3A_211 = arith.cmpi sgt, %jit3A_201, %sign3A_210 : i32
      %sign3A_212 = arith.extui %sign3A_211 : i1 to i32
      %sign3A_213 = arith.constant 0 : i32
      %sign3A_214 = arith.cmpi slt, %jit3A_201, %sign3A_213 : i32
      %sign3A_215 = arith.extui %sign3A_214 : i1 to i32
      %sign3A_216 = arith.subi %sign3A_212, %sign3A_215 : i32
      %ne3A_217 = arith.cmpi ne, %sign3A_209, %sign3A_216 : i32
      %rem3A_218 = arith.remsi %scan3A_147, %jit3A_201 : i32
      %ne3A_219 = arith.constant 0 : i32
      %ne3A_220 = arith.cmpi ne, %rem3A_218, %ne3A_219 : i32
      %and3A_221 = arith.andi %ne3A_217, %ne3A_220 : i1
      %sub3A_222 = arith.constant 1 : i32
      %sub3A_223 = arith.subi %div3A_202, %sub3A_222 : i32
      %select_n3A_224 = arith.select %and3A_221, %sub3A_223, %div3A_202 : i32
      %mul3A_225 = arith.constant 16 : i32
      %mul3A_226 = arith.muli %select_n3A_224, %mul3A_225 : i32
      %sub3A_227 = arith.subi %scan3A_147, %mul3A_226 : i32
      %eq3A_228 = arith.constant 0 : i32
      %eq3A_229 = arith.cmpi eq, %sub3A_227, %eq3A_228 : i32
      %lt3A_230 = arith.constant 64 : i32
      %lt3A_231 = arith.cmpi slt, %scan3A_147, %lt3A_230 : i32
      %and3A_232 = arith.andi %eq3A_229, %lt3A_231 : i1
      %convert_element_type3A_233 = arith.extui %and3A_232 : i1 to i32
      %cond3A_234 = arith.constant 0 : i32
      %cond3A_235 = arith.cmpi ne, %convert_element_type3A_233, %cond3A_234 : i32
      scf.if %cond3A_235 {
        %mul3A_237 = arith.constant 4 : i32
        %mul3A_238 = arith.muli %sub3A_43, %mul3A_237 : i32
        %jit3A_239 = arith.constant 16 : i32
        %div3A_240 = arith.divsi %scan3A_147, %jit3A_239 : i32
        %sign3A_241 = arith.constant 0 : i32
        %sign3A_242 = arith.cmpi sgt, %scan3A_147, %sign3A_241 : i32
        %sign3A_243 = arith.extui %sign3A_242 : i1 to i32
        %sign3A_244 = arith.constant 0 : i32
        %sign3A_245 = arith.cmpi slt, %scan3A_147, %sign3A_244 : i32
        %sign3A_246 = arith.extui %sign3A_245 : i1 to i32
        %sign3A_247 = arith.subi %sign3A_243, %sign3A_246 : i32
        %sign3A_248 = arith.constant 0 : i32
        %sign3A_249 = arith.cmpi sgt, %jit3A_239, %sign3A_248 : i32
        %sign3A_250 = arith.extui %sign3A_249 : i1 to i32
        %sign3A_251 = arith.constant 0 : i32
        %sign3A_252 = arith.cmpi slt, %jit3A_239, %sign3A_251 : i32
        %sign3A_253 = arith.extui %sign3A_252 : i1 to i32
        %sign3A_254 = arith.subi %sign3A_250, %sign3A_253 : i32
        %ne3A_255 = arith.cmpi ne, %sign3A_247, %sign3A_254 : i32
        %rem3A_256 = arith.remsi %scan3A_147, %jit3A_239 : i32
        %ne3A_257 = arith.constant 0 : i32
        %ne3A_258 = arith.cmpi ne, %rem3A_256, %ne3A_257 : i32
        %and3A_259 = arith.andi %ne3A_255, %ne3A_258 : i1
        %sub3A_260 = arith.constant 1 : i32
        %sub3A_261 = arith.subi %div3A_240, %sub3A_260 : i32
        %select_n3A_262 = arith.select %and3A_259, %sub3A_261, %div3A_240 : i32
        %add3A_263 = arith.addi %mul3A_238, %select_n3A_262 : i32
        %sub3A_264 = arith.constant 1 : i32
        %sub3A_265 = arith.subi %add3A_263, %sub3A_264 : i32
        %mul3A_266 = arith.constant 128 : i32
        %mul3A_267 = arith.muli %sub3A_265, %mul3A_266 : i32
        %add3A_268 = arith.constant 128 : i32
        %add3A_269 = arith.addi %mul3A_267, %add3A_268 : i32
        %lt3A_270 = arith.cmpi slt, %squeeze3A, %add3A_269 : i32
        %convert_element_type3A_271 = arith.extui %lt3A_270 : i1 to i32
        %cond3A_272 = arith.constant 0 : i32
        %cond3A_273 = arith.cmpi ne, %convert_element_type3A_271, %cond3A_272 : i32
        scf.if %cond3A_273 {
          %scan3A_276 = arith.constant 0 : i32
          %scan3A_277 = arith.constant 0 : i32
          %scan3A_278 = arith.constant 128 : i32
          %scan3A_279 = arith.addi %scan3A_277, %scan3A_278 : i32
          %scan3A_280 = arith.constant 1 : i32
          %scan3A_281 = scf.for %scan3A_283 = %scan3A_277 to %scan3A_279 step %scan3A_280 iter_args(%scan3A_284 = %scan3A_276) -> (i32)  : i32 {
            %mul3A_285 = arith.constant 128 : i32
            %mul3A_286 = arith.muli %sub3A_265, %mul3A_285 : i32
            %add3A_287 = arith.addi %mul3A_286, %scan3A_283 : i32
            %ge3A = arith.cmpi sge, %add3A_287, %squeeze3A : i32
            %convert_element_type3A_288 = arith.extui %ge3A : i1 to i32
            %cond3A_289 = arith.constant 0 : i32
            %cond3A_290 = arith.cmpi ne, %convert_element_type3A_288, %cond3A_289 : i32
            scf.if %cond3A_290 {
              %scan3A_292 = arith.constant 0 : i32
              %scan3A_293 = arith.constant 0 : i32
              %mul3A_294 = arith.constant 16 : i32
              %mul3A_295 = arith.muli %scan3A_293, %mul3A_294 : i32
              %swap3A_296 = arith.constant 0 : i32
              %swap3A_297 = tpu.memref_slice %arg18[%scan3A_283, %swap3A_296] : memref<128x85xf32, #tpu.memory_space<vmem>> -> memref<1x85xf32, #tpu.memory_space<vmem>>
              %swap3A_298 = tpu.memref_squeeze %swap3A_297 : memref<1x85xf32, #tpu.memory_space<vmem>> -> memref<85xf32, #tpu.memory_space<vmem>>
              %swap3A_299 = arith.index_cast %mul3A_295 : i32 to index
              %swap3A_300 = tpu.vector_load %swap3A_298[%swap3A_299] {strides = array<i32>} : memref<85xf32, #tpu.memory_space<vmem>>, vector<16xf32>,
              tpu.vector_store %swap3A_298[%swap3A_299], %broadcast_in_dim3A_51 {strides = array<i32>} : memref<85xf32, #tpu.memory_space<vmem>>, vector<16xf32>,
              %scan3A_301 = arith.constant 0 : i32
              %scan3A_302 = arith.constant 1 : i32
              %mul3A_303 = arith.constant 16 : i32
              %mul3A_304 = arith.muli %scan3A_302, %mul3A_303 : i32
              %swap3A_305 = arith.constant 0 : i32
              %swap3A_306 = tpu.memref_slice %arg18[%scan3A_283, %swap3A_305] : memref<128x85xf32, #tpu.memory_space<vmem>> -> memref<1x85xf32, #tpu.memory_space<vmem>>
              %swap3A_307 = tpu.memref_squeeze %swap3A_306 : memref<1x85xf32, #tpu.memory_space<vmem>> -> memref<85xf32, #tpu.memory_space<vmem>>
              %swap3A_308 = arith.index_cast %mul3A_304 : i32 to index
              %swap3A_309 = tpu.vector_load %swap3A_307[%swap3A_308] {strides = array<i32>} : memref<85xf32, #tpu.memory_space<vmem>>, vector<16xf32>,
              tpu.vector_store %swap3A_307[%swap3A_308], %broadcast_in_dim3A_51 {strides = array<i32>} : memref<85xf32, #tpu.memory_space<vmem>>, vector<16xf32>,
              %scan3A_310 = arith.constant 0 : i32
              %scan3A_311 = arith.constant 2 : i32
              %mul3A_312 = arith.constant 16 : i32
              %mul3A_313 = arith.muli %scan3A_311, %mul3A_312 : i32
              %swap3A_314 = arith.constant 0 : i32
              %swap3A_315 = tpu.memref_slice %arg18[%scan3A_283, %swap3A_314] : memref<128x85xf32, #tpu.memory_space<vmem>> -> memref<1x85xf32, #tpu.memory_space<vmem>>
              %swap3A_316 = tpu.memref_squeeze %swap3A_315 : memref<1x85xf32, #tpu.memory_space<vmem>> -> memref<85xf32, #tpu.memory_space<vmem>>
              %swap3A_317 = arith.index_cast %mul3A_313 : i32 to index
              %swap3A_318 = tpu.vector_load %swap3A_316[%swap3A_317] {strides = array<i32>} : memref<85xf32, #tpu.memory_space<vmem>>, vector<16xf32>,
              tpu.vector_store %swap3A_316[%swap3A_317], %broadcast_in_dim3A_51 {strides = array<i32>} : memref<85xf32, #tpu.memory_space<vmem>>, vector<16xf32>,
              %scan3A_319 = arith.constant 0 : i32
              %scan3A_320 = arith.constant 3 : i32
              %mul3A_321 = arith.constant 16 : i32
              %mul3A_322 = arith.muli %scan3A_320, %mul3A_321 : i32
              %swap3A_323 = arith.constant 0 : i32
              %swap3A_324 = tpu.memref_slice %arg18[%scan3A_283, %swap3A_323] : memref<128x85xf32, #tpu.memory_space<vmem>> -> memref<1x85xf32, #tpu.memory_space<vmem>>
              %swap3A_325 = tpu.memref_squeeze %swap3A_324 : memref<1x85xf32, #tpu.memory_space<vmem>> -> memref<85xf32, #tpu.memory_space<vmem>>
              %swap3A_326 = arith.index_cast %mul3A_322 : i32 to index
              %swap3A_327 = tpu.vector_load %swap3A_325[%swap3A_326] {strides = array<i32>} : memref<85xf32, #tpu.memory_space<vmem>>, vector<16xf32>,
              tpu.vector_store %swap3A_325[%swap3A_326], %broadcast_in_dim3A_51 {strides = array<i32>} : memref<85xf32, #tpu.memory_space<vmem>>, vector<16xf32>,
              %scan3A_328 = arith.constant 0 : i32
              %scan3A_329 = arith.constant 4 : i32
              %mul3A_330 = arith.constant 16 : i32
              %mul3A_331 = arith.muli %scan3A_329, %mul3A_330 : i32
              %swap3A_332 = arith.constant 0 : i32
              %swap3A_333 = tpu.memref_slice %arg18[%scan3A_283, %swap3A_332] : memref<128x85xf32, #tpu.memory_space<vmem>> -> memref<1x85xf32, #tpu.memory_space<vmem>>
              %swap3A_334 = tpu.memref_squeeze %swap3A_333 : memref<1x85xf32, #tpu.memory_space<vmem>> -> memref<85xf32, #tpu.memory_space<vmem>>
              %swap3A_335 = arith.index_cast %mul3A_331 : i32 to index
              %swap3A_336 = tpu.vector_load %swap3A_334[%swap3A_335] {strides = array<i32>} : memref<85xf32, #tpu.memory_space<vmem>>, vector<16xf32>,
              tpu.vector_store %swap3A_334[%swap3A_335], %broadcast_in_dim3A_51 {strides = array<i32>} : memref<85xf32, #tpu.memory_space<vmem>>, vector<16xf32>,
              %scan3A_337 = arith.constant 0 : i32
              %scan3A_338 = arith.constant 5 : i32
              %swap3A_339 = arith.constant 0 : i32
              %swap3A_340 = tpu.memref_slice %arg18[%scan3A_283, %swap3A_339] : memref<128x85xf32, #tpu.memory_space<vmem>> -> memref<1x85xf32, #tpu.memory_space<vmem>>
              %swap3A_341 = tpu.memref_squeeze %swap3A_340 : memref<1x85xf32, #tpu.memory_space<vmem>> -> memref<85xf32, #tpu.memory_space<vmem>>
              %swap3A_342 = arith.constant 69 : index
              %swap3A_343 = tpu.vector_load %swap3A_341[%swap3A_342] {strides = array<i32>} : memref<85xf32, #tpu.memory_space<vmem>>, vector<16xf32>,
              tpu.vector_store %swap3A_341[%swap3A_342], %broadcast_in_dim3A_51 {strides = array<i32>} : memref<85xf32, #tpu.memory_space<vmem>>, vector<16xf32>,
            } else {
            }
            %scan3A_291 = arith.constant 0 : i32
            scf.yield %scan3A_291 : i32
          }
          %scan3A_282 = arith.constant 128 : i32
        } else {
        }
        %mul3A_274 = arith.constant 128 : i32
        %mul3A_275 = arith.muli %sub3A_265, %mul3A_274 : i32
        %multiple_of3A = tpu.assume_multiple %mul3A_275, 8 : i32
        "tpu.region"() ({
          %run_scoped3A = tpu.sem_alloc : memref<!tpu.dma_semaphore, #tpu.memory_space<semaphore_mem>>
          %dma_start3A_276 = arith.constant 0 : i32
          %dma_start3A_277 = arith.constant 0 : i32
          %dma_start3A_278 = tpu.memref_slice %arg18[%dma_start3A_276, %dma_start3A_277] : memref<128x85xf32, #tpu.memory_space<vmem>> -> memref<128x85xf32, #tpu.memory_space<vmem>>
          %dma_start3A_279 = arith.constant 0 : i32
          %dma_start3A_280 = tpu.memref_slice %arg3[%add3A, %multiple_of3A, %dma_start3A_279] : memref<16x1000x85xf32, #tpu.memory_space<hbm>> -> memref<1x128x85xf32, #tpu.memory_space<hbm>>
          %dma_start3A_281 = tpu.memref_squeeze %dma_start3A_280 : memref<1x128x85xf32, #tpu.memory_space<hbm>> -> memref<128x85xf32, #tpu.memory_space<hbm>>
          %dma_start3A_282 = arith.constant 0 : i32
          %dma_start3A_283 = tpu.memref_slice %arg3[%add3A, %multiple_of3A, %dma_start3A_282] : memref<16x1000x85xf32, #tpu.memory_space<hbm>> -> memref<1x128x85xf32, #tpu.memory_space<hbm>>
          %dma_start3A_284 = tpu.memref_squeeze %dma_start3A_283 : memref<1x128x85xf32, #tpu.memory_space<hbm>> -> memref<128x85xf32, #tpu.memory_space<hbm>>
          %dma_start3A_285 = arith.constant 0 : i32
          %dma_start3A_286 = arith.constant 0 : i32
          %dma_start3A_287 = tpu.memref_slice %arg18[%dma_start3A_285, %dma_start3A_286] : memref<128x85xf32, #tpu.memory_space<vmem>> -> memref<128x85xf32, #tpu.memory_space<vmem>>
          tpu.enqueue_dma source(%dma_start3A_287 : memref<128x85xf32, #tpu.memory_space<vmem>>) target(%dma_start3A_284 : memref<128x85xf32, #tpu.memory_space<hbm>>) target_semaphore(%run_scoped3A : memref<!tpu.dma_semaphore, #tpu.memory_space<semaphore_mem>>)
          %dma_wait3A = arith.constant 0 : i32
          %dma_wait3A_288 = arith.constant 0 : i32
          %dma_wait3A_289 = tpu.memref_slice %arg18[%dma_wait3A, %dma_wait3A_288] : memref<128x85xf32, #tpu.memory_space<vmem>> -> memref<128x85xf32, #tpu.memory_space<vmem>>
          %dma_wait3A_290 = arith.constant 0 : i32
          %dma_wait3A_291 = tpu.memref_slice %arg3[%add3A, %multiple_of3A, %dma_wait3A_290] : memref<16x1000x85xf32, #tpu.memory_space<hbm>> -> memref<1x128x85xf32, #tpu.memory_space<hbm>>
          %dma_wait3A_292 = tpu.memref_squeeze %dma_wait3A_291 : memref<1x128x85xf32, #tpu.memory_space<hbm>> -> memref<128x85xf32, #tpu.memory_space<hbm>>
          %dma_wait3A_293 = arith.constant 0 : i32
          %dma_wait3A_294 = tpu.memref_slice %arg3[%add3A, %multiple_of3A, %dma_wait3A_293] : memref<16x1000x85xf32, #tpu.memory_space<hbm>> -> memref<1x128x85xf32, #tpu.memory_space<hbm>>
          %dma_wait3A_295 = tpu.memref_squeeze %dma_wait3A_294 : memref<1x128x85xf32, #tpu.memory_space<hbm>> -> memref<128x85xf32, #tpu.memory_space<hbm>>
          %dma_wait3A_296 = arith.constant 0 : i32
          %dma_wait3A_297 = arith.constant 0 : i32
          %dma_wait3A_298 = tpu.memref_slice %arg18[%dma_wait3A_296, %dma_wait3A_297] : memref<128x85xf32, #tpu.memory_space<vmem>> -> memref<128x85xf32, #tpu.memory_space<vmem>>
          tpu.wait_dma2 semaphore(%run_scoped3A : memref<!tpu.dma_semaphore, #tpu.memory_space<semaphore_mem>>) src(%dma_wait3A_298 : memref<128x85xf32, #tpu.memory_space<vmem>>) dst(%dma_wait3A_295 : memref<128x85xf32, #tpu.memory_space<hbm>>)
          tpu.yield
        }) : () -> ()
      } else {
      }
      %scan3A_236 = arith.constant 0 : i32
      scf.yield %scan3A_236 : i32
    }
    %scan3A_138 = arith.constant 64 : i32
    %convert_element_type3A_139 = arith.extui %eq3A_44 : i1 to i32
    %cond3A_140 = arith.constant 0 : i32
    %cond3A_141 = arith.cmpi ne, %convert_element_type3A_139, %cond3A_140 : i32
    scf.if %cond3A_141 {
      %mul3A_147 = arith.constant 3 : i32
      %mul3A_148 = arith.constant 128 : i32
      %mul3A_149 = arith.muli %mul3A_147, %mul3A_148 : i32
      %add3A_150 = arith.constant 128 : i32
      %add3A_151 = arith.addi %mul3A_149, %add3A_150 : i32
      %lt3A = arith.cmpi slt, %squeeze3A, %add3A_151 : i32
      %convert_element_type3A_152 = arith.extui %lt3A : i1 to i32
      %cond3A_153 = arith.constant 3 : i32
      %cond3A_154 = arith.constant 0 : i32
      %cond3A_155 = arith.cmpi ne, %convert_element_type3A_152, %cond3A_154 : i32
      scf.if %cond3A_155 {
        %scan3A_156 = arith.constant 0 : i32
        %scan3A_157 = arith.constant 0 : i32
        %scan3A_158 = arith.constant 128 : i32
        %scan3A_159 = arith.addi %scan3A_157, %scan3A_158 : i32
        %scan3A_160 = arith.constant 1 : i32
        %scan3A_161 = scf.for %scan3A_163 = %scan3A_157 to %scan3A_159 step %scan3A_160 iter_args(%scan3A_164 = %scan3A_156) -> (i32)  : i32 {
          %mul3A_165 = arith.constant 128 : i32
          %mul3A_166 = arith.muli %cond3A_153, %mul3A_165 : i32
          %add3A_167 = arith.addi %mul3A_166, %scan3A_163 : i32
          %ge3A = arith.cmpi sge, %add3A_167, %squeeze3A : i32
          %convert_element_type3A_168 = arith.extui %ge3A : i1 to i32
          %cond3A_169 = arith.constant 0 : i32
          %cond3A_170 = arith.cmpi ne, %convert_element_type3A_168, %cond3A_169 : i32
          scf.if %cond3A_170 {
            %scan3A_172 = arith.constant 0 : i32
            %scan3A_173 = arith.constant 0 : i32
            %mul3A_174 = arith.constant 16 : i32
            %mul3A_175 = arith.muli %scan3A_173, %mul3A_174 : i32
            %swap3A_176 = arith.constant 0 : i32
            %swap3A_177 = tpu.memref_slice %arg18[%scan3A_163, %swap3A_176] : memref<128x85xf32, #tpu.memory_space<vmem>> -> memref<1x85xf32, #tpu.memory_space<vmem>>
            %swap3A_178 = tpu.memref_squeeze %swap3A_177 : memref<1x85xf32, #tpu.memory_space<vmem>> -> memref<85xf32, #tpu.memory_space<vmem>>
            %swap3A_179 = arith.index_cast %mul3A_175 : i32 to index
            %swap3A_180 = tpu.vector_load %swap3A_178[%swap3A_179] {strides = array<i32>} : memref<85xf32, #tpu.memory_space<vmem>>, vector<16xf32>,
            tpu.vector_store %swap3A_178[%swap3A_179], %broadcast_in_dim3A_51 {strides = array<i32>} : memref<85xf32, #tpu.memory_space<vmem>>, vector<16xf32>,
            %scan3A_181 = arith.constant 0 : i32
            %scan3A_182 = arith.constant 1 : i32
            %mul3A_183 = arith.constant 16 : i32
            %mul3A_184 = arith.muli %scan3A_182, %mul3A_183 : i32
            %swap3A_185 = arith.constant 0 : i32
            %swap3A_186 = tpu.memref_slice %arg18[%scan3A_163, %swap3A_185] : memref<128x85xf32, #tpu.memory_space<vmem>> -> memref<1x85xf32, #tpu.memory_space<vmem>>
            %swap3A_187 = tpu.memref_squeeze %swap3A_186 : memref<1x85xf32, #tpu.memory_space<vmem>> -> memref<85xf32, #tpu.memory_space<vmem>>
            %swap3A_188 = arith.index_cast %mul3A_184 : i32 to index
            %swap3A_189 = tpu.vector_load %swap3A_187[%swap3A_188] {strides = array<i32>} : memref<85xf32, #tpu.memory_space<vmem>>, vector<16xf32>,
            tpu.vector_store %swap3A_187[%swap3A_188], %broadcast_in_dim3A_51 {strides = array<i32>} : memref<85xf32, #tpu.memory_space<vmem>>, vector<16xf32>,
            %scan3A_190 = arith.constant 0 : i32
            %scan3A_191 = arith.constant 2 : i32
            %mul3A_192 = arith.constant 16 : i32
            %mul3A_193 = arith.muli %scan3A_191, %mul3A_192 : i32
            %swap3A_194 = arith.constant 0 : i32
            %swap3A_195 = tpu.memref_slice %arg18[%scan3A_163, %swap3A_194] : memref<128x85xf32, #tpu.memory_space<vmem>> -> memref<1x85xf32, #tpu.memory_space<vmem>>
            %swap3A_196 = tpu.memref_squeeze %swap3A_195 : memref<1x85xf32, #tpu.memory_space<vmem>> -> memref<85xf32, #tpu.memory_space<vmem>>
            %swap3A_197 = arith.index_cast %mul3A_193 : i32 to index
            %swap3A_198 = tpu.vector_load %swap3A_196[%swap3A_197] {strides = array<i32>} : memref<85xf32, #tpu.memory_space<vmem>>, vector<16xf32>,
            tpu.vector_store %swap3A_196[%swap3A_197], %broadcast_in_dim3A_51 {strides = array<i32>} : memref<85xf32, #tpu.memory_space<vmem>>, vector<16xf32>,
            %scan3A_199 = arith.constant 0 : i32
            %scan3A_200 = arith.constant 3 : i32
            %mul3A_201 = arith.constant 16 : i32
            %mul3A_202 = arith.muli %scan3A_200, %mul3A_201 : i32
            %swap3A_203 = arith.constant 0 : i32
            %swap3A_204 = tpu.memref_slice %arg18[%scan3A_163, %swap3A_203] : memref<128x85xf32, #tpu.memory_space<vmem>> -> memref<1x85xf32, #tpu.memory_space<vmem>>
            %swap3A_205 = tpu.memref_squeeze %swap3A_204 : memref<1x85xf32, #tpu.memory_space<vmem>> -> memref<85xf32, #tpu.memory_space<vmem>>
            %swap3A_206 = arith.index_cast %mul3A_202 : i32 to index
            %swap3A_207 = tpu.vector_load %swap3A_205[%swap3A_206] {strides = array<i32>} : memref<85xf32, #tpu.memory_space<vmem>>, vector<16xf32>,
            tpu.vector_store %swap3A_205[%swap3A_206], %broadcast_in_dim3A_51 {strides = array<i32>} : memref<85xf32, #tpu.memory_space<vmem>>, vector<16xf32>,
            %scan3A_208 = arith.constant 0 : i32
            %scan3A_209 = arith.constant 4 : i32
            %mul3A_210 = arith.constant 16 : i32
            %mul3A_211 = arith.muli %scan3A_209, %mul3A_210 : i32
            %swap3A_212 = arith.constant 0 : i32
            %swap3A_213 = tpu.memref_slice %arg18[%scan3A_163, %swap3A_212] : memref<128x85xf32, #tpu.memory_space<vmem>> -> memref<1x85xf32, #tpu.memory_space<vmem>>
            %swap3A_214 = tpu.memref_squeeze %swap3A_213 : memref<1x85xf32, #tpu.memory_space<vmem>> -> memref<85xf32, #tpu.memory_space<vmem>>
            %swap3A_215 = arith.index_cast %mul3A_211 : i32 to index
            %swap3A_216 = tpu.vector_load %swap3A_214[%swap3A_215] {strides = array<i32>} : memref<85xf32, #tpu.memory_space<vmem>>, vector<16xf32>,
            tpu.vector_store %swap3A_214[%swap3A_215], %broadcast_in_dim3A_51 {strides = array<i32>} : memref<85xf32, #tpu.memory_space<vmem>>, vector<16xf32>,
            %scan3A_217 = arith.constant 0 : i32
            %scan3A_218 = arith.constant 5 : i32
            %swap3A_219 = arith.constant 0 : i32
            %swap3A_220 = tpu.memref_slice %arg18[%scan3A_163, %swap3A_219] : memref<128x85xf32, #tpu.memory_space<vmem>> -> memref<1x85xf32, #tpu.memory_space<vmem>>
            %swap3A_221 = tpu.memref_squeeze %swap3A_220 : memref<1x85xf32, #tpu.memory_space<vmem>> -> memref<85xf32, #tpu.memory_space<vmem>>
            %swap3A_222 = arith.constant 69 : index
            %swap3A_223 = tpu.vector_load %swap3A_221[%swap3A_222] {strides = array<i32>} : memref<85xf32, #tpu.memory_space<vmem>>, vector<16xf32>,
            tpu.vector_store %swap3A_221[%swap3A_222], %broadcast_in_dim3A_51 {strides = array<i32>} : memref<85xf32, #tpu.memory_space<vmem>>, vector<16xf32>,
          } else {
          }
          %scan3A_171 = arith.constant 0 : i32
          scf.yield %scan3A_171 : i32
        }
        %scan3A_162 = arith.constant 128 : i32
      } else {
      }
      "tpu.region"() ({
        %run_scoped3A = tpu.sem_alloc : memref<!tpu.dma_semaphore, #tpu.memory_space<semaphore_mem>>
        %dma_start3A_156 = arith.constant 0 : i32
        %dma_start3A_157 = arith.constant 0 : i32
        %dma_start3A_158 = tpu.memref_slice %arg18[%dma_start3A_156, %dma_start3A_157] : memref<128x85xf32, #tpu.memory_space<vmem>> -> memref<128x85xf32, #tpu.memory_space<vmem>>
        %dma_start3A_159 = arith.constant 384 : i32
        %dma_start3A_160 = arith.constant 0 : i32
        %dma_start3A_161 = tpu.memref_slice %arg3[%add3A, %dma_start3A_159, %dma_start3A_160] : memref<16x1000x85xf32, #tpu.memory_space<hbm>> -> memref<1x128x85xf32, #tpu.memory_space<hbm>>
        %dma_start3A_162 = tpu.memref_squeeze %dma_start3A_161 : memref<1x128x85xf32, #tpu.memory_space<hbm>> -> memref<128x85xf32, #tpu.memory_space<hbm>>
        %dma_start3A_163 = arith.constant 384 : i32
        %dma_start3A_164 = arith.constant 0 : i32
        %dma_start3A_165 = tpu.memref_slice %arg3[%add3A, %dma_start3A_163, %dma_start3A_164] : memref<16x1000x85xf32, #tpu.memory_space<hbm>> -> memref<1x128x85xf32, #tpu.memory_space<hbm>>
        %dma_start3A_166 = tpu.memref_squeeze %dma_start3A_165 : memref<1x128x85xf32, #tpu.memory_space<hbm>> -> memref<128x85xf32, #tpu.memory_space<hbm>>
        %dma_start3A_167 = arith.constant 0 : i32
        %dma_start3A_168 = arith.constant 0 : i32
        %dma_start3A_169 = tpu.memref_slice %arg18[%dma_start3A_167, %dma_start3A_168] : memref<128x85xf32, #tpu.memory_space<vmem>> -> memref<128x85xf32, #tpu.memory_space<vmem>>
        tpu.enqueue_dma source(%dma_start3A_169 : memref<128x85xf32, #tpu.memory_space<vmem>>) target(%dma_start3A_166 : memref<128x85xf32, #tpu.memory_space<hbm>>) target_semaphore(%run_scoped3A : memref<!tpu.dma_semaphore, #tpu.memory_space<semaphore_mem>>)
        %dma_wait3A = arith.constant 0 : i32
        %dma_wait3A_170 = arith.constant 0 : i32
        %dma_wait3A_171 = tpu.memref_slice %arg18[%dma_wait3A, %dma_wait3A_170] : memref<128x85xf32, #tpu.memory_space<vmem>> -> memref<128x85xf32, #tpu.memory_space<vmem>>
        %dma_wait3A_172 = arith.constant 384 : i32
        %dma_wait3A_173 = arith.constant 0 : i32
        %dma_wait3A_174 = tpu.memref_slice %arg3[%add3A, %dma_wait3A_172, %dma_wait3A_173] : memref<16x1000x85xf32, #tpu.memory_space<hbm>> -> memref<1x128x85xf32, #tpu.memory_space<hbm>>
        %dma_wait3A_175 = tpu.memref_squeeze %dma_wait3A_174 : memref<1x128x85xf32, #tpu.memory_space<hbm>> -> memref<128x85xf32, #tpu.memory_space<hbm>>
        %dma_wait3A_176 = arith.constant 384 : i32
        %dma_wait3A_177 = arith.constant 0 : i32
        %dma_wait3A_178 = tpu.memref_slice %arg3[%add3A, %dma_wait3A_176, %dma_wait3A_177] : memref<16x1000x85xf32, #tpu.memory_space<hbm>> -> memref<1x128x85xf32, #tpu.memory_space<hbm>>
        %dma_wait3A_179 = tpu.memref_squeeze %dma_wait3A_178 : memref<1x128x85xf32, #tpu.memory_space<hbm>> -> memref<128x85xf32, #tpu.memory_space<hbm>>
        %dma_wait3A_180 = arith.constant 0 : i32
        %dma_wait3A_181 = arith.constant 0 : i32
        %dma_wait3A_182 = tpu.memref_slice %arg18[%dma_wait3A_180, %dma_wait3A_181] : memref<128x85xf32, #tpu.memory_space<vmem>> -> memref<128x85xf32, #tpu.memory_space<vmem>>
        tpu.wait_dma2 semaphore(%run_scoped3A : memref<!tpu.dma_semaphore, #tpu.memory_space<semaphore_mem>>) src(%dma_wait3A_182 : memref<128x85xf32, #tpu.memory_space<vmem>>) dst(%dma_wait3A_179 : memref<128x85xf32, #tpu.memory_space<hbm>>)
        tpu.yield
      }) : () -> ()
    } else {
    }
    %not3A_142 = arith.constant true
    %not3A_143 = arith.xori %eq3A_44, %not3A_142 : i1
    %convert_element_type3A_144 = arith.extui %not3A_143 : i1 to i32
    %cond3A_145 = arith.constant 0 : i32
    %cond3A_146 = arith.cmpi ne, %convert_element_type3A_144, %cond3A_145 : i32
    scf.if %cond3A_146 {
      %mul3A_147 = arith.constant 7 : i32
      %mul3A_148 = arith.constant 128 : i32
      %mul3A_149 = arith.muli %mul3A_147, %mul3A_148 : i32
      %add3A_150 = arith.constant 104 : i32
      %add3A_151 = arith.addi %mul3A_149, %add3A_150 : i32
      %lt3A = arith.cmpi slt, %squeeze3A, %add3A_151 : i32
      %convert_element_type3A_152 = arith.extui %lt3A : i1 to i32
      %cond3A_153 = arith.constant 7 : i32
      %cond3A_154 = arith.constant 0 : i32
      %cond3A_155 = arith.cmpi ne, %convert_element_type3A_152, %cond3A_154 : i32
      scf.if %cond3A_155 {
        %scan3A_156 = arith.constant 0 : i32
        %scan3A_157 = arith.constant 0 : i32
        %scan3A_158 = arith.constant 104 : i32
        %scan3A_159 = arith.addi %scan3A_157, %scan3A_158 : i32
        %scan3A_160 = arith.constant 1 : i32
        %scan3A_161 = scf.for %scan3A_163 = %scan3A_157 to %scan3A_159 step %scan3A_160 iter_args(%scan3A_164 = %scan3A_156) -> (i32)  : i32 {
          %mul3A_165 = arith.constant 128 : i32
          %mul3A_166 = arith.muli %cond3A_153, %mul3A_165 : i32
          %add3A_167 = arith.addi %mul3A_166, %scan3A_163 : i32
          %ge3A = arith.cmpi sge, %add3A_167, %squeeze3A : i32
          %convert_element_type3A_168 = arith.extui %ge3A : i1 to i32
          %cond3A_169 = arith.constant 0 : i32
          %cond3A_170 = arith.cmpi ne, %convert_element_type3A_168, %cond3A_169 : i32
          scf.if %cond3A_170 {
            %scan3A_172 = arith.constant 0 : i32
            %scan3A_173 = arith.constant 0 : i32
            %mul3A_174 = arith.constant 16 : i32
            %mul3A_175 = arith.muli %scan3A_173, %mul3A_174 : i32
            %swap3A_176 = arith.constant 0 : i32
            %swap3A_177 = tpu.memref_slice %arg18[%scan3A_163, %swap3A_176] : memref<128x85xf32, #tpu.memory_space<vmem>> -> memref<1x85xf32, #tpu.memory_space<vmem>>
            %swap3A_178 = tpu.memref_squeeze %swap3A_177 : memref<1x85xf32, #tpu.memory_space<vmem>> -> memref<85xf32, #tpu.memory_space<vmem>>
            %swap3A_179 = arith.index_cast %mul3A_175 : i32 to index
            %swap3A_180 = tpu.vector_load %swap3A_178[%swap3A_179] {strides = array<i32>} : memref<85xf32, #tpu.memory_space<vmem>>, vector<16xf32>,
            tpu.vector_store %swap3A_178[%swap3A_179], %broadcast_in_dim3A_51 {strides = array<i32>} : memref<85xf32, #tpu.memory_space<vmem>>, vector<16xf32>,
            %scan3A_181 = arith.constant 0 : i32
            %scan3A_182 = arith.constant 1 : i32
            %mul3A_183 = arith.constant 16 : i32
            %mul3A_184 = arith.muli %scan3A_182, %mul3A_183 : i32
            %swap3A_185 = arith.constant 0 : i32
            %swap3A_186 = tpu.memref_slice %arg18[%scan3A_163, %swap3A_185] : memref<128x85xf32, #tpu.memory_space<vmem>> -> memref<1x85xf32, #tpu.memory_space<vmem>>
            %swap3A_187 = tpu.memref_squeeze %swap3A_186 : memref<1x85xf32, #tpu.memory_space<vmem>> -> memref<85xf32, #tpu.memory_space<vmem>>
            %swap3A_188 = arith.index_cast %mul3A_184 : i32 to index
            %swap3A_189 = tpu.vector_load %swap3A_187[%swap3A_188] {strides = array<i32>} : memref<85xf32, #tpu.memory_space<vmem>>, vector<16xf32>,
            tpu.vector_store %swap3A_187[%swap3A_188], %broadcast_in_dim3A_51 {strides = array<i32>} : memref<85xf32, #tpu.memory_space<vmem>>, vector<16xf32>,
            %scan3A_190 = arith.constant 0 : i32
            %scan3A_191 = arith.constant 2 : i32
            %mul3A_192 = arith.constant 16 : i32
            %mul3A_193 = arith.muli %scan3A_191, %mul3A_192 : i32
            %swap3A_194 = arith.constant 0 : i32
            %swap3A_195 = tpu.memref_slice %arg18[%scan3A_163, %swap3A_194] : memref<128x85xf32, #tpu.memory_space<vmem>> -> memref<1x85xf32, #tpu.memory_space<vmem>>
            %swap3A_196 = tpu.memref_squeeze %swap3A_195 : memref<1x85xf32, #tpu.memory_space<vmem>> -> memref<85xf32, #tpu.memory_space<vmem>>
            %swap3A_197 = arith.index_cast %mul3A_193 : i32 to index
            %swap3A_198 = tpu.vector_load %swap3A_196[%swap3A_197] {strides = array<i32>} : memref<85xf32, #tpu.memory_space<vmem>>, vector<16xf32>,
            tpu.vector_store %swap3A_196[%swap3A_197], %broadcast_in_dim3A_51 {strides = array<i32>} : memref<85xf32, #tpu.memory_space<vmem>>, vector<16xf32>,
            %scan3A_199 = arith.constant 0 : i32
            %scan3A_200 = arith.constant 3 : i32
            %mul3A_201 = arith.constant 16 : i32
            %mul3A_202 = arith.muli %scan3A_200, %mul3A_201 : i32
            %swap3A_203 = arith.constant 0 : i32
            %swap3A_204 = tpu.memref_slice %arg18[%scan3A_163, %swap3A_203] : memref<128x85xf32, #tpu.memory_space<vmem>> -> memref<1x85xf32, #tpu.memory_space<vmem>>
            %swap3A_205 = tpu.memref_squeeze %swap3A_204 : memref<1x85xf32, #tpu.memory_space<vmem>> -> memref<85xf32, #tpu.memory_space<vmem>>
            %swap3A_206 = arith.index_cast %mul3A_202 : i32 to index
            %swap3A_207 = tpu.vector_load %swap3A_205[%swap3A_206] {strides = array<i32>} : memref<85xf32, #tpu.memory_space<vmem>>, vector<16xf32>,
            tpu.vector_store %swap3A_205[%swap3A_206], %broadcast_in_dim3A_51 {strides = array<i32>} : memref<85xf32, #tpu.memory_space<vmem>>, vector<16xf32>,
            %scan3A_208 = arith.constant 0 : i32
            %scan3A_209 = arith.constant 4 : i32
            %mul3A_210 = arith.constant 16 : i32
            %mul3A_211 = arith.muli %scan3A_209, %mul3A_210 : i32
            %swap3A_212 = arith.constant 0 : i32
            %swap3A_213 = tpu.memref_slice %arg18[%scan3A_163, %swap3A_212] : memref<128x85xf32, #tpu.memory_space<vmem>> -> memref<1x85xf32, #tpu.memory_space<vmem>>
            %swap3A_214 = tpu.memref_squeeze %swap3A_213 : memref<1x85xf32, #tpu.memory_space<vmem>> -> memref<85xf32, #tpu.memory_space<vmem>>
            %swap3A_215 = arith.index_cast %mul3A_211 : i32 to index
            %swap3A_216 = tpu.vector_load %swap3A_214[%swap3A_215] {strides = array<i32>} : memref<85xf32, #tpu.memory_space<vmem>>, vector<16xf32>,
            tpu.vector_store %swap3A_214[%swap3A_215], %broadcast_in_dim3A_51 {strides = array<i32>} : memref<85xf32, #tpu.memory_space<vmem>>, vector<16xf32>,
            %scan3A_217 = arith.constant 0 : i32
            %scan3A_218 = arith.constant 5 : i32
            %swap3A_219 = arith.constant 0 : i32
            %swap3A_220 = tpu.memref_slice %arg18[%scan3A_163, %swap3A_219] : memref<128x85xf32, #tpu.memory_space<vmem>> -> memref<1x85xf32, #tpu.memory_space<vmem>>
            %swap3A_221 = tpu.memref_squeeze %swap3A_220 : memref<1x85xf32, #tpu.memory_space<vmem>> -> memref<85xf32, #tpu.memory_space<vmem>>
            %swap3A_222 = arith.constant 69 : index
            %swap3A_223 = tpu.vector_load %swap3A_221[%swap3A_222] {strides = array<i32>} : memref<85xf32, #tpu.memory_space<vmem>>, vector<16xf32>,
            tpu.vector_store %swap3A_221[%swap3A_222], %broadcast_in_dim3A_51 {strides = array<i32>} : memref<85xf32, #tpu.memory_space<vmem>>, vector<16xf32>,
          } else {
          }
          %scan3A_171 = arith.constant 0 : i32
          scf.yield %scan3A_171 : i32
        }
        %scan3A_162 = arith.constant 104 : i32
      } else {
      }
      "tpu.region"() ({
        %run_scoped3A = tpu.sem_alloc : memref<!tpu.dma_semaphore, #tpu.memory_space<semaphore_mem>>
        %dma_start3A_156 = arith.constant 0 : i32
        %dma_start3A_157 = arith.constant 0 : i32
        %dma_start3A_158 = tpu.memref_slice %arg18[%dma_start3A_156, %dma_start3A_157] : memref<128x85xf32, #tpu.memory_space<vmem>> -> memref<104x85xf32, #tpu.memory_space<vmem>>
        %dma_start3A_159 = arith.constant 896 : i32
        %dma_start3A_160 = arith.constant 0 : i32
        %dma_start3A_161 = tpu.memref_slice %arg3[%add3A, %dma_start3A_159, %dma_start3A_160] : memref<16x1000x85xf32, #tpu.memory_space<hbm>> -> memref<1x104x85xf32, #tpu.memory_space<hbm>>
        %dma_start3A_162 = tpu.memref_squeeze %dma_start3A_161 : memref<1x104x85xf32, #tpu.memory_space<hbm>> -> memref<104x85xf32, #tpu.memory_space<hbm>>
        %dma_start3A_163 = arith.constant 896 : i32
        %dma_start3A_164 = arith.constant 0 : i32
        %dma_start3A_165 = tpu.memref_slice %arg3[%add3A, %dma_start3A_163, %dma_start3A_164] : memref<16x1000x85xf32, #tpu.memory_space<hbm>> -> memref<1x104x85xf32, #tpu.memory_space<hbm>>
        %dma_start3A_166 = tpu.memref_squeeze %dma_start3A_165 : memref<1x104x85xf32, #tpu.memory_space<hbm>> -> memref<104x85xf32, #tpu.memory_space<hbm>>
        %dma_start3A_167 = arith.constant 0 : i32
        %dma_start3A_168 = arith.constant 0 : i32
        %dma_start3A_169 = tpu.memref_slice %arg18[%dma_start3A_167, %dma_start3A_168] : memref<128x85xf32, #tpu.memory_space<vmem>> -> memref<104x85xf32, #tpu.memory_space<vmem>>
        tpu.enqueue_dma source(%dma_start3A_169 : memref<104x85xf32, #tpu.memory_space<vmem>>) target(%dma_start3A_166 : memref<104x85xf32, #tpu.memory_space<hbm>>) target_semaphore(%run_scoped3A : memref<!tpu.dma_semaphore, #tpu.memory_space<semaphore_mem>>)
        %dma_wait3A = arith.constant 0 : i32
        %dma_wait3A_170 = arith.constant 0 : i32
        %dma_wait3A_171 = tpu.memref_slice %arg18[%dma_wait3A, %dma_wait3A_170] : memref<128x85xf32, #tpu.memory_space<vmem>> -> memref<104x85xf32, #tpu.memory_space<vmem>>
        %dma_wait3A_172 = arith.constant 896 : i32
        %dma_wait3A_173 = arith.constant 0 : i32
        %dma_wait3A_174 = tpu.memref_slice %arg3[%add3A, %dma_wait3A_172, %dma_wait3A_173] : memref<16x1000x85xf32, #tpu.memory_space<hbm>> -> memref<1x104x85xf32, #tpu.memory_space<hbm>>
        %dma_wait3A_175 = tpu.memref_squeeze %dma_wait3A_174 : memref<1x104x85xf32, #tpu.memory_space<hbm>> -> memref<104x85xf32, #tpu.memory_space<hbm>>
        %dma_wait3A_176 = arith.constant 896 : i32
        %dma_wait3A_177 = arith.constant 0 : i32
        %dma_wait3A_178 = tpu.memref_slice %arg3[%add3A, %dma_wait3A_176, %dma_wait3A_177] : memref<16x1000x85xf32, #tpu.memory_space<hbm>> -> memref<1x104x85xf32, #tpu.memory_space<hbm>>
        %dma_wait3A_179 = tpu.memref_squeeze %dma_wait3A_178 : memref<1x104x85xf32, #tpu.memory_space<hbm>> -> memref<104x85xf32, #tpu.memory_space<hbm>>
        %dma_wait3A_180 = arith.constant 0 : i32
        %dma_wait3A_181 = arith.constant 0 : i32
        %dma_wait3A_182 = tpu.memref_slice %arg18[%dma_wait3A_180, %dma_wait3A_181] : memref<128x85xf32, #tpu.memory_space<vmem>> -> memref<104x85xf32, #tpu.memory_space<vmem>>
        tpu.wait_dma2 semaphore(%run_scoped3A : memref<!tpu.dma_semaphore, #tpu.memory_space<semaphore_mem>>) src(%dma_wait3A_182 : memref<104x85xf32, #tpu.memory_space<vmem>>) dst(%dma_wait3A_179 : memref<104x85xf32, #tpu.memory_space<hbm>>)
        tpu.yield
      }) : () -> ()
    } else {
    }
    return
  }
}

</mosaic_0001>

<sc_bundles>
// kernel: kernel.3.cloned.1.call-start
scs
__scs_entry_jumppad:
0x0: {  	(pc) =	sbr.rel $0x88, $3  }
0x1: {  	(tag) =	ssettag $0x0;
	lr =	simm.s32 $0x1  }
0x2: {  	[smem:$0x3FA0] =	sst lr;
	_ =	strace $0xD0000000  }
0x3: {  	_ = 	snop  }
0x4: {  	_ = 	snop  }
0x5: {  	_ = 	snop  }
0x6: {  	_ = 	snop  }
0x7: {  	_ = 	snop  }
__scs_overlays_trampoline_lowered:
0x8: {  	[smem:$0x3FAF] =	sst s0  }
0x9: {  	[smem:$0x3FB0] =	sst s1  }
0xa: {  	[smem:$0x3FB1] =	sst s2  }
0xb: {  	[smem:$0x3FB2] =	sst s3  }
0xc: {  	[smem:$0x3FB3] =	sst s4  }
0xd: {  	[smem:$0x3FB4] =	sst s5  }
0xe: {  	[smem:$0x3FB5] =	sst s6  }
0xf: {  	[smem:$0x3FB6] =	sst s7  }
0x10: {  	[smem:$0x3FB7] =	sst s8  }
0x11: {  	[smem:$0x3FB8] =	sst s9;
	s0 =	simm.s32 @!p0 $0x0  }
0x12: {  	s1 =	sld [smem:$0x3F9E];
	s0 =	simm.s32 @p0 $0x1  }
0x13: {  	[smem:$0x3FB9] =	sst s0;
	s0 =	simm.s32 @!p1 $0x0  }
0x14: {  	s2 =	sld [smem:$0x3F9D];
	s0 =	simm.s32 @p1 $0x1  }
0x15: {  	[smem:$0x3FBA] =	sst s0;
	s0 =	simm.s32 @!p2 $0x0  }
0x16: {  	s3 =	sld [smem:$0x3FDB];
	s0 =	simm.s32 @p2 $0x1  }
0x17: {  	s4 =	simm.s32 $0x1BF5;
	[smem:$0x3FBC] =	sst s0  }
0x18: {  	s0 =	sld [smem:$0x3F9F];
	_ =	swait.ge [sflag:s4], $0x0  }
0x19: {  	s7 =	sld [smem:$0x3FA0]  }
0x1a: {  	s8 =	sadd.s32 $0xFFFFE003, lr  }
0x1b: {  	s9 =	sadd.s32 $0xFFFFFEF7, lr;
	s5 =	simm.s32 $0xFFFFFFFF;
	p2 =	slt.u32 s8, $0xFFFFF086  }
0x1c: {  	p1 =	slt.u32 s9, $0xF7A;
	s5 =	simm.s32 @!p2 $0x0  }
0x1d: {  	s5 =	simm.s32 @p1 $0x1;
	p0 =	seq.s32 s7, s2  }
0x1e: {  	s7 =	smul.u32 @!p0 $0xF7A, s2;
	p2 =	seq.s32 @!p0 s5, $0x0  }
0x1f: {  	s9 =	smul.u32 $0xF7A, s1;
	s8 =	simm.s32 @!p0 $0x1BF5;
	p2 =	por !p2, p0  }
0x20: {  	[sflag:s8] =	ssyncset.s32 @!p0 $0xFFFFF086;
	s6 =	sadd.s32 @!p0 s3, s7;
	s7 =	simm.s32 @!p0 $0x108  }
0x21: {  	s3 =	sadd.s32 s3, s9;
	s6 =	sadd.s32 @!p0 $0x88, s6;
	s7 =	simm.s32 @p2 $0x1082  }
0x22: {  	[simem:s7], [sflag:s8] =	dma.local @!p0 [hbm:s6], $0xF7A  }
0x23: {  	s9 =	sor.u32 $0xD0000000, s2;
	s6 =	simm.s32 $0x108;
	_ =	swait.ge @!p0 [sflag:s8], $0x0  }
0x24: {  	s3 =	sadd.s32 $0x88, s3;
	s6 =	simm.s32 @!p1 $0x1082;
	[sflag:s4] =	ssyncset.s32 $0xFFFFF086  }
0x25: {  	[simem:s6], [sflag:s4] =	dma.local [hbm:s3], $0xF7A  }
0x26: {  	[smem:$0x3FA0] =	sst s1;
	(tag) =	ssettag s2;
	_ =	strace s9  }
0x27: {  	s1 =	sld [smem:$0x3FB0]  }
0x28: {  	s2 =	sld [smem:$0x3FB1]  }
0x29: {  	s4 =	sld [smem:$0x3FB3]  }
0x2a: {  	p0 =	seq.s32 s5, $0x0;
	s5 =	sld [smem:$0x3FB4]  }
0x2b: {  	s6 =	sld [smem:$0x3FB5]  }
0x2c: {  	s7 =	sld [smem:$0x3FB6]  }
0x2d: {  	s3 =	simm.s32 $0x108;
	s8 =	sld [smem:$0x3FB7]  }
0x2e: {  	s3 =	simm.s32 @!p0 $0x1082;
	s9 =	sld [smem:$0x3FB8]  }
0x2f: {  	lr =	sadd.s32 s0, s3;
	s0 =	sld [smem:$0x3FAF]  }
0x30: {  	s3 =	sld [smem:$0x3FB2]  }
0x31: {  	[smem:$0x3FBB] =	sst s10  }
0x32: {  	s10 =	sld [smem:$0x3FB9];
	_ =	sdelay $0x3  }
0x33: {  	p0 =	seq.s32 s10, $0x1;
	s10 =	sld [smem:$0x3FBB];
	_ =	sdelay $0x3  }
0x34: {  	[smem:$0x3FBB] =	sst s10  }
0x35: {  	s10 =	sld [smem:$0x3FBA];
	_ =	sdelay $0x3  }
0x36: {  	p1 =	seq.s32 s10, $0x1;
	s10 =	sld [smem:$0x3FBB];
	_ =	sdelay $0x3  }
0x37: {  	[smem:$0x3FBB] =	sst s10  }
0x38: {  	s10 =	sld [smem:$0x3FBC]  }
0x39: {  	_ = 	snop;
	(pc) =	sbr.ind lr, $3  }
0x3a: {  	_ = 	snop  }
0x3b: {  	_ = 	snop  }
0x3c: {  	p2 =	seq.s32 s10, $0x1;
	s10 =	sld [smem:$0x3FBB]  }
0x3d: {  	_ =	shalt  }
0x3e: {  	_ =	shalt  }
0x3f: {  	_ =	shalt  }
0x40: {  	_ =	shalt  }
0x41: {  	_ =	shalt  }
0x42: {  	_ =	shalt  }
0x43: {  	_ =	shalt  }
0x44: {  	_ =	shalt  }
0x45: {  	_ =	shalt  }
0x46: {  	_ =	shalt  }
0x47: {  	_ =	shalt  }
0x48: {  	_ =	shalt  }
0x49: {  	_ =	shalt  }
0x4a: {  	_ =	shalt  }
0x4b: {  	_ =	shalt  }
0x4c: {  	_ =	shalt  }
0x4d: {  	_ =	shalt  }
0x4e: {  	_ =	shalt  }
0x4f: {  	_ =	shalt  }
0x50: {  	_ =	shalt  }
0x51: {  	_ =	shalt  }
0x52: {  	_ =	shalt  }
0x53: {  	_ =	shalt  }
0x54: {  	_ =	shalt  }
0x55: {  	_ =	shalt  }
0x56: {  	_ =	shalt  }
0x57: {  	_ =	shalt  }
0x58: {  	_ =	shalt  }
0x59: {  	_ =	shalt  }
0x5a: {  	_ =	shalt  }
0x5b: {  	_ =	shalt  }
0x5c: {  	_ =	shalt  }
0x5d: {  	_ =	shalt  }
0x5e: {  	_ =	shalt  }
0x5f: {  	_ =	shalt  }
0x60: {  	_ =	shalt  }
0x61: {  	_ =	shalt  }
0x62: {  	_ =	shalt  }
0x63: {  	_ =	shalt  }
0x64: {  	_ =	shalt  }
0x65: {  	_ =	shalt  }
0x66: {  	_ =	shalt  }
0x67: {  	_ =	shalt  }
0x68: {  	_ =	shalt  }
0x69: {  	_ =	shalt  }
0x6a: {  	_ =	shalt  }
0x6b: {  	_ =	shalt  }
0x6c: {  	_ =	shalt  }
0x6d: {  	_ =	shalt  }
0x6e: {  	_ =	shalt  }
0x6f: {  	_ =	shalt  }
0x70: {  	_ =	shalt  }
0x71: {  	_ =	shalt  }
0x72: {  	_ =	shalt  }
0x73: {  	_ =	shalt  }
0x74: {  	_ =	shalt  }
0x75: {  	_ =	shalt  }
0x76: {  	_ =	shalt  }
0x77: {  	_ =	shalt  }
0x78: {  	_ =	shalt  }
0x79: {  	_ =	shalt  }
0x7a: {  	_ =	shalt  }
0x7b: {  	_ =	shalt  }
0x7c: {  	_ =	shalt  }
0x7d: {  	_ =	shalt  }
0x7e: {  	_ =	shalt  }
0x7f: {  	_ =	shalt  }
0x80: {  	_ =	shalt  }
0x81: {  	_ =	shalt  }
0x82: {  	_ =	shalt  }
0x83: {  	_ =	shalt  }
0x84: {  	_ =	shalt  }
0x85: {  	_ =	shalt  }
0x86: {  	_ =	shalt  }
0x87: {  	_ =	shalt  }
.Lfunc_end0:
.L_simem_size_0:
called_computation_lowered:
.L_overlay_start_0:
0x88: {  	s2 =	sld [smem:$0x3FD9]  }
0x89: {  	s3 =	sld [smem:$0x3FFE];
	_ =	sdelay $0x1  }
0x8a: {  	s1 =	srdreg.scid  }
0x8b: {  	s0 =	sand.u32 $0x1, s1  }
0x8c: {  	s16 =	sshll.u32 s0, $0xA;
	s2 =	sadd.s32 s3, s2  }
0x8d: {  	s2 =	sadd.s32 s2, s16  }
0x8e: {  	[smem:$0x3FC7] =	sst s2  }
0x8f: {  	_ = 	snop  }
0x90: {  	(tm) =	ssettm $0x1  }
0x91: {  	s17 =	sld [smem:$0x3FFB];
	_ =	sdelay $0x3  }
0x92: {  	_ =	strace s17  }
0x93: {  	s2 =	sld [smem:$0x3FFC];
	_ =	sdelay $0x3  }
0x94: {  	_ =	strace s2  }
0x95: {  	s2 =	sld [smem:$0x3FFD];
	_ =	sdelay $0x3  }
0x96: {  	_ =	strace s2  }
0x97: {  	_ =	strace $0x8FFFFFFF  }
0x98: {  	s18 =	sld [smem:$0x3FDB];
	_ =	sdelay $0x1  }
0x99: {  	s19 =	simm.s32 $_scs_section_size  }
0x9a: {  	s4 =	simm.s32 $_size__tile_overlayer_lowered;
	s5 =	simm.s32 $_tile_overlayer_lowered  }
0x9b: {  	s22 =	simm.s32 $0x1BFF;
	s21 =	sshll.u32 s5, $0x1;
	s2 =	sadd.s32 s19, s18  }
0x9c: {  	s6 =	simm.s32 $0x0;
	s20 =	sshll.u32 s4, $0x1;
	s4 =	sadd.s32 s21, s2  }
0x9d: {  	[timem:s6], [sflag:s22] =	dma.local [hbm:s4], s20  }
0x9e: {  	_ =	swait.ge [sflag:s22], s20  }
0x9f: {  	s3 =	ssub.s32 $0x0, s20;
	[sflag:s22] =	ssyncset.done $0x0  }
0xa0: {  	[sflag:s22] =	ssyncadd.s32 s3;
	_ =	sdelay $0x1  }
0xa1: {  	s23 =	simm.s32 $0x1B8B  }
0xa2: {  	_ =	swait.ge [sflag:s23], $0x1  }
0xa3: {  	[sflag:s23] =	ssyncset.done $0x0  }
0xa4: {  	s25 =	simm.s32 $0x1B8E;
	s24 =	sld [smem:$0x3FFE];
	[sflag:s23] =	ssyncadd.s32 $0xFFFFFFFF  }
0xa5: {  	s26 =	simm.s32 $execute0_lowered;
	[smem:$0x3FD2] =	sst s25  }
0xa6: {  	s4 =	sshll.u32 s26, $0x1;
	_ =	strace $0x80000046;
	[dreg:$0x1] =	wrdreg $0xFFFFFFFF  }
0xa7: {  	s28 =	simm.s32 $_size_execute0_lowered;
	s2 =	sadd.s32 s2, s4;
	[dreg:$0x0] =	wrdreg $0x0  }
0xa8: {  	s4 =	sshll.u32 s28, $0x1;
	[dreg:$0x2] =	wrdreg s2  }
0xa9: {  	[dreg:$0x3] =	wrdreg s4  }
0xaa: {  	[dreg:$0x4] =	wrdreg $0xC0  }
0xab: {  	_ =	task [dreg:s6], $0x5FFFF  }
0xac: {  	[dreg:$0x1] =	wrdreg $0xFFFFFFFF  }
0xad: {  	[dreg:$0x0] =	wrdreg $0x60  }
0xae: {  	[dreg:$0x2] =	wrdreg s24  }
0xaf: {  	[dreg:$0x3] =	wrdreg $0x150800  }
0xb0: {  	[dreg:$0x4] =	wrdreg $0x138800  }
0xb1: {  	[dreg:$0x5] =	wrdreg $0x148800  }
0xb2: {  	[dreg:$0x6] =	wrdreg $0x14C800  }
0xb3: {  	[dreg:$0x7] =	wrdreg $0x9  }
0xb4: {  	_ =	task.clear_ibuf [dreg:s6], $0x8FFFF;
	_ =	strace $0x90000046  }
0xb5: {  	s29 =	simm.s32 $0x9;
	_ =	strace $0x80000048  }
0xb6: {  	_ =	swait.ge [sflag:s29], $0x1  }
0xb7: {  	[sflag:s29] =	ssyncadd.s32 $0xFFFFFFFF  }
0xb8: {  	_ =	strace $0x90000048  }
0xb9: {  	_ =	sfence  }
0xba: {  	s30 =	sld [smem:$0x0];
	_ =	sdelay $0x2  }
0xbb: {  	s31 =	sshll.u32 s1, $0xD;
	s1 =	sshrl.u32 s1, $0x2  }
0xbc: {  	s3 =	sand.u32 $0x4000, s31;
	s1 =	sadd.s32 s1, s30  }
0xbd: {  	s0 =	sor.u32 s3, s0;
	s1 =	sshll.u32 s1, $0x11  }
0xbe: {  	s0 =	sor.u32 s1, s0  }
0xbf: {  	s0 =	sadd.s32 $0x8F2B, s0  }
0xc0: {  	[sflag:s0] =	ssyncadd.remote.s32 $0x1  }
0xc1: {  	_ =	sfence.sel $0xFFFF  }
0xc2: {  	[dreg:$0x0] =	wrdreg $0xFFFFFFFF;
	(pc) =	sbr.abs _section_cstart, $3  }
0xc3: {  	[dreg:$0x1] =	wrdreg $0xFFFFFFFF  }
0xc4: {  	_ =	task.clear_ibuf [dreg:s6], $0x2FFFF;
	_ =	strace $0x9FFFFFFF  }
0xc5: {  	(tm) =	ssettm $0x7FFFFFFF  }
tec
execute0_lowered:
.L_overlay_start_1:
0x0: {  	(tag) =	ssettag $0x1  }
0x1: {  	s5 =	rddreg [dreg:$0x0]  }
0x2: {  	s0 =	rddreg [dreg:$0x1]  }
0x3: {  	s6 =	rddreg [dreg:$0x2]  }
0x4: {  	s1 =	srdreg.scid;
	s7 =	rddreg [dreg:$0x3]  }
0x5: {  	s20 =	stileid.u32;
	s9 =	rddreg [dreg:$0x4];
	s2 =	simm.s32 $0x0  }
0x6: {  	s8 =	sand.u32 $0x1, s1;
	s10 =	sshrl.u32 s20, $0x1;
	[smem:$0x7FF] =	sst s2  }
0x7: {  	s4 =	sadd.s32 $0x400, s5;
	s21 =	sadd.s32 $0x4E2400, s5;
	s31 =	sadd.s32 $0x1, s20  }
0x8: {  	s15 =	sshrl.u32 s20, $0x3;
	s16 =	sshll.u32 s20, $0x7;
	s1 =	sshll.u32 s8, $0x3  }
0x9: {  	_ =	strace $0x80000047;
	s13 =	ssub.s32 $0x2, s8;
	s17 =	sand.u32 $0x380, s16  }
0xa: {  	s18 =	sshll.u32 s15, $0xF;
	s23 =	sshll.u32 s15, $0xD;
	s25 =	sshll.u32 s31, $0xA  }
0xb: {  	[dreg:$0x6] =	wrdreg s21;
	s11 =	sor.u32 s10, s1;
	s10 =	smul.u32 $0x271000, s10  }
0xc: {  	s1 =	sand.u32 $0x1, s20;
	s28 =	sshrl.u32 s13, $0x1;
	s3 =	smul.u32 $0x271000, s11  }
0xd: {  	s18 =	sadd.s32 s18, s6;
	s20 =	sadd.s32 $0xFFFFFFFF, s20;
	s12 =	smul.u32 $0x138800, s1  }
0xe: {  	s5 =	ssub.s32 s13, s28;
	s29 =	smul.u32 $0x2710, s1;
	s19 =	sshll.u32 s1, $0x1  }
0xf: {  	s18 =	sadd.s32 s17, s18;
	s22 =	sshll.u32 s20, $0xA;
	s24 =	sshll.u32 s20, $0x7  }
0x10: {  	s28 =	sshll.u32 s20, $0x9;
	p0 =	seq.s32 s1, $0x0;
	p1 =	sne.s32 s1, $0x0  }
0x11: {  	s20 =	sshll.u32 s1, $0x12;
	[dreg:$0x9] =	wrdreg s18;
	s15 =	sand.u32 $0x380, s24  }
0x12: {  	s5 =	smax.u32 s5, $0x1;
	s18 =	sshll.u32 s1, $0x15;
	[dreg:$0x1a] =	wrdreg s20  }
0x13: {  	s14 =	sadd.s32 s12, s3;
	[dreg:$0x7] =	wrdreg s29;
	s29 =	smul.u32 $0x1F400, s11  }
0x14: {  	[dreg:$0x16] =	wrdreg s5;
	s5 =	simm.s32 @!p0 $0x0;
	s11 =	simm.s32 $0x1  }
0x15: {  	s30 =	sshrl.u32 s14, $0x3;
	s5 =	simm.s32 @p0 $0x1;
	[dreg:$0xe] =	wrdreg s29  }
0x16: {  	s14 =	ssub.s32 s31, s19;
	s13 =	sadd.s32 s4, s30;
	[smem:$0x7FB] =	sst s5  }
0x17: {  	s19 =	sshll.u32 s14, $0xC;
	s14 =	sshll.u32 s14, $0x7;
	[dreg:$0x8] =	wrdreg s13  }
0x18: {  	s19 =	sand.u32 $0xFFFF8000, s19;
	s14 =	sand.u32 $0x380, s14;
	s13 =	sshll.u32 s31, $0x7  }
0x19: {  	s31 =	smul.u32 $0x1388000, s8;
	s6 =	sadd.s32 s19, s6;
	s19 =	sshll.u32 s1, $0x9  }
0x1a: {  	s6 =	sadd.s32 s14, s6;
	s14 =	sor.u32 s17, s23;
	[dreg:$0x19] =	wrdreg s19  }
0x1b: {  	s17 =	sadd.s32 s10, s31;
	s31 =	sadd.s32 $0xFFFFFF88, s19;
	[dreg:$0xa] =	wrdreg s6  }
0x1c: {  	s30 =	sshra.s32 s28, $0x2;
	s26 =	sadd.s32 s14, s7;
	[smem:$0x7FD] =	sst s31  }
0x1d: {  	s6 =	sand.u32 $0xFFFFE000, s22;
	s14 =	sadd.s32 s14, s9;
	[dreg:$0xc] =	wrdreg s26  }
0x1e: {  	s6 =	sadd.s32 s6, s9;
	[dreg:$0xd] =	wrdreg s14;
	s14 =	sadd.s32 s16, s0  }
0x1f: {  	s8 =	sshrl.u32 s29, $0x3;
	s6 =	sadd.s32 s15, s6;
	[dreg:$0x11] =	wrdreg s14  }
0x20: {  	s23 =	sshll.u32 s1, $0xB;
	s15 =	sadd.s32 s30, s0;
	[dreg:$0xb] =	wrdreg s6  }
0x21: {  	s1 =	simm.s32 $0x0;
	s0 =	sadd.s32 s13, s0;
	[dreg:$0x12] =	wrdreg s15  }
0x22: {  	s30 =	sadd.s32 $0xFFFFFFF8, s19;
	s19 =	simm.s32 $0x9780;
	[dreg:$0x13] =	wrdreg s0  }
0x23: {  	s6 =	sor.u32 s13, s25;
	s0 =	sadd.s32 s12, s17;
	[smem:$0x7FC] =	sst s30  }
0x24: {  	s17 =	simm.s32 $0x7780;
	s6 =	sand.u32 $0x2380, s6;
	s0 =	sadd.s32 $0x2800, s0  }
0x25: {  	s7 =	sadd.s32 s6, s7;
	s6 =	sadd.s32 s6, s9;
	[dreg:$0x17] =	wrdreg s0  }
0x26: {  	s0 =	sor.u32 $0x8000, s18;
	s9 =	simm.s32 $0x80;
	[dreg:$0xf] =	wrdreg s7  }
0x27: {  	s18 =	simm.s32 $0x400;
	[dreg:$0x10] =	wrdreg s6;
	s6 =	sadd.s32 s21, s8  }
0x28: {  	s21 =	sshrl.u32 s23, $0x2;
	[dreg:$0x18] =	wrdreg s0;
	s16 =	sadd.s32 $0x3800, s6  }
0x29: {  	s24 =	sshrl.u32 s0, $0x2;
	s6 =	sadd.s32 $0x1800, s6;
	[dreg:$0x14] =	wrdreg s16  }
0x2a: {  	s22 =	sor.u32 $0xA980, s21;
	s25 =	sor.u32 $0xA988, s21;
	[dreg:$0x15] =	wrdreg s6  }
.Ltmp0:
0x2b: {  	s26 =	sadd.s32 $0xB880, s24;
	[dreg:$0x1c] =	wrdreg s25;
	(pc) =	sbr.rel .LBB2_1-.Ltmp0, $4  }
0x2c: {  	v0 =	vlaneseq.u32;
	s24 =	simm.s32 $0xB780;
	s6 =	sshrl.u32 s20, $0x2;
	[dreg:$0x1d] =	wrdreg s26  }
0x2d: {  	v1 =	vimm.s32 $0x0;
	v2 =	vimm.s32 $0xFFFFFFFF;
	v7 =	vmul.u32 $0xFFFFFFFF, v0;
	s21 =	simm.s32 $0x2;
	[dreg:$0x1b] =	wrdreg s22;
	s28 =	sor.u32 $0xF880, s6  }
0x2e: {  	v3 =	vimm.s32 $0x1;
	v4 =	vor.u32 $0x80003FF0, v0;
	v5 =	vor.u32 $0x80000000, v0;
	s20 =	simm.s32 $0x9D80;
	s29 =	sor.u32 $0xF8B0, s6;
	[dreg:$0x1e] =	wrdreg s28  }
0x2f: {  	v6 =	vadd.s32 $0x1, v0;
	v7 =	vadd.s32 $0x3E8, v7;
	s25 =	simm.s32 $0xA380;
	s26 =	simm.s32 $0xA980;
	v8 =	vmov s22;
	[dreg:$0x1f] =	wrdreg s29  }
.LBB2_80:
0x30: {  	s0 =	rddreg [dreg:$0x14];
	s1 =	simm.s32 $0xF880;
	s31 =	simm.s32 $0x3  }
0x31: {  	[hbm4b:s0+s2] =	stream.linear.scatter [tilespmem:s1], [sflag:$0x3], $0x3400, $0x38;
	[tilespmem:$0x15090] =	vst v63  }
0x32: {  	_ =	swait.ge [sflag:s31], $0x3400  }
0x33: {  	[sflag:s31] =	ssyncset.done $0x0  }
0x34: {  	s1 =	sld [smem:$0x7FA];
	[sflag:s31] =	ssyncadd.s32 $0xFFFFCC00  }
.LBB2_81:
0x35: {  	_ =	sdelay $0x1  }
0x36: {  	s0 =	rddreg [dreg:$0x16];
	s1 =	sadd.s32 $0x1, s1  }
0x37: {  	p0 =	sne.s32 s1, s0  }
.Ltmp1:
0x38: {  	_ = 	snop;
	(pc) =	sbr.rel @!p0 .LBB2_82-.Ltmp1, $1  }
0x39: {  	_ =	sdelay $0x3  }
.LBB2_1:
0x3a: {  	[smem:$0x7FA] =	sst s1;
	s1 =	simm.s32 $0x0  }
.LBB2_2:
0x3b: {  	p2 =	sne.s32 s1, $0x3FC0  }
.Ltmp2:
0x3c: {  	_ = 	snop;
	(pc) =	sbr.rel @p2 .LBB2_2-.Ltmp2, $3  }
0x3d: {  	_ =	sdelay $0x1  }
0x3e: {  	s5 =	sshra.s32 s1, $0x2  }
0x3f: {  	s1 =	sadd.s32 $0x40, s1;
	[tilespmem:s5+$0x7780] =	vst v1  }
0x40: {  	s5 =	simm.s32 $0x40;
	s1 =	simm.s32 $0x0  }
.LBB2_4:
0x41: {  	p2 =	sne.s32 s5, $0x17C0;
	[tilespmem:s1+$0xA980] =	vst v1;
	s6 =	smov.u32 s5;
	s5 =	sadd.s32 $0x40, s5  }
.Ltmp3:
0x42: {  	[tilespmem:s1+$0xA380] =	vst v1;
	(pc) =	sbr.rel @p2 .LBB2_4-.Ltmp3, $3  }
0x43: {  	[tilespmem:s1+$0x9780] =	vst v1  }
0x44: {  	[tilespmem:s1+$0x9D80] =	vst v1;
	_ =	sdelay $0x1  }
0x45: {  	s1 =	sshra.s32 s6, $0x2  }
0x46: {  	[tilespmem:s1+$0xA980] =	vst v1  }
0x47: {  	[tilespmem:s1+$0xA380] =	vst v1  }
0x48: {  	[tilespmem:s1+$0x9780] =	vst v1  }
0x49: {  	[tilespmem:s1+$0x9D80] =	vst v1;
	s6 =	simm.s32 $0x0;
	s0 =	rddreg [dreg:$0x8]  }
0x4a: {  	s31 =	simm.s32 $0x2780;
	s1 =	simm.s32 $0x20;
	s5 =	rddreg [dreg:$0x17];
	[tilespmem:$0xB800] =	vst v2  }
0x4b: {  	[tilespmem:s31], [sflag:$0x1] =	stream.linear.gather [hbm4b:s0+s6], $0x2800, $0x38;
	[tilespmem:$0x15090] =	vst v63  }
.LBB2_6:
0x4c: {  	s7 =	sand.u32 $0x1, s6;
	p2 =	seq.s32 s6, $0x7C  }
0x4d: {  	p3 =	sne.s32 @!p2 s7, $0x0  }
0x4e: {  	p2 =	por p3, p2  }
0x4f: {  	s10 =	sshrl.u32 @!p2 s5, $0x3  }
0x50: {  	s12 =	simm.s32 @!p2 $0x0;
	s13 =	simm.s32 @!p2 $0x4F80;
	s10 =	sadd.s32 @!p2 s4, s10  }
0x51: {  	[tilespmem:s13], [sflag:$0x2] =	stream.linear.gather @!p2 [hbm4b:s10+s12], $0x2800, $0x38;
	[tilespmem:$0x15090] =	vst v63  }
0x52: {  	p2 =	sne.s32 s7, $0x0  }
0x53: {  	p3 =	seq.s32 s7, $0x0;
	v9 =	vlaneseq.u32 @!p2  }
0x54: {  	s10 =	sshrl.u32 @!p3 s5, $0x3;
	v9 =	vmul.u32 @!p2 $0x80, v9  }
0x55: {  	s12 =	simm.s32 @!p3 $0x0;
	s13 =	simm.s32 @!p3 $0x2780;
	s10 =	sadd.s32 @!p3 s4, s10  }
0x56: {  	[tilespmem:s13], [sflag:$0x1] =	stream.linear.gather @!p3 [hbm4b:s10+s12], $0x2800, $0x38;
	v10 =	vor.u32 @!p2 $0x4, v9;
	[tilespmem:$0x15090] =	vst v63  }
0x57: {  	s10 =	simm.s32 @!p2 $0x1  }
0x58: {  	_ =	swait.ge @!p2 [sflag:s10], $0x2800  }
0x59: {  	[sflag:s10] =	ssyncset.done @!p2 $0x0  }
0x5a: {  	[sflag:s10] =	ssyncadd.s32 @!p2 $0xFFFFD800;
	s10 =	simm.s32 @!p2 $0x2780  }
0x5b: {  	v10 =	vld.idx.msk @!p2 [tilespmem:v10+s10+$0x0], $0xffff;
	_ =	sdelay $0x4  }
0x5c: {  	v11 =	vshra.s32 @!p2 v10, $0x12  }
0x5d: {  	v12 =	vor.u32 @!p2 $0x804, v9;
	_ =	sdelay $0x2  }
0x5e: {  	s12 =	simm.s32 @!p2 $0x7780;
	[tilespmem:s1+$0xFFFFFFE0] =	vst @!p2 v10;
	v10 =	vimm.s32 @!p2 $0x1  }
0x5f: {  	[tilespmem:v11+s12+$0x0] =	vst.idx.add.s32.msk @!p2 $0xffff, v10  }
0x60: {  	v11 =	vld.idx.msk @!p2 [tilespmem:v12+s10+$0x0], $0xffff;
	_ =	sdelay $0x4  }
0x61: {  	v12 =	vshra.s32 @!p2 v11, $0x12  }
0x62: {  	v13 =	vor.u32 @!p2 $0x1004, v9;
	_ =	sdelay $0x2  }
0x63: {  	[tilespmem:s1+$0xFFFFFFF0] =	vst @!p2 v11  }
0x64: {  	[tilespmem:v12+s12+$0x0] =	vst.idx.add.s32.msk @!p2 $0xffff, v10  }
0x65: {  	v11 =	vld.idx.msk @!p2 [tilespmem:v13+s10+$0x0], $0xffff;
	_ =	sdelay $0x4  }
0x66: {  	v12 =	vshra.s32 @!p2 v11, $0x12  }
0x67: {  	v13 =	vor.u32 @!p2 $0x1804, v9;
	_ =	sdelay $0x2  }
0x68: {  	[tilespmem:s1+$0x0] =	vst @!p2 v11  }
0x69: {  	[tilespmem:v12+s12+$0x0] =	vst.idx.add.s32.msk @!p2 $0xffff, v10  }
0x6a: {  	v11 =	vld.idx.msk @!p2 [tilespmem:v13+s10+$0x0], $0xffff;
	_ =	sdelay $0x4  }
0x6b: {  	v12 =	vshra.s32 @!p2 v11, $0x12  }
0x6c: {  	v9 =	vor.u32 @!p2 $0x2004, v9;
	_ =	sdelay $0x2  }
0x6d: {  	[tilespmem:s1+$0x10] =	vst @!p2 v11  }
0x6e: {  	[tilespmem:v12+s12+$0x0] =	vst.idx.add.s32.msk @!p2 $0xffff, v10  }
0x6f: {  	v9 =	vld.idx.msk @!p2 [tilespmem:v9+s10+$0x0], $0xffff;
	_ =	sdelay $0x4  }
0x70: {  	p3 =	seq.s32 s7, $0x1;
	v11 =	vshra.s32 @!p2 v9, $0x12  }
0x71: {  	v12 =	vlaneseq.u32 @p3  }
0x72: {  	v12 =	vmul.u32 @p3 $0x80, v12;
	_ =	sdelay $0x1  }
0x73: {  	[tilespmem:s1+$0x20] =	vst @!p2 v9;
	v9 =	vor.u32 @p3 $0x4, v12  }
0x74: {  	s7 =	simm.s32 @p3 $0x2;
	[tilespmem:v11+s12+$0x0] =	vst.idx.add.s32.msk @!p2 $0xffff, v10  }
0x75: {  	_ =	swait.ge @p3 [sflag:s7], $0x2800  }
0x76: {  	[sflag:s7] =	ssyncset.done @p3 $0x0  }
0x77: {  	[sflag:s7] =	ssyncadd.s32 @p3 $0xFFFFD800;
	s7 =	simm.s32 @p3 $0x4F80  }
0x78: {  	v9 =	vld.idx.msk @p3 [tilespmem:v9+s7+$0x0], $0xffff;
	_ =	sdelay $0x4  }
0x79: {  	v10 =	vshra.s32 @p3 v9, $0x12  }
0x7a: {  	v11 =	vor.u32 @p3 $0x804, v12;
	_ =	sdelay $0x2  }
0x7b: {  	s10 =	simm.s32 @p3 $0x7780;
	[tilespmem:s1+$0xFFFFFFE0] =	vst @p3 v9;
	v9 =	vimm.s32 @p3 $0x1  }
0x7c: {  	[tilespmem:v10+s10+$0x0] =	vst.idx.add.s32.msk @p3 $0xffff, v9  }
0x7d: {  	v10 =	vld.idx.msk @p3 [tilespmem:v11+s7+$0x0], $0xffff;
	_ =	sdelay $0x4  }
0x7e: {  	v11 =	vshra.s32 @p3 v10, $0x12  }
0x7f: {  	v13 =	vor.u32 @p3 $0x1004, v12;
	_ =	sdelay $0x2  }
0x80: {  	[tilespmem:s1+$0xFFFFFFF0] =	vst @p3 v10  }
0x81: {  	[tilespmem:v11+s10+$0x0] =	vst.idx.add.s32.msk @p3 $0xffff, v9  }
0x82: {  	v10 =	vld.idx.msk @p3 [tilespmem:v13+s7+$0x0], $0xffff;
	_ =	sdelay $0x4  }
0x83: {  	v11 =	vshra.s32 @p3 v10, $0x12  }
0x84: {  	v13 =	vor.u32 @p3 $0x1804, v12;
	_ =	sdelay $0x2  }
0x85: {  	[tilespmem:s1+$0x0] =	vst @p3 v10  }
0x86: {  	[tilespmem:v11+s10+$0x0] =	vst.idx.add.s32.msk @p3 $0xffff, v9  }
0x87: {  	v10 =	vld.idx.msk @p3 [tilespmem:v13+s7+$0x0], $0xffff;
	_ =	sdelay $0x4  }
0x88: {  	v11 =	vshra.s32 @p3 v10, $0x12  }
0x89: {  	v12 =	vor.u32 @p3 $0x2004, v12;
	_ =	sdelay $0x2  }
0x8a: {  	[tilespmem:s1+$0x10] =	vst @p3 v10  }
0x8b: {  	[tilespmem:v11+s10+$0x0] =	vst.idx.add.s32.msk @p3 $0xffff, v9  }
0x8c: {  	v10 =	vld.idx.msk @p3 [tilespmem:v12+s7+$0x0], $0xffff;
	_ =	sdelay $0x3  }
0x8d: {  	s6 =	sadd.s32 $0x1, s6  }
0x8e: {  	p2 =	sne.s32 s6, $0x7D;
	v11 =	vshra.s32 @p3 v10, $0x12  }
.Ltmp4:
0x8f: {  	_ = 	snop;
	(pc) =	sbr.rel @p2 .LBB2_6-.Ltmp4, $3  }
0x90: {  	_ =	sdelay $0x1  }
0x91: {  	[tilespmem:s1+$0x20] =	vst @p3 v10  }
0x92: {  	s5 =	sadd.s32 $0x2800, s5;
	s1 =	sadd.s32 $0x50, s1;
	[tilespmem:v11+s10+$0x0] =	vst.idx.add.s32.msk @p3 $0xffff, v9  }
0x93: {  	s0 =	rddreg [dreg:$0x9];
	s1 =	simm.s32 $0x3  }
0x94: {  	[spmem:s0] =	stream.strided.scatter [tilespmem:s17], [sflag:$0x3], $0x1000, s18, s9, $0x38;
	[tilespmem:$0x15090] =	vst v63  }
0x95: {  	_ =	swait.ge [sflag:s1], $0x1000  }
0x96: {  	[sflag:s1] =	ssyncset.done $0x0  }
0x97: {  	[sflag:s1] =	ssyncadd.s32 $0xFFFFF000  }
0x98: {  	[bflag:$0x0] =	sbarrier.arrive $0xFFFF  }
0x99: {  	s5 =	simm.s32 $0x8780;
	s31 =	rddreg [dreg:$0xa]  }
0x9a: {  	[tilespmem:s5], [sflag:$0x3] =	stream.strided.gather [spmem:s31], $0x1000, s18, s9, $0x38;
	[tilespmem:$0x15090] =	vst v63  }
0x9b: {  	_ =	swait.ge [sflag:s1], $0x1000  }
0x9c: {  	[sflag:s1] =	ssyncset.done $0x0  }
0x9d: {  	[sflag:s1] =	ssyncadd.s32 $0xFFFFF000;
	s1 =	simm.s32 $0x0  }
0x9e: {  	s5 =	simm.s32 $0x40;
	v9 =	vld [tilespmem:s1+$0x8780]  }
.LBB2_8:
0x9f: {  	p2 =	sne.s32 s5, $0x3FC0;
	v10 =	vld [tilespmem:s1+$0x7780];
	_ =	sdelay $0x1  }
.Ltmp5:
0xa0: {  	(pc) =	sbr.rel @p2 .LBB2_8-.Ltmp5, $3  }
0xa1: {  	_ =	sdelay $0x1  }
0xa2: {  	s6 =	sshra.s32 s5, $0x2;
	v10 =	vadd.s32 v10, v9  }
0xa3: {  	s5 =	sadd.s32 $0x40, s5;
	v9 =	vld [tilespmem:s6+$0x8780];
	[tilespmem:s1+$0x7780] =	vst v10;
	s1 =	smov.u32 s6  }
0xa4: {  	v10 =	vld [tilespmem:s1+$0x7780];
	_ =	sdelay $0x4  }
0xa5: {  	v9 =	vadd.s32 v10, v9  }
0xa6: {  	s16 =	simm.s32 $0x8770;
	[tilespmem:s1+$0x7780] =	vst v9  }
0xa7: {  	v15 =	vld [tilespmem:s16+$0x0];
	_ =	sdelay $0x4  }
0xa8: {  	(xrf0) =	vadd.scan.msk.s32 $0xffff, v15;
	_ =	sdelay $0x5  }
0xa9: {  	v16, _, _ =	vpop (xrf0)  }
0xaa: {  	(v2sf) =	vpush v16, $0xF  }
0xab: {  	s22 =	simm.s32 $0x8760  }
0xac: {  	v13 =	vld [tilespmem:s22+$0x0];
	_ =	sdelay $0x2  }
0xad: {  	s28 =	simm.s32 $0x8750  }
0xae: {  	v12 =	vld [tilespmem:s28+$0x0]  }
0xaf: {  	s29 =	simm.s32 $0x8740;
	(xrf0) =	vadd.scan.msk.s32 $0xffff, v13  }
0xb0: {  	v11 =	vld [tilespmem:s29+$0x0];
	_ =	sdelay $0x2  }
0xb1: {  	(xrf0) =	vadd.scan.msk.s32 $0xffff, v12;
	_ =	sdelay $0x1  }
0xb2: {  	v14, _, _ =	vpop (xrf0);
	(xrf0) =	vadd.scan.msk.s32 $0xffff, v11  }
0xb3: {  	(v2sf) =	vpush v14, $0xF  }
0xb4: {  	s31 =	spop (v2sf)  }
0xb5: {  	s13 =	sadd.s32 $0x0, s31  }
0xb6: {  	s30 =	simm.s32 $0x8730;
	v17 =	vsub.s32 s13, v16;
	v16, _, _ =	vpop (xrf0)  }
0xb7: {  	v9 =	vld [tilespmem:s30+$0x0];
	(v2sf) =	vpush v16, $0xF  }
0xb8: {  	v18, _, _ =	vpop (xrf0)  }
0xb9: {  	(v2sf) =	vpush v18, $0xF;
	_ =	sdelay $0x2  }
0xba: {  	s5 =	simm.s32 $0x8720;
	(xrf0) =	vadd.scan.msk.s32 $0xffff, v9  }
0xbb: {  	v10 =	vld [tilespmem:s5+$0x0];
	_ =	sdelay $0x1  }
0xbc: {  	v15 =	vadd.s32 v15, v17  }
0xbd: {  	s12 =	simm.s32 $0xFF0;
	s10 =	simm.s32 $0xFE0;
	s7 =	simm.s32 $0xFD0;
	vm0 =	vlt.s32 v17, $0x3E8;
	vm1 =	vgt.s32 v15, $0x3E7  }
0xbe: {  	s6 =	simm.s32 $0xFB0;
	s14 =	simm.s32 $0xF90;
	s15 =	simm.s32 $0x8710;
	vm0 =	vmand vm0, vm1  }
0xbf: {  	s1 =	simm.s32 $0xFA0;
	s5 =	simm.s32 $0xFC0;
	s16 =	spop (v2sf);
	v17 =	vimm.s32 $0xFFFFFFFF;
	(xrf0) =	vadd.scan.msk.s32 $0xffff, v10;
	v15, _, _ =	vpop (xrf0);
	v19 =	vmctz.xlane vm0  }
.LBB2_10:
0xc0: {  	v20 =	vld [tilespmem:s15+$0x0];
	(v2sf) =	vpush v15, $0xF;
	s13 =	sadd.s32 s13, s16;
	s22 =	smov.u32 s14;
	p2 =	sne.s32 s14, $0x0  }
.Ltmp6:
0xc1: {  	vm0 =	vlt.s32 v17, $0x0;
	v21 =	vsub.s32 s13, v14;
	vm1 =	vlt.s32 v19, $0x10;
	v14 =	vmovc v16;
	v16 =	vmovc v18;
	(pc) =	sbr.rel @p2 .LBB2_10-.Ltmp6, $4  }
0xc2: {  	s14 =	sadd.s32 $0xFFFFFFF0, s14;
	v19 =	vadd.s32 s12, v19;
	s12 =	smov.u32 s10;
	v22 =	vadd.s32 v13, v21;
	vm0 =	vmand vm0, vm1;
	v13 =	vmovc v12;
	v12 =	vmovc v11  }
0xc3: {  	s10 =	smov.u32 s7;
	s7 =	smov.u32 s5;
	vm1 =	vlt.s32 v21, $0x3E8;
	v11 =	vmovc v9;
	v9 =	vmovc v10;
	s16 =	spop (v2sf);
	vm2 =	vgt.s32 v22, $0x3E7;
	v17 =	vsel vm0, v19, v17  }
0xc4: {  	v18 =	vmov v15;
	s5 =	smov.u32 s6;
	s6 =	smov.u32 s1;
	s1 =	smov.u32 s22;
	vm0 =	vmand vm1, vm2  }
0xc5: {  	s15 =	sadd.s32 $0xFFFFFFF0, s15;
	(xrf0) =	vadd.scan.msk.s32 $0xffff, v20;
	v15, _, _ =	vpop (xrf0);
	v19 =	vmctz.xlane vm0;
	v10 =	vmov v20  }
0xc6: {  	_ =	sdelay $0x2  }
0xc7: {  	(v2sf) =	vpush v15, $0xF;
	_ =	sdelay $0x1  }
0xc8: {  	v20, _, _ =	vpop (xrf0)  }
0xc9: {  	(v2sf) =	vpush v20, $0xF  }
0xca: {  	s13 =	sadd.s32 s13, s16  }
0xcb: {  	v14 =	vsub.s32 s13, v14  }
0xcc: {  	v13 =	vadd.s32 v13, v14  }
0xcd: {  	s14 =	spop (v2sf);
	vm1 =	vlt.s32 v17, $0x0;
	vm0 =	vlt.s32 v14, $0x3E8;
	vm3 =	vgt.s32 v13, $0x3E7  }
0xce: {  	vm2 =	vlt.s32 v19, $0x10;
	v55 =	vadd.s32 s12, v19;
	s0 =	sadd.s32 s13, s14;
	vm0 =	vmand vm0, vm3  }
0xcf: {  	vm1 =	vmand vm1, vm2;
	v16 =	vsub.s32 s0, v16;
	v56 =	vmctz.xlane vm0  }
0xd0: {  	v13 =	vsel vm1, v55, v17;
	v12 =	vadd.s32 v12, v16;
	vm2 =	vlt.s32 v16, $0x3E8  }
0xd1: {  	vm3 =	vgt.s32 v12, $0x3E7;
	vm0 =	vlt.s32 v13, $0x0;
	vm1 =	vlt.s32 v56, $0x10;
	s8 =	spop (v2sf)  }
0xd2: {  	v57 =	vadd.s32 s10, v56;
	vm0 =	vmand vm0, vm1;
	vm1 =	vmand vm2, vm3;
	s14 =	sadd.s32 s0, s8  }
0xd3: {  	v12 =	vsel vm0, v57, v13;
	v58 =	vmctz.xlane vm1;
	v59 =	vsub.s32 s14, v18  }
0xd4: {  	vm0 =	vlt.s32 v12, $0x0;
	v11 =	vadd.s32 v11, v59  }
0xd5: {  	vm1 =	vlt.s32 v58, $0x10;
	vm2 =	vlt.s32 v59, $0x3E8;
	vm3 =	vgt.s32 v11, $0x3E7;
	s15 =	spop (v2sf)  }
0xd6: {  	vm0 =	vmand vm0, vm1;
	v11 =	vadd.s32 s7, v58;
	vm1 =	vmand vm2, vm3;
	s16 =	sadd.s32 s14, s15  }
0xd7: {  	v11 =	vsel vm0, v11, v12;
	v60 =	vmctz.xlane vm1;
	v61 =	vsub.s32 s16, v15  }
0xd8: {  	vm0 =	vlt.s32 v11, $0x0;
	v9 =	vadd.s32 v9, v61;
	s22 =	spop (v2sf)  }
0xd9: {  	vm1 =	vlt.s32 v60, $0x10;
	vm2 =	vlt.s32 v61, $0x3E8;
	vm3 =	vgt.s32 v9, $0x3E7;
	s7 =	sadd.s32 s16, s22  }
0xda: {  	vm0 =	vmand vm0, vm1;
	vm1 =	vmand vm2, vm3;
	v9 =	vsub.s32 s7, v20  }
0xdb: {  	v12 =	vadd.s32 s5, v60;
	v62 =	vmctz.xlane vm1;
	v10 =	vadd.s32 v10, v9  }
0xdc: {  	v11 =	vsel vm0, v12, v11;
	vm0 =	vlt.s32 v9, $0x3E8;
	vm1 =	vgt.s32 v10, $0x3E7  }
0xdd: {  	vm2 =	vlt.s32 v11, $0x0;
	vm0 =	vmand vm0, vm1;
	vm1 =	vlt.s32 v62, $0x10  }
0xde: {  	s28 =	simm.s32 $0x0;
	v9 =	vadd.s32 s6, v62;
	vm1 =	vmand vm2, vm1;
	v10 =	vmctz.xlane vm0  }
0xdf: {  	v9 =	vsel vm1, v9, v11;
	v11 =	vld [tilespmem:s28+$0x0]  }
0xe0: {  	vm0 =	vlt.s32 v9, $0x0;
	vm1 =	vlt.s32 v10, $0x10  }
0xe1: {  	v10 =	vadd.s32 s1, v10;
	vm0 =	vmand vm0, vm1  }
0xe2: {  	v9 =	vsel vm0, v10, v9  }
0xe3: {  	v9 =	vshll.u32 v9, $0x12  }
0xe4: {  	vm0 =	vge.s32 v11, v9  }
0xe5: {  	v10 =	vsel vm0, $0x1, v1  }
0xe6: {  	(xrf0) =	vadd.scan.msk.s32 $0xffff, v10;
	_ =	sdelay $0x5  }
0xe7: {  	v63, _, _ =	vpop (xrf0)  }
0xe8: {  	s29 =	simm.s32 $0x0;
	v10 =	vsub.s32 v63, v10;
	(v2sf) =	vpush v63, $0xF  }
0xe9: {  	v10 =	vadd.s32 s29, v10  }
0xea: {  	vm1 =	vlt.s32 v10, $0x400  }
0xeb: {  	vm0 =	vmand vm0, vm1;
	_ =	sdelay $0x4  }
0xec: {  	s5 =	rddreg [dreg:$0x7]  }
0xed: {  	[tilespmem:v10+s19+$0x0] =	vst.idx.msk vm0, v11;
	v11 =	vor.u32 s5, v0  }
0xee: {  	s30 =	simm.s32 $0x10;
	[tilespmem:v10+s20+$0x0] =	vst.idx.msk vm0, v11  }
0xef: {  	v10 =	vld [tilespmem:s30+$0x0];
	_ =	sdelay $0x3  }
0xf0: {  	s31 =	spop (v2sf)  }
0xf1: {  	vm0 =	vge.s32 v10, v9;
	s1 =	sadd.s32 $0x0, s31  }
0xf2: {  	s6 =	simm.s32 $0x80;
	v11 =	vsel vm0, $0x1, v1;
	p3 =	slt.s32 s1, $0x400  }
.LBB2_12:
0xf3: {  	s1 =	simm.s32 @!p3 $0x400  }
0xf4: {  	(xrf0) =	vadd.scan.msk.s32 $0xffff, v11;
	s5 =	sadd.s32 $0x10, s5;
	s7 =	smov.u32 s6;
	s10 =	sadd.s32 $0x40, s6  }
0xf5: {  	p2 =	sne.s32 s6, $0x9C00;
	_ =	sdelay $0x4  }
0xf6: {  	v12, _, _ =	vpop (xrf0)  }
0xf7: {  	v11 =	vsub.s32 v12, v11;
	(v2sf) =	vpush v12, $0xF  }
0xf8: {  	v11 =	vadd.s32 s1, v11  }
0xf9: {  	vm1 =	vlt.s32 v11, $0x400  }
0xfa: {  	vm0 =	vmand vm0, vm1;
	_ =	sdelay $0x5  }
0xfb: {  	[tilespmem:v11+s19+$0x0] =	vst.idx.msk vm0, v10;
	v10 =	vor.u32 s5, v0  }
0xfc: {  	s6 =	sshra.s32 s7, $0x2;
	[tilespmem:v11+s20+$0x0] =	vst.idx.msk vm0, v10  }
0xfd: {  	v10 =	vld [tilespmem:s6+$0x0];
	_ =	sdelay $0x1  }
.Ltmp7:
0xfe: {  	(pc) =	sbr.rel @p2 .LBB2_12-.Ltmp7, $4  }
0xff: {  	_ = 	snop  }
0x100: {  	s6 =	spop (v2sf)  }
0x101: {  	vm0 =	vge.s32 v10, v9;
	s1 =	sadd.s32 s1, s6  }
0x102: {  	s6 =	smov.u32 s10;
	v11 =	vsel vm0, $0x1, v1;
	p3 =	slt.s32 s1, $0x400  }
0x103: {  	(xrf0) =	vadd.scan.msk.s32 $0xffff, v11;
	_ =	sdelay $0x5  }
0x104: {  	v9, _, _ =	vpop (xrf0)  }
0x105: {  	(v2sf) =	vpush v9, $0xF;
	_ =	sdelay $0x8  }
0x106: {  	s1 =	simm.s32 @!p3 $0x400;
	v9 =	vsub.s32 v9, v11  }
0x107: {  	v9 =	vadd.s32 s1, v9  }
0x108: {  	vm1 =	vlt.s32 v9, $0x400  }
0x109: {  	vm0 =	vmand vm0, vm1;
	_ =	sdelay $0x2  }
0x10a: {  	s6 =	spop (v2sf)  }
0x10b: {  	s1 =	sadd.s32 s1, s6  }
0x10c: {  	s5 =	sadd.s32 $0x10, s5;
	p2 =	slt.s32 s1, $0x400  }
0x10d: {  	[tilespmem:v9+s19+$0x0] =	vst.idx.msk vm0, v10;
	v10 =	vor.u32 s5, v0;
	s1 =	simm.s32 @!p2 $0x400  }
0x10e: {  	[tilespmem:v9+s20+$0x0] =	vst.idx.msk vm0, v10;
	v9 =	vmov s1  }
0x10f: {  	s0 =	rddreg [dreg:$0xc];
	s6 =	simm.s32 $0x3;
	[tilespmem:$0xB780] =	vst v9  }
0x110: {  	[spmem:s0] =	stream.strided.scatter [tilespmem:s19], [sflag:$0x3], $0x400, s18, s9, $0x38;
	[tilespmem:$0x15090] =	vst v63  }
0x111: {  	_ =	swait.ge [sflag:s6], $0x400  }
0x112: {  	[sflag:s6] =	ssyncset.done $0x0  }
0x113: {  	s29 =	rddreg [dreg:$0xd];
	[sflag:s6] =	ssyncadd.s32 $0xFFFFFC00  }
0x114: {  	[spmem:s29] =	stream.strided.scatter [tilespmem:s20], [sflag:$0x3], $0x400, s18, s9, $0x38;
	[tilespmem:$0x15090] =	vst v63  }
0x115: {  	_ =	swait.ge [sflag:s6], $0x400  }
0x116: {  	[sflag:s6] =	ssyncset.done $0x0  }
0x117: {  	s30 =	rddreg [dreg:$0x11];
	[sflag:s6] =	ssyncadd.s32 $0xFFFFFC00  }
0x118: {  	[spmem:s30] =	stream.linear.scatter [tilespmem:s24], [sflag:$0x3], $0x80, $0x38;
	[tilespmem:$0x15090] =	vst v63  }
0x119: {  	_ =	swait.ge [sflag:s6], $0x80  }
0x11a: {  	[sflag:s6] =	ssyncset.done $0x0  }
0x11b: {  	[sflag:s6] =	ssyncadd.s32 $0xFFFFFF80  }
0x11c: {  	[bflag:$0x0] =	sbarrier.arrive $0xFFFF  }
0x11d: {  	s31 =	sld [smem:$0x7FB];
	_ =	sdelay $0x2  }
0x11e: {  	p0 =	seq.s32 s31, $0x1  }
.Ltmp8:
0x11f: {  	_ = 	snop;
	(pc) =	sbr.rel @!p0 .LBB2_14-.Ltmp8, $1  }
0x120: {  	_ =	sdelay $0x3  }
0x121: {  	s1 =	simm.s32 $0xAF80;
	s0 =	rddreg [dreg:$0xf]  }
0x122: {  	[tilespmem:s1], [sflag:$0x3] =	stream.strided.gather [spmem:s0], $0x400, s18, s9, $0x38;
	[tilespmem:$0x15090] =	vst v63  }
0x123: {  	_ =	swait.ge [sflag:s6], $0x400  }
0x124: {  	[sflag:s6] =	ssyncset.done $0x0  }
0x125: {  	s5 =	simm.s32 $0xB380;
	s28 =	rddreg [dreg:$0x10];
	[sflag:s6] =	ssyncadd.s32 $0xFFFFFC00  }
0x126: {  	[tilespmem:s5], [sflag:$0x3] =	stream.strided.gather [spmem:s28], $0x400, s18, s9, $0x38;
	[tilespmem:$0x15090] =	vst v63  }
0x127: {  	_ =	swait.ge [sflag:s6], $0x400  }
0x128: {  	[sflag:s6] =	ssyncset.done $0x0  }
0x129: {  	s29 =	rddreg [dreg:$0x13];
	[sflag:s6] =	ssyncadd.s32 $0xFFFFFC00  }
0x12a: {  	[tilespmem:s24], [sflag:$0x3] =	stream.linear.gather [spmem:s29], $0x80, $0x38;
	[tilespmem:$0x15090] =	vst v63  }
0x12b: {  	_ =	swait.ge [sflag:s6], $0x80  }
0x12c: {  	[sflag:s6] =	ssyncset.done $0x0  }
0x12d: {  	[sflag:s6] =	ssyncadd.s32 $0xFFFFFF80  }
0x12e: {  	v10 =	vld.msk [tilespmem:$0xB780 ss:$0x0], $0xffff;
	_ =	sdelay $0x1  }
0x12f: {  	s30 =	simm.s32 $0x0  }
0x130: {  	v12 =	vor.u32 s30, v0  }
0x131: {  	v11 =	vadd.s32 v9, v12  }
0x132: {  	vm1 =	vlt.s32 v11, $0x600;
	vm0 =	vlt.s32 v12, v10  }
0x133: {  	vm0 =	vmand vm0, vm1  }
0x134: {  	v12 =	vld [tilespmem:s1+$0x0];
	_ =	sdelay $0x4  }
0x135: {  	[tilespmem:v11+s19+$0x0] =	vst.idx.msk vm0, v12  }
0x136: {  	v12 =	vld [tilespmem:s5+$0x0]  }
0x137: {  	s31 =	simm.s32 $0x10  }
0x138: {  	v13 =	vor.u32 s31, v0;
	s6 =	simm.s32 $0x20  }
.LBB2_16:
0x139: {  	p2 =	sne.s32 s6, $0x3F0;
	v14 =	vadd.s32 v9, v13  }
0x13a: {  	vm1 =	vlt.s32 v13, v10;
	vm2 =	vlt.s32 v14, $0x600  }
0x13b: {  	s1 =	sadd.s32 $0x10, s1;
	[tilespmem:v11+s20+$0x0] =	vst.idx.msk vm0, v12;
	vm0 =	vmand vm1, vm2;
	v11 =	vmov v14  }
0x13c: {  	v12 =	vld [tilespmem:s1+$0x0];
	_ =	sdelay $0x3  }
.Ltmp9:
0x13d: {  	(pc) =	sbr.rel @p2 .LBB2_16-.Ltmp9, $3  }
0x13e: {  	s5 =	sadd.s32 $0x10, s5;
	[tilespmem:v14+s19+$0x0] =	vst.idx.msk vm0, v12  }
0x13f: {  	v12 =	vld [tilespmem:s5+$0x0];
	_ =	sdelay $0x1  }
0x140: {  	v13 =	vor.u32 s6, v0;
	s6 =	sadd.s32 $0x10, s6  }
0x141: {  	_ =	sdelay $0x2  }
0x142: {  	v9 =	vadd.s32 v9, v13  }
0x143: {  	vm1 =	vlt.s32 v13, v10;
	vm2 =	vlt.s32 v9, $0x600  }
0x144: {  	s1 =	sadd.s32 $0x10, s1;
	vm1 =	vmand vm1, vm2;
	[tilespmem:v11+s20+$0x0] =	vst.idx.msk vm0, v12  }
0x145: {  	v10 =	vld [tilespmem:s1+$0x0];
	_ =	sdelay $0x4  }
0x146: {  	s31 =	sadd.s32 $0x10, s5;
	[tilespmem:v9+s19+$0x0] =	vst.idx.msk vm1, v10  }
0x147: {  	v10 =	vld [tilespmem:s31+$0x0];
	_ =	sdelay $0x4  }
0x148: {  	s5 =	simm.s32 $0x0;
	s1 =	simm.s32 $0x40;
	[tilespmem:v9+s20+$0x0] =	vst.idx.msk vm1, v10  }
.LBB2_18:
0x149: {  	p2 =	sne.s32 s1, $0xFC0;
	[tilespmem:s5+$0x7780] =	vst v1;
	s5 =	smov.u32 s1;
	s1 =	sadd.s32 $0x40, s1  }
.Ltmp10:
0x14a: {  	(pc) =	sbr.rel @p2 .LBB2_18-.Ltmp10, $2  }
0x14b: {  	_ =	sdelay $0x2  }
0x14c: {  	s5 =	sshra.s32 s5, $0x2  }
0x14d: {  	[tilespmem:s5+$0x7780] =	vst v1;
	s1 =	simm.s32 $0x0;
	s6 =	simm.s32 $0x0;
	s5 =	simm.s32 $0x40  }
.LBB2_20:
0x14e: {  	p2 =	sne.s32 s5, $0x17C0;
	v9 =	vld [tilespmem:s6+$0x9780];
	_ =	sdelay $0x4  }
0x14f: {  	v9 =	vandn.u32 $0x3FF, v9  }
.Ltmp11:
0x150: {  	(pc) =	sbr.rel @p2 .LBB2_20-.Ltmp11, $2  }
0x151: {  	_ =	sdelay $0x2  }
0x152: {  	s6 =	sshra.s32 s5, $0x2;
	s5 =	sadd.s32 $0x40, s5;
	[tilespmem:v9+s17+$0x0] =	vst.idx.add.s32.msk $0xffff, v3  }
0x153: {  	v9 =	vld [tilespmem:s6+$0x9780];
	_ =	sdelay $0x4  }
0x154: {  	v9 =	vandn.u32 $0x3FF, v9;
	_ =	sdelay $0x4  }
0x155: {  	s7 =	simm.s32 $0x0;
	[tilespmem:v9+s17+$0x0] =	vst.idx.add.s32.msk $0xffff, v3  }
0x156: {  	v9 =	vld [tilespmem:s7+$0x7780];
	_ =	sdelay $0x4  }
0x157: {  	(xrf0) =	vadd.scan.msk.s32 $0xffff, v9;
	_ =	sdelay $0x5  }
0x158: {  	v10, _, _ =	vpop (xrf0)  }
0x159: {  	(v2sf) =	vpush v10, $0xF  }
0x15a: {  	v9 =	vsub.s32 s1, v9  }
0x15b: {  	v9 =	vadd.s32 v10, v9  }
0x15c: {  	s5 =	simm.s32 $0x10;
	s6 =	simm.s32 $0x80;
	[tilespmem:s7+$0x7780] =	vst v9  }
.LBB2_22:
0x15d: {  	p2 =	sne.s32 s6, $0xFC0;
	v9 =	vld [tilespmem:s5+$0x7780];
	_ =	sdelay $0x4  }
0x15e: {  	(xrf0) =	vadd.scan.msk.s32 $0xffff, v9;
	_ =	sdelay $0x5  }
.Ltmp12:
0x15f: {  	v10, _, _ =	vpop (xrf0);
	s7 =	spop (v2sf);
	(pc) =	sbr.rel @p2 .LBB2_22-.Ltmp12, $4  }
0x160: {  	(v2sf) =	vpush v10, $0xF;
	s1 =	sadd.s32 s1, s7  }
0x161: {  	v9 =	vsub.s32 s1, v9  }
0x162: {  	v9 =	vadd.s32 v10, v9  }
0x163: {  	[tilespmem:s5+$0x7780] =	vst v9;
	s5 =	sshra.s32 s6, $0x2;
	s6 =	sadd.s32 $0x40, s6  }
0x164: {  	_ =	sdelay $0x1  }
0x165: {  	v9 =	vld [tilespmem:s5+$0x7780];
	_ =	sdelay $0x4  }
0x166: {  	(xrf0) =	vadd.scan.msk.s32 $0xffff, v9;
	_ =	sdelay $0x3  }
0x167: {  	s6 =	spop (v2sf)  }
0x168: {  	s1 =	sadd.s32 s1, s6  }
0x169: {  	v10, _, _ =	vpop (xrf0);
	v9 =	vsub.s32 s1, v9  }
0x16a: {  	v9 =	vadd.s32 v10, v9  }
0x16b: {  	s1 =	simm.s32 $0x0;
	[tilespmem:s5+$0x7780] =	vst v9  }
0x16c: {  	v9 =	vld [tilespmem:s1+$0x9780];
	_ =	sdelay $0x4  }
0x16d: {  	v9 =	vshll.u32 v9, $0x4  }
0x16e: {  	v9 =	vand.u32 $0x3FF0, v9  }
0x16f: {  	v9 =	vxor.u32 v4, v9  }
0x170: {  	(xrf1) =	vsort.ascd.msk.u32 $0xffff, v9, v0;
	_ =	sdelay $0xd  }
0x171: {  	v9, v11, _ =	vpop (xrf1)  }
0x172: {  	v9 =	vshra.s32 v9, $0x4  }
0x173: {  	v9 =	vxor.u32 $0xF8000000, v9  }
0x174: {  	[tilespmem:$0xB801] =	vst v9  }
0x175: {  	v12 =	vld [tilespmem:$0xB800];
	_ =	sdelay $0x4  }
0x176: {  	vm0 =	veq.s32 v9, v12  }
0x177: {  	(v2sf) =	vpush v10, $0xF;
	v10 =	vsel vm0, $0x80000000, v5  }
0x178: {  	(xrf0) =	vmax.scan.msk.u32 $0xffff, v10;
	_ =	sdelay $0x2  }
0x179: {  	v10 =	vld.idx.msk [tilespmem:v9+s17+$0x0], $0xffff;
	_ =	sdelay $0x2  }
0x17a: {  	v62, _, _ =	vpop (xrf0)  }
0x17b: {  	v12 =	vxor.u32 $0x80000000, v62  }
0x17c: {  	v10 =	vsub.s32 v10, v12  }
0x17d: {  	v63 =	vld.idx.msk [tilespmem:v11+s1+$0x9780], $0xffff;
	v13 =	vadd.s32 v0, v10  }
0x17e: {  	v11 =	vld.idx.msk [tilespmem:v11+s1+$0x9D80], $0xffff;
	_ =	sdelay $0x3  }
0x17f: {  	s7 =	simm.s32 $0x40;
	[tilespmem:v13+s25+$0x0] =	vst.idx.msk $0xffff, v63  }
0x180: {  	s6 =	simm.s32 $0x40;
	s5 =	simm.s32 $0x80;
	s31 =	spop (v2sf);
	v10 =	vadd.s32 v6, v10;
	[tilespmem:v13+s26+$0x0] =	vst.idx.msk $0xffff, v11  }
.LBB2_24:
0x181: {  	p2 =	sne.s32 s5, $0x17C0  }
0x182: {  	s10 =	sshra.s32 s7, $0x2;
	[tilespmem:v9+s17+$0x0] =	vst.idx.msk $0xffff, v10;
	s7 =	smov.u32 s5;
	s5 =	sadd.s32 $0x40, s5  }
0x183: {  	v9 =	vld [tilespmem:s10+$0x9780];
	_ =	sdelay $0x4  }
0x184: {  	v9 =	vshll.u32 v9, $0x4  }
0x185: {  	v9 =	vand.u32 $0x3FF0, v9  }
0x186: {  	v9 =	vxor.u32 v4, v9  }
0x187: {  	(xrf1) =	vsort.ascd.msk.u32 $0xffff, v9, v0;
	_ =	sdelay $0xd  }
0x188: {  	v9, v10, _ =	vpop (xrf1)  }
0x189: {  	v9 =	vshra.s32 v9, $0x4  }
0x18a: {  	v9 =	vxor.u32 $0xF8000000, v9  }
0x18b: {  	[tilespmem:$0xB801] =	vst v9  }
0x18c: {  	v11 =	vld [tilespmem:$0xB800];
	_ =	sdelay $0x4  }
0x18d: {  	vm0 =	veq.s32 v9, v11  }
0x18e: {  	v11 =	vsel vm0, $0x80000000, v5  }
0x18f: {  	(xrf0) =	vmax.scan.msk.u32 $0xffff, v11;
	_ =	sdelay $0x1  }
0x190: {  	v11 =	vld.idx.msk [tilespmem:v9+s17+$0x0], $0xffff;
	_ =	sdelay $0x3  }
0x191: {  	v12, _, _ =	vpop (xrf0)  }
0x192: {  	v12 =	vxor.u32 $0x80000000, v12  }
0x193: {  	v11 =	vsub.s32 v11, v12;
	v12 =	vld.idx.msk [tilespmem:v10+s10+$0x9780], $0xffff  }
0x194: {  	v13 =	vadd.s32 v0, v11;
	v10 =	vld.idx.msk [tilespmem:v10+s10+$0x9D80], $0xffff;
	_ =	sdelay $0x1  }
.Ltmp13:
0x195: {  	(pc) =	sbr.rel @p2 .LBB2_24-.Ltmp13, $3  }
0x196: {  	_ =	sdelay $0x1  }
0x197: {  	[tilespmem:v13+s25+$0x0] =	vst.idx.msk $0xffff, v12  }
0x198: {  	[tilespmem:v13+s26+$0x0] =	vst.idx.msk $0xffff, v10;
	v10 =	vadd.s32 v6, v11  }
0x199: {  	_ =	sdelay $0x3  }
0x19a: {  	s5 =	sshra.s32 s7, $0x2;
	[tilespmem:v9+s17+$0x0] =	vst.idx.msk $0xffff, v10  }
0x19b: {  	v9 =	vld [tilespmem:s5+$0x9780];
	_ =	sdelay $0x4  }
0x19c: {  	v9 =	vshll.u32 v9, $0x4  }
0x19d: {  	v9 =	vand.u32 $0x3FF0, v9  }
0x19e: {  	v9 =	vxor.u32 v4, v9  }
0x19f: {  	(xrf1) =	vsort.ascd.msk.u32 $0xffff, v9, v0;
	_ =	sdelay $0xd  }
0x1a0: {  	v9, v10, _ =	vpop (xrf1)  }
0x1a1: {  	v9 =	vshra.s32 v9, $0x4  }
0x1a2: {  	v9 =	vxor.u32 $0xF8000000, v9  }
0x1a3: {  	[tilespmem:$0xB801] =	vst v9  }
0x1a4: {  	v11 =	vld [tilespmem:$0xB800];
	_ =	sdelay $0x4  }
0x1a5: {  	vm0 =	veq.s32 v9, v11  }
0x1a6: {  	v11 =	vsel vm0, $0x80000000, v5  }
0x1a7: {  	(xrf0) =	vmax.scan.msk.u32 $0xffff, v11;
	_ =	sdelay $0x2  }
0x1a8: {  	v11 =	vld.idx.msk [tilespmem:v9+s17+$0x0], $0xffff;
	_ =	sdelay $0x2  }
0x1a9: {  	v12, _, _ =	vpop (xrf0)  }
0x1aa: {  	v12 =	vxor.u32 $0x80000000, v12  }
0x1ab: {  	v11 =	vsub.s32 v11, v12  }
0x1ac: {  	v63 =	vld.idx.msk [tilespmem:v10+s5+$0x9780], $0xffff;
	v13 =	vadd.s32 v0, v11  }
0x1ad: {  	v10 =	vld.idx.msk [tilespmem:v10+s5+$0x9D80], $0xffff;
	_ =	sdelay $0x3  }
0x1ae: {  	[tilespmem:v13+s25+$0x0] =	vst.idx.msk $0xffff, v63  }
0x1af: {  	[tilespmem:v13+s26+$0x0] =	vst.idx.msk $0xffff, v10;
	v10 =	vadd.s32 v6, v11  }
0x1b0: {  	[tilespmem:v9+s17+$0x0] =	vst.idx.msk $0xffff, v10  }
.LBB2_26:
0x1b1: {  	p2 =	sne.s32 s6, $0xFC0;
	[tilespmem:s1+$0x7780] =	vst v1;
	s1 =	smov.u32 s6;
	s6 =	sadd.s32 $0x40, s6  }
.Ltmp14:
0x1b2: {  	(pc) =	sbr.rel @p2 .LBB2_26-.Ltmp14, $2  }
0x1b3: {  	_ =	sdelay $0x2  }
0x1b4: {  	s1 =	sshra.s32 s1, $0x2  }
0x1b5: {  	[tilespmem:s1+$0x7780] =	vst v1;
	s1 =	simm.s32 $0x0;
	s6 =	simm.s32 $0x0;
	s5 =	simm.s32 $0x40  }
.LBB2_28:
0x1b6: {  	p2 =	sne.s32 s5, $0x17C0;
	v9 =	vld [tilespmem:s6+$0xA380];
	_ =	sdelay $0x4  }
0x1b7: {  	v9 =	vxor.u32 $0xFFFFFFFF, v9  }
0x1b8: {  	v9 =	vshrl.u32 v9, $0xA  }
0x1b9: {  	v9 =	vand.u32 $0x3FF, v9  }
.Ltmp15:
0x1ba: {  	(pc) =	sbr.rel @p2 .LBB2_28-.Ltmp15, $2  }
0x1bb: {  	_ =	sdelay $0x2  }
0x1bc: {  	s6 =	sshra.s32 s5, $0x2;
	s5 =	sadd.s32 $0x40, s5;
	[tilespmem:v9+s17+$0x0] =	vst.idx.add.s32.msk $0xffff, v3  }
0x1bd: {  	v9 =	vld [tilespmem:s6+$0xA380];
	_ =	sdelay $0x4  }
0x1be: {  	v9 =	vxor.u32 $0xFFFFFFFF, v9  }
0x1bf: {  	v9 =	vshrl.u32 v9, $0xA  }
0x1c0: {  	v9 =	vand.u32 $0x3FF, v9;
	_ =	sdelay $0x4  }
0x1c1: {  	s7 =	simm.s32 $0x0;
	[tilespmem:v9+s17+$0x0] =	vst.idx.add.s32.msk $0xffff, v3  }
0x1c2: {  	v9 =	vld [tilespmem:s7+$0x7780];
	_ =	sdelay $0x4  }
0x1c3: {  	(xrf0) =	vadd.scan.msk.s32 $0xffff, v9;
	_ =	sdelay $0x5  }
0x1c4: {  	v10, _, _ =	vpop (xrf0)  }
0x1c5: {  	(v2sf) =	vpush v10, $0xF  }
0x1c6: {  	v9 =	vsub.s32 s1, v9  }
0x1c7: {  	v9 =	vadd.s32 v10, v9  }
0x1c8: {  	s5 =	simm.s32 $0x10;
	s6 =	simm.s32 $0x80;
	[tilespmem:s7+$0x7780] =	vst v9  }
.LBB2_30:
0x1c9: {  	p2 =	sne.s32 s6, $0xFC0;
	v9 =	vld [tilespmem:s5+$0x7780];
	_ =	sdelay $0x4  }
0x1ca: {  	(xrf0) =	vadd.scan.msk.s32 $0xffff, v9;
	_ =	sdelay $0x5  }
.Ltmp16:
0x1cb: {  	v10, _, _ =	vpop (xrf0);
	s7 =	spop (v2sf);
	(pc) =	sbr.rel @p2 .LBB2_30-.Ltmp16, $4  }
0x1cc: {  	(v2sf) =	vpush v10, $0xF;
	s1 =	sadd.s32 s1, s7  }
0x1cd: {  	v9 =	vsub.s32 s1, v9  }
0x1ce: {  	v9 =	vadd.s32 v10, v9  }
0x1cf: {  	[tilespmem:s5+$0x7780] =	vst v9;
	s5 =	sshra.s32 s6, $0x2;
	s6 =	sadd.s32 $0x40, s6  }
0x1d0: {  	_ =	sdelay $0x1  }
0x1d1: {  	v9 =	vld [tilespmem:s5+$0x7780];
	_ =	sdelay $0x4  }
0x1d2: {  	(xrf0) =	vadd.scan.msk.s32 $0xffff, v9;
	_ =	sdelay $0x3  }
0x1d3: {  	s6 =	spop (v2sf)  }
0x1d4: {  	s1 =	sadd.s32 s1, s6  }
0x1d5: {  	v10, _, _ =	vpop (xrf0);
	v9 =	vsub.s32 s1, v9  }
0x1d6: {  	v9 =	vadd.s32 v10, v9  }
0x1d7: {  	s1 =	simm.s32 $0x0;
	[tilespmem:s5+$0x7780] =	vst v9  }
0x1d8: {  	v9 =	vld [tilespmem:s1+$0xA380];
	_ =	sdelay $0x4  }
0x1d9: {  	v9 =	vshrl.u32 v9, $0x6  }
0x1da: {  	v9 =	vand.u32 $0x3FF0, v9  }
0x1db: {  	v9 =	vxor.u32 v4, v9  }
0x1dc: {  	(xrf1) =	vsort.ascd.msk.u32 $0xffff, v9, v0;
	_ =	sdelay $0xd  }
0x1dd: {  	v9, v11, _ =	vpop (xrf1)  }
0x1de: {  	v9 =	vshra.s32 v9, $0x4  }
0x1df: {  	v9 =	vxor.u32 $0xF8000000, v9  }
0x1e0: {  	[tilespmem:$0xB801] =	vst v9  }
0x1e1: {  	v12 =	vld [tilespmem:$0xB800];
	_ =	sdelay $0x4  }
0x1e2: {  	vm0 =	veq.s32 v9, v12  }
0x1e3: {  	(v2sf) =	vpush v10, $0xF;
	v10 =	vsel vm0, $0x80000000, v5  }
0x1e4: {  	(xrf0) =	vmax.scan.msk.u32 $0xffff, v10;
	_ =	sdelay $0x2  }
0x1e5: {  	v10 =	vld.idx.msk [tilespmem:v9+s17+$0x0], $0xffff;
	_ =	sdelay $0x2  }
0x1e6: {  	v62, _, _ =	vpop (xrf0)  }
0x1e7: {  	v12 =	vxor.u32 $0x80000000, v62  }
0x1e8: {  	v10 =	vsub.s32 v10, v12  }
0x1e9: {  	v63 =	vld.idx.msk [tilespmem:v11+s1+$0xA380], $0xffff;
	v13 =	vadd.s32 v0, v10  }
0x1ea: {  	v11 =	vld.idx.msk [tilespmem:v11+s1+$0xA980], $0xffff;
	_ =	sdelay $0x3  }
0x1eb: {  	s7 =	simm.s32 $0x40;
	[tilespmem:v13+s19+$0x0] =	vst.idx.msk $0xffff, v63  }
0x1ec: {  	s6 =	simm.s32 $0x40;
	s5 =	simm.s32 $0x80;
	s31 =	spop (v2sf);
	v10 =	vadd.s32 v6, v10;
	[tilespmem:v13+s20+$0x0] =	vst.idx.msk $0xffff, v11  }
.LBB2_32:
0x1ed: {  	p2 =	sne.s32 s5, $0x17C0  }
0x1ee: {  	s10 =	sshra.s32 s7, $0x2;
	[tilespmem:v9+s17+$0x0] =	vst.idx.msk $0xffff, v10;
	s7 =	smov.u32 s5;
	s5 =	sadd.s32 $0x40, s5  }
0x1ef: {  	v9 =	vld [tilespmem:s10+$0xA380];
	_ =	sdelay $0x4  }
0x1f0: {  	v9 =	vshrl.u32 v9, $0x6  }
0x1f1: {  	v9 =	vand.u32 $0x3FF0, v9  }
0x1f2: {  	v9 =	vxor.u32 v4, v9  }
0x1f3: {  	(xrf1) =	vsort.ascd.msk.u32 $0xffff, v9, v0;
	_ =	sdelay $0xd  }
0x1f4: {  	v9, v10, _ =	vpop (xrf1)  }
0x1f5: {  	v9 =	vshra.s32 v9, $0x4  }
0x1f6: {  	v9 =	vxor.u32 $0xF8000000, v9  }
0x1f7: {  	[tilespmem:$0xB801] =	vst v9  }
0x1f8: {  	v11 =	vld [tilespmem:$0xB800];
	_ =	sdelay $0x4  }
0x1f9: {  	vm0 =	veq.s32 v9, v11  }
0x1fa: {  	v11 =	vsel vm0, $0x80000000, v5  }
0x1fb: {  	(xrf0) =	vmax.scan.msk.u32 $0xffff, v11;
	_ =	sdelay $0x1  }
0x1fc: {  	v11 =	vld.idx.msk [tilespmem:v9+s17+$0x0], $0xffff;
	_ =	sdelay $0x3  }
0x1fd: {  	v12, _, _ =	vpop (xrf0)  }
0x1fe: {  	v12 =	vxor.u32 $0x80000000, v12  }
0x1ff: {  	v11 =	vsub.s32 v11, v12;
	v12 =	vld.idx.msk [tilespmem:v10+s10+$0xA380], $0xffff  }
0x200: {  	v13 =	vadd.s32 v0, v11;
	v10 =	vld.idx.msk [tilespmem:v10+s10+$0xA980], $0xffff;
	_ =	sdelay $0x1  }
.Ltmp17:
0x201: {  	(pc) =	sbr.rel @p2 .LBB2_32-.Ltmp17, $3  }
0x202: {  	_ =	sdelay $0x1  }
0x203: {  	[tilespmem:v13+s19+$0x0] =	vst.idx.msk $0xffff, v12  }
0x204: {  	[tilespmem:v13+s20+$0x0] =	vst.idx.msk $0xffff, v10;
	v10 =	vadd.s32 v6, v11  }
0x205: {  	_ =	sdelay $0x3  }
0x206: {  	s5 =	sshra.s32 s7, $0x2;
	[tilespmem:v9+s17+$0x0] =	vst.idx.msk $0xffff, v10  }
0x207: {  	v9 =	vld [tilespmem:s5+$0xA380];
	_ =	sdelay $0x4  }
0x208: {  	v9 =	vshrl.u32 v9, $0x6  }
0x209: {  	v9 =	vand.u32 $0x3FF0, v9  }
0x20a: {  	v9 =	vxor.u32 v4, v9  }
0x20b: {  	(xrf1) =	vsort.ascd.msk.u32 $0xffff, v9, v0;
	_ =	sdelay $0xd  }
0x20c: {  	v9, v10, _ =	vpop (xrf1)  }
0x20d: {  	v9 =	vshra.s32 v9, $0x4  }
0x20e: {  	v9 =	vxor.u32 $0xF8000000, v9  }
0x20f: {  	[tilespmem:$0xB801] =	vst v9  }
0x210: {  	v11 =	vld [tilespmem:$0xB800];
	_ =	sdelay $0x4  }
0x211: {  	vm0 =	veq.s32 v9, v11  }
0x212: {  	v11 =	vsel vm0, $0x80000000, v5  }
0x213: {  	(xrf0) =	vmax.scan.msk.u32 $0xffff, v11;
	_ =	sdelay $0x2  }
0x214: {  	v11 =	vld.idx.msk [tilespmem:v9+s17+$0x0], $0xffff;
	_ =	sdelay $0x2  }
0x215: {  	v12, _, _ =	vpop (xrf0)  }
0x216: {  	v12 =	vxor.u32 $0x80000000, v12  }
0x217: {  	v11 =	vsub.s32 v11, v12  }
0x218: {  	v63 =	vld.idx.msk [tilespmem:v10+s5+$0xA380], $0xffff;
	v13 =	vadd.s32 v0, v11  }
0x219: {  	v10 =	vld.idx.msk [tilespmem:v10+s5+$0xA980], $0xffff;
	_ =	sdelay $0x3  }
0x21a: {  	[tilespmem:v13+s19+$0x0] =	vst.idx.msk $0xffff, v63  }
0x21b: {  	[tilespmem:v13+s20+$0x0] =	vst.idx.msk $0xffff, v10;
	v10 =	vadd.s32 v6, v11  }
0x21c: {  	[tilespmem:v9+s17+$0x0] =	vst.idx.msk $0xffff, v10  }
.LBB2_34:
0x21d: {  	p2 =	sne.s32 s6, $0xFC0;
	[tilespmem:s1+$0x7780] =	vst v1;
	s1 =	smov.u32 s6;
	s6 =	sadd.s32 $0x40, s6  }
.Ltmp18:
0x21e: {  	(pc) =	sbr.rel @p2 .LBB2_34-.Ltmp18, $2  }
0x21f: {  	_ =	sdelay $0x2  }
0x220: {  	s1 =	sshra.s32 s1, $0x2  }
0x221: {  	[tilespmem:s1+$0x7780] =	vst v1;
	s1 =	simm.s32 $0x0;
	s6 =	simm.s32 $0x0;
	s5 =	simm.s32 $0x40  }
.LBB2_36:
0x222: {  	p2 =	sne.s32 s5, $0x17C0;
	v9 =	vld [tilespmem:s6+$0x9780];
	_ =	sdelay $0x4  }
0x223: {  	v9 =	vxor.u32 $0xFFFFFFFF, v9  }
0x224: {  	v9 =	vshrl.u32 v9, $0x14  }
0x225: {  	v9 =	vand.u32 $0x3FF, v9  }
.Ltmp19:
0x226: {  	(pc) =	sbr.rel @p2 .LBB2_36-.Ltmp19, $2  }
0x227: {  	_ =	sdelay $0x2  }
0x228: {  	s6 =	sshra.s32 s5, $0x2;
	s5 =	sadd.s32 $0x40, s5;
	[tilespmem:v9+s17+$0x0] =	vst.idx.add.s32.msk $0xffff, v3  }
0x229: {  	v9 =	vld [tilespmem:s6+$0x9780];
	_ =	sdelay $0x4  }
0x22a: {  	v9 =	vxor.u32 $0xFFFFFFFF, v9  }
0x22b: {  	v9 =	vshrl.u32 v9, $0x14  }
0x22c: {  	v9 =	vand.u32 $0x3FF, v9;
	_ =	sdelay $0x4  }
0x22d: {  	s7 =	simm.s32 $0x0;
	[tilespmem:v9+s17+$0x0] =	vst.idx.add.s32.msk $0xffff, v3  }
0x22e: {  	v9 =	vld [tilespmem:s7+$0x7780];
	_ =	sdelay $0x4  }
0x22f: {  	(xrf0) =	vadd.scan.msk.s32 $0xffff, v9;
	_ =	sdelay $0x5  }
0x230: {  	v10, _, _ =	vpop (xrf0)  }
0x231: {  	(v2sf) =	vpush v10, $0xF  }
0x232: {  	v9 =	vsub.s32 s1, v9  }
0x233: {  	v9 =	vadd.s32 v10, v9  }
0x234: {  	s5 =	simm.s32 $0x10;
	s6 =	simm.s32 $0x80;
	[tilespmem:s7+$0x7780] =	vst v9  }
.LBB2_38:
0x235: {  	p2 =	sne.s32 s6, $0xFC0;
	v9 =	vld [tilespmem:s5+$0x7780];
	_ =	sdelay $0x4  }
0x236: {  	(xrf0) =	vadd.scan.msk.s32 $0xffff, v9;
	_ =	sdelay $0x5  }
.Ltmp20:
0x237: {  	v10, _, _ =	vpop (xrf0);
	s7 =	spop (v2sf);
	(pc) =	sbr.rel @p2 .LBB2_38-.Ltmp20, $4  }
0x238: {  	(v2sf) =	vpush v10, $0xF;
	s1 =	sadd.s32 s1, s7  }
0x239: {  	v9 =	vsub.s32 s1, v9  }
0x23a: {  	v9 =	vadd.s32 v10, v9  }
0x23b: {  	[tilespmem:s5+$0x7780] =	vst v9;
	s5 =	sshra.s32 s6, $0x2;
	s6 =	sadd.s32 $0x40, s6  }
0x23c: {  	v9 =	vld [tilespmem:s5+$0x7780];
	_ =	sdelay $0x4  }
0x23d: {  	(xrf0) =	vadd.scan.msk.s32 $0xffff, v9;
	_ =	sdelay $0x5  }
0x23e: {  	v10, _, _ =	vpop (xrf0)  }
0x23f: {  	(v2sf) =	vpush v10, $0xF;
	_ =	sdelay $0xa  }
0x240: {  	s6 =	spop (v2sf)  }
0x241: {  	s1 =	sadd.s32 s1, s6  }
0x242: {  	v9 =	vsub.s32 s1, v9  }
0x243: {  	v9 =	vadd.s32 v10, v9  }
0x244: {  	s1 =	simm.s32 $0x0;
	[tilespmem:s5+$0x7780] =	vst v9;
	s5 =	simm.s32 $0x0;
	s31 =	spop (v2sf)  }
.LBB2_40:
0x245: {  	s6 =	sshra.s32 s5, $0x2  }
0x246: {  	v9 =	vld [tilespmem:s6+$0x9780];
	_ =	sdelay $0x4  }
0x247: {  	v9 =	vshrl.u32 v9, $0x10  }
0x248: {  	v9 =	vand.u32 $0x3FF0, v9  }
0x249: {  	v9 =	vxor.u32 v4, v9  }
0x24a: {  	(xrf1) =	vsort.ascd.msk.u32 $0xffff, v9, v0;
	_ =	sdelay $0xd  }
0x24b: {  	v9, v10, _ =	vpop (xrf1)  }
0x24c: {  	v9 =	vshra.s32 v9, $0x4  }
0x24d: {  	v9 =	vxor.u32 $0xF8000000, v9  }
0x24e: {  	[tilespmem:$0xB801] =	vst v9  }
0x24f: {  	v11 =	vld [tilespmem:$0xB800];
	_ =	sdelay $0x4  }
0x250: {  	vm0 =	veq.s32 v9, v11  }
0x251: {  	v11 =	vsel vm0, $0x80000000, v5  }
0x252: {  	(xrf0) =	vmax.scan.msk.u32 $0xffff, v11;
	_ =	sdelay $0x2  }
0x253: {  	v11 =	vld.idx.msk [tilespmem:v9+s17+$0x0], $0xffff;
	_ =	sdelay $0x2  }
0x254: {  	v12, _, _ =	vpop (xrf0)  }
0x255: {  	v12 =	vxor.u32 $0x80000000, v12  }
0x256: {  	v11 =	vsub.s32 v11, v12  }
0x257: {  	v13 =	vld.idx.msk [tilespmem:v10+s6+$0x9780], $0xffff;
	v12 =	vadd.s32 v0, v11  }
0x258: {  	v10 =	vld.idx.msk [tilespmem:v10+s6+$0x9D80], $0xffff  }
0x259: {  	p2 =	sne.s32 s5, $0x17C0  }
.Ltmp21:
0x25a: {  	_ = 	snop;
	(pc) =	sbr.rel @p2 .LBB2_40-.Ltmp21, $4  }
0x25b: {  	s6 =	simm.s32 $0xA380  }
0x25c: {  	[tilespmem:v12+s6+$0x0] =	vst.idx.msk $0xffff, v13  }
0x25d: {  	[tilespmem:v12+s26+$0x0] =	vst.idx.msk $0xffff, v10;
	v10 =	vadd.s32 v6, v11  }
0x25e: {  	s5 =	sadd.s32 $0x40, s5;
	[tilespmem:v9+s17+$0x0] =	vst.idx.msk $0xffff, v10  }
0x25f: {  	v10 =	vld [tilespmem:s6+$0x0];
	_ =	sdelay $0x3  }
0x260: {  	v11 =	vmov s1  }
0x261: {  	v9 =	vimm.s32 $0x0;
	s1 =	simm.s32 $0x10;
	s5 =	simm.s32 $0xA390;
	vm1 =	vlt.u32 v11, v7;
	vm0 =	vgt.s32 v10, $0x3E800000  }
.LBB2_42:
0x262: {  	v10 =	vld [tilespmem:s5+$0x0];
	p2 =	sne.s32 s1, $0x3E0;
	vm0 =	vmand vm1, vm0;
	s6 =	smov.u32 s1;
	s1 =	sadd.s32 $0x10, s1  }
.Ltmp22:
0x263: {  	v11 =	vsel vm0, $0x1, v1;
	(pc) =	sbr.rel @p2 .LBB2_42-.Ltmp22, $3  }
0x264: {  	v9 =	vadd.s32 v11, v9;
	_ =	sdelay $0x1  }
0x265: {  	v11 =	vmov s6  }
0x266: {  	s5 =	sadd.s32 $0x10, s5;
	vm1 =	vlt.u32 v11, v7;
	vm0 =	vgt.s32 v10, $0x3E800000  }
0x267: {  	vm0 =	vmand vm1, vm0  }
0x268: {  	v10 =	vsel vm0, $0x1, v1  }
0x269: {  	v9 =	vadd.s32 v10, v9  }
0x26a: {  	(xrf0) =	vadd.scan.msk.s32 $0xffff, v9;
	_ =	sdelay $0x5  }
0x26b: {  	v9, _, _ =	vpop (xrf0)  }
0x26c: {  	v9 =	vbroadcast v9, $0xF;
	_ =	sdelay $0x1  }
0x26d: {  	s0 =	rddreg [dreg:$0xd];
	[tilespmem:$0xB780] =	vst v9  }
0x26e: {  	[spmem:s0] =	stream.strided.scatter [tilespmem:s26], [sflag:$0x3], $0x400, s18, s9, $0x38;
	[tilespmem:$0x15090] =	vst v63  }
0x26f: {  	s18 =	simm.s32 $0x3  }
0x270: {  	_ =	swait.ge [sflag:s18], $0x400  }
0x271: {  	[sflag:s18] =	ssyncset.done $0x0  }
0x272: {  	s31 =	rddreg [dreg:$0x11];
	[sflag:s18] =	ssyncadd.s32 $0xFFFFFC00  }
0x273: {  	[spmem:s31] =	stream.linear.scatter [tilespmem:s24], [sflag:$0x3], $0x80, $0x38;
	[tilespmem:$0x15090] =	vst v63  }
.Ltmp23:
0x274: {  	_ =	swait.ge [sflag:s18], $0x80;
	(pc) =	sbr.rel .LBB2_44-.Ltmp23, $3  }
0x275: {  	[sflag:s18] =	ssyncset.done $0x0  }
0x276: {  	[sflag:s18] =	ssyncadd.s32 $0xFFFFFF80  }
0x277: {  	[bflag:$0x0] =	sbarrier.arrive $0xFFFF;
	_ =	sdelay $0x1  }
.LBB2_14:
0x278: {  	[bflag:$0x0] =	sbarrier.arrive $0xFFFF  }
0x279: {  	s0 =	rddreg [dreg:$0xb]  }
0x27a: {  	[tilespmem:s26], [sflag:$0x3] =	stream.strided.gather [spmem:s0], $0x400, s18, s9, $0x38;
	[tilespmem:$0x15090] =	vst v63  }
0x27b: {  	_ =	swait.ge [sflag:s6], $0x400  }
0x27c: {  	[sflag:s6] =	ssyncset.done $0x0  }
0x27d: {  	s31 =	rddreg [dreg:$0x12];
	[sflag:s6] =	ssyncadd.s32 $0xFFFFFC00  }
0x27e: {  	[tilespmem:s24], [sflag:$0x3] =	stream.linear.gather [spmem:s31], $0x80, $0x38;
	[tilespmem:$0x15090] =	vst v63  }
0x27f: {  	_ =	swait.ge [sflag:s6], $0x80  }
0x280: {  	[sflag:s6] =	ssyncset.done $0x0  }
0x281: {  	s18 =	simm.s32 $0x3;
	[sflag:s6] =	ssyncadd.s32 $0xFFFFFF80  }
.LBB2_44:
0x282: {  	_ =	sdelay $0x2  }
0x283: {  	s1 =	simm.s32 $0x0  }
0x284: {  	v9 =	vld.idx.msk [tilespmem:v8+s1+$0x0 ss:$0x1], $0xffff;
	_ =	sdelay $0x4  }
0x285: {  	(v2sf) =	vpush v9, $0x0;
	_ =	sdelay $0xe  }
0x286: {  	s28 =	spop (v2sf)  }
0x287: {  	p5 =	por $0x0, $0x0;
	s5 =	sand.u32 $0x7, s28  }
0x288: {  	s6 =	sshra.s32 s28, $0x1F;
	p2 =	slt.s32 s28, $0x1;
	p3 =	sne.s32 s5, $0x0  }
0x289: {  	s30 =	sadd.s32 $0x0, s23;
	s29 =	sshrl.u32 s6, $0x1D;
	p2 =	por !p2, !p3  }
0x28a: {  	s5 =	simm.s32 $0x1;
	s1 =	sadd.s32 s29, s28;
	p2 =	por !p2, !p2  }
0x28b: {  	p6 =	seq.s32 s30, $0x0;
	s1 =	sshrl.u32 s1, $0x3;
	s5 =	simm.s32 @!p2 $0x0  }
0x28c: {  	p2 =	por !p5, !p6;
	s1 =	ssub.s32 s1, s5  }
0x28d: {  	p2 =	por !p2, !p2;
	s5 =	simm.s32 $0x1;
	s1 =	sshll.u32 s1, $0xA  }
0x28e: {  	s5 =	simm.s32 @!p2 $0x0;
	s1 =	sadd.s32 s3, s1  }
0x28f: {  	s5 =	sshll.u32 s5, $0xE;
	s1 =	sshrl.u32 s1, $0x3  }
0x290: {  	s31 =	simm.s32 $0x1;
	s5 =	sadd.s32 $0xB880, s5;
	s1 =	sadd.s32 s4, s1  }
0x291: {  	v9 =	vld [tilespmem:$0xB780];
	[tilespmem:s5], [sflag:$0x1] =	stream.linear.gather [hbm4b:s1+s2], $0x400, $0x38  }
0x292: {  	s6 =	simm.s32 $0x8;
	s1 =	simm.s32 $0xB880;
	s5 =	simm.s32 $0x4;
	v10 =	vld.idx.msk [tilespmem:v8+s31+$0x0 ss:$0x1], $0xffff  }
.LBB2_45:
0x293: {  	p2 =	sne.s32 s6, $0x1C;
	_ =	sdelay $0x4  }
0x294: {  	(v2sf) =	vpush v10, $0x0;
	_ =	sdelay $0xe  }
0x295: {  	s7 =	spop (v2sf)  }
0x296: {  	s10 =	sand.u32 $0x7, s7;
	s12 =	sshra.s32 s7, $0x1F  }
0x297: {  	p3 =	slt.s32 s7, $0x1;
	p4 =	sne.s32 s10, $0x0;
	s10 =	sshrl.u32 s12, $0x1D  }
0x298: {  	p3 =	por !p3, !p4;
	p4 =	sne.s32 s5, $0x0;
	s5 =	sadd.s32 s5, s23  }
0x299: {  	s7 =	sadd.s32 s10, s7;
	s10 =	simm.s32 $0x1;
	p3 =	por !p3, !p3  }
0x29a: {  	s7 =	sshrl.u32 s7, $0x3;
	s10 =	simm.s32 @!p3 $0x0;
	p3 =	seq.s32 s5, $0x0  }
0x29b: {  	s5 =	smov.u32 s6;
	s7 =	ssub.s32 s7, s10;
	p3 =	por !p4, !p3  }
0x29c: {  	s10 =	simm.s32 $0x1;
	s7 =	sshll.u32 s7, $0xA;
	p3 =	por !p3, !p3  }
.Ltmp24:
0x29d: {  	s7 =	sadd.s32 s3, s7;
	s10 =	simm.s32 @!p3 $0x0;
	(pc) =	sbr.rel @p2 .LBB2_45-.Ltmp24, $4  }
0x29e: {  	s1 =	sadd.s32 $0x400, s1;
	s10 =	sshll.u32 s10, $0xE;
	s7 =	sshrl.u32 s7, $0x3  }
0x29f: {  	s12 =	sshra.s32 s6, $0x2;
	s10 =	sadd.s32 s10, s1;
	s7 =	sadd.s32 s4, s7  }
0x2a0: {  	[tilespmem:s10], [sflag:$0x1] =	stream.linear.gather [hbm4b:s7+s2], $0x400, $0x38;
	[tilespmem:$0x15090] =	vst v63  }
0x2a1: {  	s6 =	sadd.s32 $0x4, s6;
	v10 =	vld.idx.msk [tilespmem:v8+s12+$0x0 ss:$0x1], $0xffff  }
0x2a2: {  	_ =	sdelay $0x3  }
0x2a3: {  	(v2sf) =	vpush v10, $0x0;
	_ =	sdelay $0xb  }
0x2a4: {  	(v2sf) =	vpush v9, $0x0  }
0x2a5: {  	s22 =	rddreg [dreg:$0x1f]  }
0x2a6: {  	p5 =	sne.s32 s5, $0x0;
	s24 =	rddreg [dreg:$0x1e]  }
0x2a7: {  	s28 =	sadd.s32 s5, s23;
	s12 =	rddreg [dreg:$0x18];
	s6 =	spop (v2sf)  }
0x2a8: {  	s1 =	sadd.s32 $0x400, s1;
	s16 =	rddreg [dreg:$0x1d];
	s7 =	sand.u32 $0x7, s6  }
0x2a9: {  	s10 =	sshra.s32 s6, $0x1F;
	p2 =	slt.s32 s6, $0x1;
	p3 =	sne.s32 s7, $0x0  }
0x2aa: {  	p6 =	seq.s32 s28, $0x0;
	s26 =	sshrl.u32 s10, $0x1D;
	p2 =	por !p2, !p3  }
0x2ab: {  	s7 =	simm.s32 $0x1;
	s6 =	sadd.s32 s26, s6;
	p2 =	por !p2, !p2  }
0x2ac: {  	s10 =	sld [smem:$0x7FD];
	s6 =	sshrl.u32 s6, $0x3;
	s7 =	simm.s32 @!p2 $0x0  }
0x2ad: {  	s26 =	rddreg [dreg:$0x19];
	p2 =	por !p5, !p6;
	s29 =	ssub.s32 s6, s7  }
0x2ae: {  	p2 =	por !p2, !p2;
	s6 =	simm.s32 $0x1;
	s5 =	sshll.u32 s29, $0xA  }
.Ltmp25:
0x2af: {  	s6 =	simm.s32 @!p2 $0x0;
	s5 =	sadd.s32 s3, s5;
	(pc) =	sbr.rel .LBB2_47-.Ltmp25, $4  }
0x2b0: {  	s7 =	rddreg [dreg:$0x1a];
	s6 =	sshll.u32 s6, $0xE;
	s5 =	sshrl.u32 s5, $0x3  }
0x2b1: {  	s1 =	sadd.s32 s6, s1;
	s6 =	rddreg [dreg:$0x1c];
	s5 =	sadd.s32 s4, s5  }
0x2b2: {  	[tilespmem:s1], [sflag:$0x1] =	stream.linear.gather [hbm4b:s5+s2], $0x400, $0x38;
	[tilespmem:$0x15090] =	vst v63  }
0x2b3: {  	s31 =	simm.s32 $0x1;
	s30 =	spop (v2sf);
	s5 =	rddreg [dreg:$0x1b]  }
.LBB2_68:
0x2b4: {  	s0 =	sadd.s32 $0xFFFFFF80, s1  }
0x2b5: {  	s25 =	rddreg [dreg:$0xe];
	s0 =	sshll.u32 s0, $0x7  }
0x2b6: {  	s0 =	sadd.s32 s25, s0  }
0x2b7: {  	s28 =	rddreg [dreg:$0x6];
	s0 =	sshrl.u32 s0, $0x3  }
0x2b8: {  	s29 =	simm.s32 $0xF880;
	s0 =	sadd.s32 s28, s0  }
0x2b9: {  	[hbm4b:s0+s2] =	stream.linear.scatter [tilespmem:s29], [sflag:$0x3], $0x4000, $0x38;
	[tilespmem:$0x15090] =	vst v63  }
0x2ba: {  	_ =	swait.ge [sflag:s18], $0x4000  }
0x2bb: {  	[sflag:s18] =	ssyncset.done $0x0  }
0x2bc: {  	[sflag:s18] =	ssyncadd.s32 $0xFFFFC000  }
.LBB2_69:
0x2bd: {  	s31 =	sadd.s32 $0x1, s31  }
0x2be: {  	p0 =	sne.s32 s31, $0x41  }
.Ltmp26:
0x2bf: {  	_ = 	snop;
	(pc) =	sbr.rel @!p0 .LBB2_70-.Ltmp26, $4  }
0x2c0: {  	_ = 	snop  }
0x2c1: {  	s6 =	sadd.s32 $0x8, s6;
	s16 =	sadd.s32 $0x2000, s16;
	s12 =	sadd.s32 $0x8000, s12  }
0x2c2: {  	s7 =	sadd.s32 $0x1000, s7;
	s26 =	sadd.s32 $0x8, s26;
	s5 =	sadd.s32 $0x8, s5  }
0x2c3: {  	s24 =	sadd.s32 $0x400, s24;
	s22 =	sadd.s32 $0x400, s22;
	s10 =	sadd.s32 $0x8, s10  }
.LBB2_47:
0x2c4: {  	s14 =	sand.u32 $0x1, s31  }
0x2c5: {  	p2 =	seq.s32 s14, $0x0  }
.Ltmp27:
0x2c6: {  	_ = 	snop;
	(pc) =	sbr.rel @p2 .LBB2_51-.Ltmp27, $1  }
0x2c7: {  	_ =	sdelay $0x3  }
0x2c8: {  	v9 =	vmov s6;
	_ =	sdelay $0x3  }
0x2c9: {  	s1 =	simm.s32 $0x0  }
0x2ca: {  	v10 =	vld.idx.msk [tilespmem:v9+s1+$0x0 ss:$0x1], $0xffff;
	_ =	sdelay $0x4  }
0x2cb: {  	(v2sf) =	vpush v10, $0x0;
	_ =	sdelay $0xe  }
0x2cc: {  	s8 =	spop (v2sf)  }
0x2cd: {  	s13 =	sand.u32 $0x7, s8  }
0x2ce: {  	s15 =	sshra.s32 s8, $0x1F;
	p2 =	slt.s32 s8, $0x1;
	p3 =	sne.s32 s13, $0x0  }
0x2cf: {  	s9 =	sshrl.u32 s15, $0x1D;
	p2 =	por !p2, !p3  }
0x2d0: {  	s13 =	simm.s32 $0x1;
	s1 =	sadd.s32 s9, s8;
	p2 =	por !p2, !p2  }
0x2d1: {  	s1 =	sshrl.u32 s1, $0x3;
	s13 =	simm.s32 @!p2 $0x0  }
0x2d2: {  	s1 =	ssub.s32 s1, s13  }
0x2d3: {  	s15 =	sand.u32 $0xFFFF0000, s12;
	s1 =	sshll.u32 s1, $0xA  }
0x2d4: {  	s13 =	ssub.s32 $0x0, s15;
	s1 =	sadd.s32 s3, s1  }
0x2d5: {  	s13 =	sshra.s32 s13, $0x2;
	s25 =	sshrl.u32 s1, $0x3  }
0x2d6: {  	s29 =	simm.s32 $0x1;
	s1 =	sadd.s32 s13, s16;
	s28 =	sadd.s32 s4, s25  }
0x2d7: {  	[tilespmem:s1], [sflag:$0x2] =	stream.linear.gather [hbm4b:s28+s2], $0x400, $0x38;
	[tilespmem:$0x15090] =	vst v63  }
0x2d8: {  	s13 =	simm.s32 $0x8;
	v10 =	vld.idx.msk [tilespmem:v9+s29+$0x0 ss:$0x1], $0xffff  }
.LBB2_49:
0x2d9: {  	p2 =	sne.s32 s13, $0x1C;
	_ =	sdelay $0x4  }
0x2da: {  	(v2sf) =	vpush v10, $0x0;
	_ =	sdelay $0xe  }
0x2db: {  	s15 =	spop (v2sf)  }
0x2dc: {  	s25 =	sand.u32 $0x7, s15  }
0x2dd: {  	s28 =	sshra.s32 s15, $0x1F;
	p3 =	slt.s32 s15, $0x1;
	p4 =	sne.s32 s25, $0x0  }
0x2de: {  	s25 =	sshrl.u32 s28, $0x1D;
	p3 =	por !p3, !p4  }
0x2df: {  	s15 =	sadd.s32 s25, s15;
	s25 =	simm.s32 $0x1;
	p3 =	por !p3, !p3  }
0x2e0: {  	s15 =	sshrl.u32 s15, $0x3;
	s25 =	simm.s32 @!p3 $0x0  }
0x2e1: {  	s15 =	ssub.s32 s15, s25  }
0x2e2: {  	s15 =	sshll.u32 s15, $0xA  }
.Ltmp28:
0x2e3: {  	s15 =	sadd.s32 s3, s15;
	(pc) =	sbr.rel @p2 .LBB2_49-.Ltmp28, $4  }
0x2e4: {  	s15 =	sshrl.u32 s15, $0x3  }
0x2e5: {  	s1 =	sadd.s32 $0x400, s1;
	s25 =	sshra.s32 s13, $0x2;
	s15 =	sadd.s32 s4, s15  }
0x2e6: {  	[tilespmem:s1], [sflag:$0x2] =	stream.linear.gather [hbm4b:s15+s2], $0x400, $0x38;
	[tilespmem:$0x15090] =	vst v63  }
0x2e7: {  	s13 =	sadd.s32 $0x4, s13;
	v10 =	vld.idx.msk [tilespmem:v9+s25+$0x0 ss:$0x1], $0xffff  }
0x2e8: {  	_ =	sdelay $0x3  }
0x2e9: {  	(v2sf) =	vpush v10, $0x0;
	_ =	sdelay $0xe  }
0x2ea: {  	s13 =	spop (v2sf)  }
0x2eb: {  	s15 =	sand.u32 $0x7, s13  }
0x2ec: {  	s25 =	sshra.s32 s13, $0x1F;
	p2 =	slt.s32 s13, $0x1;
	p3 =	sne.s32 s15, $0x0  }
0x2ed: {  	s29 =	sshrl.u32 s25, $0x1D;
	p2 =	por !p2, !p3  }
0x2ee: {  	s15 =	simm.s32 $0x1;
	s13 =	sadd.s32 s29, s13;
	p2 =	por !p2, !p2  }
0x2ef: {  	s13 =	sshrl.u32 s13, $0x3;
	s15 =	simm.s32 @!p2 $0x0  }
0x2f0: {  	s13 =	ssub.s32 s13, s15  }
0x2f1: {  	s13 =	sshll.u32 s13, $0xA  }
0x2f2: {  	s13 =	sadd.s32 s3, s13  }
0x2f3: {  	s13 =	sshrl.u32 s13, $0x3  }
0x2f4: {  	s1 =	sadd.s32 $0x400, s1;
	s13 =	sadd.s32 s4, s13  }
0x2f5: {  	[tilespmem:s1], [sflag:$0x2] =	stream.linear.gather [hbm4b:s13+s2], $0x400, $0x38;
	[tilespmem:$0x15090] =	vst v63  }
.LBB2_51:
0x2f6: {  	p2 =	seq.s32 s31, $0x40  }
0x2f7: {  	p3 =	sne.s32 @!p2 s14, $0x0  }
0x2f8: {  	p3 =	por p2, p3  }
.Ltmp29:
0x2f9: {  	_ = 	snop;
	(pc) =	sbr.rel @p3 .LBB2_55-.Ltmp29, $1  }
0x2fa: {  	_ =	sdelay $0x3  }
0x2fb: {  	v9 =	vmov s6;
	_ =	sdelay $0x3  }
0x2fc: {  	s1 =	simm.s32 $0x0  }
0x2fd: {  	v10 =	vld.idx.msk [tilespmem:v9+s1+$0x0 ss:$0x1], $0xffff;
	_ =	sdelay $0x4  }
0x2fe: {  	(v2sf) =	vpush v10, $0x0;
	_ =	sdelay $0xe  }
0x2ff: {  	s9 =	spop (v2sf)  }
0x300: {  	s13 =	sand.u32 $0x7, s9  }
0x301: {  	s15 =	sshra.s32 s9, $0x1F;
	p3 =	slt.s32 s9, $0x1;
	p4 =	sne.s32 s13, $0x0  }
0x302: {  	s25 =	sshrl.u32 s15, $0x1D;
	p3 =	por !p3, !p4  }
0x303: {  	s13 =	simm.s32 $0x1;
	s1 =	sadd.s32 s25, s9;
	p3 =	por !p3, !p3  }
0x304: {  	s1 =	sshrl.u32 s1, $0x3;
	s13 =	simm.s32 @!p3 $0x0  }
0x305: {  	s1 =	ssub.s32 s1, s13  }
0x306: {  	s1 =	sshll.u32 s1, $0xA  }
0x307: {  	s1 =	sadd.s32 s3, s1  }
0x308: {  	s28 =	sshrl.u32 s1, $0x3  }
0x309: {  	s29 =	simm.s32 $0x1;
	s1 =	simm.s32 $0xB880;
	s13 =	sadd.s32 s4, s28  }
0x30a: {  	[tilespmem:s1], [sflag:$0x1] =	stream.linear.gather [hbm4b:s13+s2], $0x400, $0x38;
	[tilespmem:$0x15090] =	vst v63  }
0x30b: {  	s13 =	simm.s32 $0x8;
	v10 =	vld.idx.msk [tilespmem:v9+s29+$0x0 ss:$0x1], $0xffff  }
.LBB2_53:
0x30c: {  	p3 =	sne.s32 s13, $0x1C;
	_ =	sdelay $0x4  }
0x30d: {  	(v2sf) =	vpush v10, $0x0;
	_ =	sdelay $0xe  }
0x30e: {  	s15 =	spop (v2sf)  }
0x30f: {  	s25 =	sand.u32 $0x7, s15  }
0x310: {  	s28 =	sshra.s32 s15, $0x1F;
	p4 =	slt.s32 s15, $0x1;
	p5 =	sne.s32 s25, $0x0  }
0x311: {  	s25 =	sshrl.u32 s28, $0x1D;
	p4 =	por !p4, !p5  }
0x312: {  	s15 =	sadd.s32 s25, s15;
	s25 =	simm.s32 $0x1;
	p4 =	por !p4, !p4  }
0x313: {  	s15 =	sshrl.u32 s15, $0x3;
	s25 =	simm.s32 @!p4 $0x0  }
0x314: {  	s15 =	ssub.s32 s15, s25  }
0x315: {  	s15 =	sshll.u32 s15, $0xA  }
.Ltmp30:
0x316: {  	s15 =	sadd.s32 s3, s15;
	(pc) =	sbr.rel @p3 .LBB2_53-.Ltmp30, $4  }
0x317: {  	s15 =	sshrl.u32 s15, $0x3  }
0x318: {  	s1 =	sadd.s32 $0x400, s1;
	s25 =	sshra.s32 s13, $0x2;
	s15 =	sadd.s32 s4, s15  }
0x319: {  	[tilespmem:s1], [sflag:$0x1] =	stream.linear.gather [hbm4b:s15+s2], $0x400, $0x38;
	[tilespmem:$0x15090] =	vst v63  }
0x31a: {  	s13 =	sadd.s32 $0x4, s13;
	v10 =	vld.idx.msk [tilespmem:v9+s25+$0x0 ss:$0x1], $0xffff  }
0x31b: {  	_ =	sdelay $0x3  }
0x31c: {  	(v2sf) =	vpush v10, $0x0;
	_ =	sdelay $0xe  }
0x31d: {  	s13 =	spop (v2sf)  }
0x31e: {  	s15 =	sand.u32 $0x7, s13  }
0x31f: {  	s25 =	sshra.s32 s13, $0x1F;
	p3 =	slt.s32 s13, $0x1;
	p4 =	sne.s32 s15, $0x0  }
0x320: {  	s29 =	sshrl.u32 s25, $0x1D;
	p3 =	por !p3, !p4  }
0x321: {  	s15 =	simm.s32 $0x1;
	s13 =	sadd.s32 s29, s13;
	p3 =	por !p3, !p3  }
0x322: {  	s13 =	sshrl.u32 s13, $0x3;
	s15 =	simm.s32 @!p3 $0x0  }
0x323: {  	s13 =	ssub.s32 s13, s15  }
0x324: {  	s13 =	sshll.u32 s13, $0xA  }
0x325: {  	s13 =	sadd.s32 s3, s13  }
0x326: {  	s13 =	sshrl.u32 s13, $0x3  }
0x327: {  	s1 =	sadd.s32 $0x400, s1;
	s13 =	sadd.s32 s4, s13  }
0x328: {  	[tilespmem:s1], [sflag:$0x1] =	stream.linear.gather [hbm4b:s13+s2], $0x400, $0x38;
	[tilespmem:$0x15090] =	vst v63  }
.LBB2_55:
0x329: {  	p3 =	seq.s32 s14, $0x1  }
.Ltmp31:
0x32a: {  	_ = 	snop;
	(pc) =	sbr.rel @!p3 .LBB2_59-.Ltmp31, $2  }
0x32b: {  	_ =	sdelay $0x2  }
0x32c: {  	s25 =	sshll.u32 s31, $0x3  }
0x32d: {  	_ =	swait.ge [sflag:s11], $0x400  }
0x32e: {  	[sflag:s11] =	ssyncset.done $0x0  }
0x32f: {  	[sflag:s11] =	ssyncadd.s32 $0xFFFFFC00  }
0x330: {  	v9 =	vld [tilespmem:s5+$0x0];
	_ =	sdelay $0x4  }
0x331: {  	(v2sf) =	vpush v9, $0x0;
	_ =	sdelay $0xc  }
0x332: {  	s8 =	sadd.s32 $0x0, s7  }
0x333: {  	p3 =	por $0x0, $0x0;
	p6 =	seq.s32 s8, $0x0  }
0x334: {  	s0 =	sld [smem:$0x7FC];
	p3 =	por !p3, !p6;
	s1 =	spop (v2sf)  }
0x335: {  	[smem:$0x7F9] =	sst s25;
	p3 =	por !p3, !p3;
	s29 =	sand.u32 $0x7, s1  }
0x336: {  	s28 =	sshra.s32 s1, $0x1F;
	p4 =	slt.s32 s1, $0x1;
	p5 =	sne.s32 s29, $0x0  }
0x337: {  	s13 =	sadd.s32 s25, s0;
	s28 =	sshrl.u32 s28, $0x1D;
	p4 =	por !p4, !p5  }
0x338: {  	s9 =	sadd.s32 s28, s1;
	s28 =	simm.s32 $0x1;
	p4 =	por !p4, !p4  }
0x339: {  	s0 =	simm.s32 $0x1;
	s25 =	sshrl.u32 s9, $0x3;
	s28 =	simm.s32 @!p4 $0x0  }
0x33a: {  	s0 =	simm.s32 @!p3 $0x0;
	s29 =	sshrl.u32 s13, $0x4;
	s15 =	ssub.s32 s28, s25  }
0x33b: {  	s18 =	sand.u32 $0xFFFF0000, s7;
	s0 =	ssub.s32 s0, s29;
	s13 =	sadd.s32 s15, s26  }
0x33c: {  	s1 =	sshll.u32 s1, $0x9;
	s0 =	sshll.u32 s0, $0x10;
	s13 =	sshll.u32 s13, $0xC  }
0x33d: {  	s0 =	sshra.s32 s0, $0x2;
	s25 =	ssub.s32 $0x0, s18;
	s13 =	sshra.s32 s13, $0x2  }
0x33e: {  	s1 =	sshra.s32 s1, $0x2;
	s25 =	sshra.s32 s25, $0x2;
	s0 =	sadd.s32 s0, s13  }
0x33f: {  	s25 =	sadd.s32 s25, s24;
	s0 =	sadd.s32 s1, s0  }
0x340: {  	v9 =	vmov s25;
	v10 =	vld [tilespmem:s0+$0xB880];
	_ =	sdelay $0x3  }
0x341: {  	s13 =	simm.s32 $0x0  }
0x342: {  	[tilespmem:v9+s13+$0x0 ss:$0x1] =	vst.idx.msk $0xffff, v10  }
0x343: {  	v10 =	vld [tilespmem:s0+$0xB890];
	_ =	sdelay $0x4  }
0x344: {  	[tilespmem:v9+s13+$0x10 ss:$0x1] =	vst.idx.msk $0xffff, v10  }
0x345: {  	v10 =	vld [tilespmem:s0+$0xB8A0];
	_ =	sdelay $0x4  }
0x346: {  	[tilespmem:v9+s13+$0x20 ss:$0x1] =	vst.idx.msk $0xffff, v10  }
0x347: {  	v10 =	vld [tilespmem:s0+$0xB8B0];
	_ =	sdelay $0x4  }
0x348: {  	[tilespmem:v9+s13+$0x30 ss:$0x1] =	vst.idx.msk $0xffff, v10  }
0x349: {  	v10 =	vld [tilespmem:s0+$0xB8C0];
	_ =	sdelay $0x4  }
0x34a: {  	[tilespmem:v9+s13+$0x40 ss:$0x1] =	vst.idx.msk $0xffff, v10  }
0x34b: {  	s28 =	smov.u32 s5;
	s25 =	smov.u32 s26;
	s1 =	simm.s32 $0x200;
	v10 =	vld [tilespmem:s0+$0xB8C5]  }
.LBB2_57:
0x34c: {  	_ =	sdelay $0x3  }
0x34d: {  	p3 =	sne.s32 s1, $0xE00;
	s25 =	sadd.s32 $0x1, s25;
	s28 =	sadd.s32 $0x1, s28;
	[tilespmem:v9+s13+$0x45 ss:$0x1] =	vst.idx.msk $0xffff, v10  }
0x34e: {  	s13 =	smov.u32 s1;
	s1 =	sadd.s32 $0x200, s1;
	_ =	swait.ge [sflag:s11], $0x400  }
0x34f: {  	[sflag:s11] =	ssyncset.done $0x0  }
0x350: {  	[sflag:s11] =	ssyncadd.s32 $0xFFFFFC00  }
0x351: {  	v10 =	vld [tilespmem:s28+$0x0];
	_ =	sdelay $0x4  }
0x352: {  	(v2sf) =	vpush v10, $0x0;
	_ =	sdelay $0xd  }
0x353: {  	s0 =	sadd.s32 s13, s7  }
0x354: {  	p4 =	sne.s32 s13, $0x0;
	p0 =	seq.s32 s0, $0x0;
	s18 =	spop (v2sf)  }
0x355: {  	s8 =	sshra.s32 s18, $0x1F;
	s9 =	sand.u32 $0x7, s18;
	s15 =	sshll.u32 s18, $0x9  }
0x356: {  	p5 =	slt.s32 s18, $0x1;
	s8 =	sshrl.u32 s8, $0x1D;
	p6 =	sne.s32 s9, $0x0  }
0x357: {  	p0 =	por !p4, !p0;
	s0 =	sadd.s32 s8, s18;
	p5 =	por !p5, !p6  }
0x358: {  	p0 =	por !p0, !p0;
	s8 =	simm.s32 $0x1;
	p4 =	por !p5, !p5  }
0x359: {  	s9 =	simm.s32 $0x1;
	s0 =	sshrl.u32 s0, $0x3;
	s8 =	simm.s32 @!p4 $0x0  }
0x35a: {  	s9 =	simm.s32 @!p0 $0x0;
	s0 =	ssub.s32 s8, s0  }
0x35b: {  	s8 =	ssub.s32 s9, s29;
	s0 =	sadd.s32 s0, s25  }
0x35c: {  	s8 =	sshll.u32 s8, $0x10;
	s0 =	sshll.u32 s0, $0xC  }
0x35d: {  	s8 =	sshra.s32 s8, $0x2;
	s0 =	sshra.s32 s0, $0x2  }
0x35e: {  	s0 =	sadd.s32 s8, s0;
	s8 =	sshra.s32 s15, $0x2  }
0x35f: {  	s0 =	sadd.s32 s8, s0  }
0x360: {  	v10 =	vld [tilespmem:s0+$0xB880];
	_ =	sdelay $0x3  }
0x361: {  	s13 =	sshra.s32 s13, $0x2  }
0x362: {  	[tilespmem:v9+s13+$0x0 ss:$0x1] =	vst.idx.msk $0xffff, v10  }
0x363: {  	v10 =	vld [tilespmem:s0+$0xB890];
	_ =	sdelay $0x4  }
0x364: {  	[tilespmem:v9+s13+$0x10 ss:$0x1] =	vst.idx.msk $0xffff, v10  }
0x365: {  	v10 =	vld [tilespmem:s0+$0xB8A0];
	_ =	sdelay $0x4  }
0x366: {  	[tilespmem:v9+s13+$0x20 ss:$0x1] =	vst.idx.msk $0xffff, v10  }
0x367: {  	v10 =	vld [tilespmem:s0+$0xB8B0];
	_ =	sdelay $0x4  }
0x368: {  	[tilespmem:v9+s13+$0x30 ss:$0x1] =	vst.idx.msk $0xffff, v10  }
0x369: {  	v10 =	vld [tilespmem:s0+$0xB8C0];
	_ =	sdelay $0x1  }
.Ltmp32:
0x36a: {  	(pc) =	sbr.rel @p3 .LBB2_57-.Ltmp32, $3  }
0x36b: {  	_ =	sdelay $0x1  }
0x36c: {  	[tilespmem:v9+s13+$0x40 ss:$0x1] =	vst.idx.msk $0xffff, v10  }
0x36d: {  	v10 =	vld [tilespmem:s0+$0xB8C5]  }
0x36e: {  	_ =	sdelay $0x3  }
0x36f: {  	s18 =	simm.s32 $0x3;
	s25 =	sld [smem:$0x7F9];
	[tilespmem:v9+s13+$0x45 ss:$0x1] =	vst.idx.msk $0xffff, v10  }
.LBB2_59:
0x370: {  	p0 =	sne.s32 s14, $0x0  }
.Ltmp33:
0x371: {  	_ = 	snop;
	(pc) =	sbr.rel @p0 .LBB2_63-.Ltmp33, $1  }
0x372: {  	_ =	sdelay $0x3  }
0x373: {  	_ =	swait.ge [sflag:s21], $0x400  }
0x374: {  	[sflag:s21] =	ssyncset.done $0x0  }
0x375: {  	s0 =	sadd.s32 $0x0, s5;
	[sflag:s21] =	ssyncadd.s32 $0xFFFFFC00  }
0x376: {  	v9 =	vld [tilespmem:s0+$0x0];
	_ =	sdelay $0x4  }
0x377: {  	(v2sf) =	vpush v9, $0x0;
	_ =	sdelay $0xe  }
0x378: {  	s14 =	spop (v2sf)  }
0x379: {  	s15 =	sshra.s32 s26, $0x1F;
	s8 =	sand.u32 $0x7, s14  }
0x37a: {  	s1 =	sshra.s32 s14, $0x1F;
	p0 =	slt.s32 s14, $0x1;
	p3 =	sne.s32 s8, $0x0  }
0x37b: {  	s13 =	simm.s32 $0x1;
	s1 =	sshrl.u32 s1, $0x1D;
	p0 =	por !p0, !p3  }
0x37c: {  	s9 =	sshrl.u32 s15, $0x1C;
	s1 =	sadd.s32 s1, s14;
	p0 =	por !p0, !p0  }
0x37d: {  	s9 =	sadd.s32 s9, s26;
	s1 =	sshrl.u32 s1, $0x3;
	s13 =	simm.s32 @!p0 $0x0  }
0x37e: {  	s9 =	sshrl.u32 s9, $0x4;
	s1 =	ssub.s32 s13, s1  }
0x37f: {  	s9 =	ssub.s32 $0x0, s9;
	s1 =	sadd.s32 s1, s26  }
0x380: {  	s9 =	sshll.u32 s9, $0x10;
	s1 =	sshll.u32 s1, $0xC  }
0x381: {  	s9 =	sshra.s32 s9, $0x2;
	s0 =	sshll.u32 s14, $0x9;
	s1 =	sshra.s32 s1, $0x2  }
0x382: {  	s8 =	sshrl.u32 s15, $0x19;
	s0 =	sshra.s32 s0, $0x2;
	s1 =	sadd.s32 s9, s1  }
0x383: {  	s8 =	sadd.s32 s8, s26;
	s0 =	sadd.s32 s0, s1  }
0x384: {  	s28 =	sshrl.u32 s8, $0x7;
	v9 =	vld [tilespmem:s0+$0xB880]  }
0x385: {  	s1 =	ssub.s32 $0x0, s28  }
0x386: {  	s1 =	sshll.u32 s1, $0x10  }
0x387: {  	s1 =	sshra.s32 s1, $0x2  }
0x388: {  	s13 =	sadd.s32 s1, s22  }
0x389: {  	[tilespmem:s13+$0xFFFFFFD0] =	vst v9  }
0x38a: {  	v9 =	vld [tilespmem:s0+$0xB890];
	_ =	sdelay $0x4  }
0x38b: {  	[tilespmem:s13+$0xFFFFFFE0] =	vst v9  }
0x38c: {  	v9 =	vld [tilespmem:s0+$0xB8A0];
	_ =	sdelay $0x4  }
0x38d: {  	[tilespmem:s13+$0xFFFFFFF0] =	vst v9  }
0x38e: {  	v9 =	vld [tilespmem:s0+$0xB8B0];
	_ =	sdelay $0x4  }
0x38f: {  	[tilespmem:s13+$0x0] =	vst v9  }
0x390: {  	v9 =	vld [tilespmem:s0+$0xB8C0];
	_ =	sdelay $0x4  }
0x391: {  	[tilespmem:s13+$0x10] =	vst v9  }
0x392: {  	s29 =	smov.u32 s26;
	s14 =	simm.s32 $0x4;
	s1 =	smov.u32 s22;
	v9 =	vld [tilespmem:s0+$0xB8C5]  }
.LBB2_61:
0x393: {  	_ =	sdelay $0x3  }
0x394: {  	p3 =	sne.s32 s14, $0x1C;
	s29 =	sadd.s32 $0x1, s29;
	s1 =	sadd.s32 $0x80, s1;
	[tilespmem:s13+$0x15] =	vst v9  }
0x395: {  	s0 =	smov.u32 s14;
	s14 =	sadd.s32 $0x4, s14;
	_ =	swait.ge [sflag:s21], $0x400  }
0x396: {  	s0 =	sshra.s32 s0, $0x2;
	[sflag:s21] =	ssyncset.done $0x0  }
0x397: {  	s0 =	sadd.s32 s0, s5;
	[sflag:s21] =	ssyncadd.s32 $0xFFFFFC00  }
0x398: {  	v9 =	vld [tilespmem:s0+$0x0];
	_ =	sdelay $0x4  }
0x399: {  	(v2sf) =	vpush v9, $0x0;
	_ =	sdelay $0xe  }
0x39a: {  	s15 =	simm.s32 $0x1;
	s0 =	spop (v2sf)  }
0x39b: {  	s8 =	sshra.s32 s0, $0x1F;
	s9 =	sand.u32 $0x7, s0;
	s13 =	sshll.u32 s0, $0x9  }
0x39c: {  	p0 =	slt.s32 s0, $0x1;
	s8 =	sshrl.u32 s8, $0x1D;
	p4 =	sne.s32 s9, $0x0  }
0x39d: {  	s9 =	sshra.s32 s29, $0x1F;
	s0 =	sadd.s32 s8, s0;
	p0 =	por !p0, !p4  }
0x39e: {  	s8 =	sshrl.u32 s9, $0x1C;
	s9 =	sshrl.u32 s9, $0x19;
	p0 =	por !p0, !p0  }
0x39f: {  	s8 =	sadd.s32 s8, s29;
	s0 =	sshrl.u32 s0, $0x3;
	s15 =	simm.s32 @!p0 $0x0  }
0x3a0: {  	s9 =	sadd.s32 s9, s29;
	s8 =	sshrl.u32 s8, $0x4;
	s0 =	ssub.s32 s15, s0  }
0x3a1: {  	s9 =	sshrl.u32 s9, $0x7;
	s8 =	ssub.s32 $0x0, s8;
	s0 =	sadd.s32 s0, s29  }
0x3a2: {  	s9 =	ssub.s32 $0x0, s9;
	s8 =	sshll.u32 s8, $0x10;
	s0 =	sshll.u32 s0, $0xC  }
0x3a3: {  	s9 =	sshll.u32 s9, $0x10;
	s8 =	sshra.s32 s8, $0x2;
	s0 =	sshra.s32 s0, $0x2  }
0x3a4: {  	s9 =	sshra.s32 s9, $0x2;
	s0 =	sadd.s32 s8, s0;
	s8 =	sshra.s32 s13, $0x2  }
0x3a5: {  	s0 =	sadd.s32 s8, s0  }
0x3a6: {  	v9 =	vld [tilespmem:s0+$0xB880];
	_ =	sdelay $0x3  }
0x3a7: {  	s13 =	sadd.s32 s9, s1  }
0x3a8: {  	[tilespmem:s13+$0xFFFFFFD0] =	vst v9  }
0x3a9: {  	v9 =	vld [tilespmem:s0+$0xB890];
	_ =	sdelay $0x4  }
0x3aa: {  	[tilespmem:s13+$0xFFFFFFE0] =	vst v9  }
0x3ab: {  	v9 =	vld [tilespmem:s0+$0xB8A0];
	_ =	sdelay $0x4  }
0x3ac: {  	[tilespmem:s13+$0xFFFFFFF0] =	vst v9  }
0x3ad: {  	v9 =	vld [tilespmem:s0+$0xB8B0];
	_ =	sdelay $0x4  }
0x3ae: {  	[tilespmem:s13+$0x0] =	vst v9  }
0x3af: {  	v9 =	vld [tilespmem:s0+$0xB8C0];
	_ =	sdelay $0x1  }
.Ltmp34:
0x3b0: {  	(pc) =	sbr.rel @p3 .LBB2_61-.Ltmp34, $3  }
0x3b1: {  	_ =	sdelay $0x1  }
0x3b2: {  	[tilespmem:s13+$0x10] =	vst v9  }
0x3b3: {  	v9 =	vld [tilespmem:s0+$0xB8C5]  }
0x3b4: {  	_ =	sdelay $0x3  }
0x3b5: {  	[tilespmem:s13+$0x15] =	vst v9  }
.LBB2_63:
0x3b6: {  	s0 =	sand.u32 $0xF, s31  }
0x3b7: {  	p0 =	sne.s32 @!p2 s0, $0x0  }
0x3b8: {  	p0 =	por p2, p0  }
.Ltmp35:
0x3b9: {  	_ = 	snop;
	(pc) =	sbr.rel @p0 .LBB2_69-.Ltmp35, $1  }
0x3ba: {  	_ =	sdelay $0x3  }
0x3bb: {  	s0 =	rddreg [dreg:$0x19]  }
0x3bc: {  	s1 =	sadd.s32 s0, s25  }
0x3bd: {  	p0 =	sge.s32 s30, s1  }
.Ltmp36:
0x3be: {  	_ = 	snop;
	(pc) =	sbr.rel @p0 .LBB2_68-.Ltmp36, $1  }
0x3bf: {  	_ =	sdelay $0x3  }
0x3c0: {  	s0 =	sadd.s32 $0x0, s10  }
0x3c1: {  	p0 =	slt.s32 s0, s30  }
0x3c2: {  	s13 =	simm.s32 $0xF8B0;
	v9 =	vimm.f32 @!p0 $0.0e+00;
	p2 =	por p0, p0  }
0x3c3: {  	[tilespmem:s13+$0xFFFFFFF0] =	vst @!p2 v9  }
0x3c4: {  	[tilespmem:s13+$0xFFFFFFE0] =	vst @!p2 v9  }
0x3c5: {  	s14 =	simm.s32 $0x1;
	s15 =	simm.s32 $0xF8B0;
	[tilespmem:s13+$0x0] =	vst @!p2 v9  }
.LBB2_66:
0x3c6: {  	s0 =	sadd.s32 s14, s10;
	s14 =	sadd.s32 $0x1, s14  }
0x3c7: {  	[tilespmem:s13+$0xFFFFFFD0] =	vst @!p2 v9;
	s15 =	sadd.s32 $0x80, s15;
	p3 =	sne.s32 s14, $0x80  }
.Ltmp37:
0x3c8: {  	p0 =	slt.s32 s0, s30;
	[tilespmem:s13+$0x10] =	vst @!p2 v9;
	(pc) =	sbr.rel @p3 .LBB2_66-.Ltmp37, $4  }
0x3c9: {  	[tilespmem:s13+$0x15] =	vst @!p2 v9;
	v9 =	vimm.f32 @!p0 $0.0e+00;
	s13 =	smov.u32 s15;
	p2 =	por p0, p0  }
0x3ca: {  	[tilespmem:s15+$0xFFFFFFF0] =	vst @!p2 v9  }
0x3cb: {  	[tilespmem:s15+$0xFFFFFFE0] =	vst @!p2 v9  }
0x3cc: {  	[tilespmem:s15+$0x0] =	vst @!p2 v9  }
.Ltmp38:
0x3cd: {  	(pc) =	sbr.rel .LBB2_68-.Ltmp38, $4  }
0x3ce: {  	_ = 	snop  }
0x3cf: {  	[tilespmem:s13+$0xFFFFFFD0] =	vst @!p2 v9  }
0x3d0: {  	[tilespmem:s13+$0x10] =	vst @!p2 v9  }
0x3d1: {  	[tilespmem:s13+$0x15] =	vst @!p2 v9  }
.LBB2_70:
.Ltmp39:
0x3d2: {  	(pc) =	sbr.rel @p1 .LBB2_76-.Ltmp39, $1  }
0x3d3: {  	_ =	sdelay $0x3  }
0x3d4: {  	p0 =	sgt.s32 s30, $0x1FF  }
.Ltmp40:
0x3d5: {  	_ = 	snop;
	(pc) =	sbr.rel @p0 .LBB2_75-.Ltmp40, $3  }
0x3d6: {  	_ =	sdelay $0x1  }
0x3d7: {  	s9 =	simm.s32 $0x80;
	s18 =	simm.s32 $0x400  }
0x3d8: {  	s24 =	simm.s32 $0xB780;
	s25 =	simm.s32 $0xA380;
	s26 =	simm.s32 $0xA980  }
0x3d9: {  	p0 =	sgt.s32 s30, $0x180  }
0x3da: {  	s1 =	simm.s32 $0xF8B0;
	v9 =	vimm.f32 @!p0 $0.0e+00  }
0x3db: {  	p2 =	por p0, p0;
	[tilespmem:s1+$0xFFFFFFF0] =	vst @!p0 v9  }
0x3dc: {  	[tilespmem:s1+$0xFFFFFFE0] =	vst @!p2 v9  }
0x3dd: {  	[tilespmem:s1+$0xFFFFFFD0] =	vst @!p2 v9  }
0x3de: {  	s5 =	simm.s32 $0x181;
	s6 =	simm.s32 $0xF8B0;
	[tilespmem:s1+$0x10] =	vst @!p2 v9  }
.LBB2_73:
0x3df: {  	p0 =	slt.s32 s5, s30;
	s5 =	sadd.s32 $0x1, s5  }
0x3e0: {  	[tilespmem:s1+$0x15] =	vst @!p2 v9;
	s6 =	sadd.s32 $0x80, s6;
	p3 =	sne.s32 s5, $0x200  }
.Ltmp41:
0x3e1: {  	[tilespmem:s1+$0x0] =	vst @!p2 v9;
	v9 =	vimm.f32 @!p0 $0.0e+00;
	s1 =	smov.u32 s6;
	(pc) =	sbr.rel @p3 .LBB2_73-.Ltmp41, $4  }
0x3e2: {  	p2 =	por p0, p0;
	[tilespmem:s6+$0xFFFFFFF0] =	vst @!p0 v9  }
0x3e3: {  	[tilespmem:s6+$0xFFFFFFE0] =	vst @!p2 v9  }
0x3e4: {  	[tilespmem:s6+$0xFFFFFFD0] =	vst @!p2 v9  }
0x3e5: {  	[tilespmem:s6+$0x10] =	vst @!p2 v9  }
0x3e6: {  	[tilespmem:s1+$0x15] =	vst @!p2 v9  }
0x3e7: {  	[tilespmem:s1+$0x0] =	vst @!p2 v9  }
.LBB2_75:
0x3e8: {  	s0 =	rddreg [dreg:$0x15]  }
.Ltmp42:
0x3e9: {  	s1 =	simm.s32 $0xF880;
	s31 =	simm.s32 $0x3;
	(pc) =	sbr.rel .LBB2_81-.Ltmp42, $4  }
0x3ea: {  	[hbm4b:s0+s2] =	stream.linear.scatter [tilespmem:s1], [sflag:$0x3], $0x4000, $0x38;
	[tilespmem:$0x15090] =	vst v63  }
0x3eb: {  	_ =	swait.ge [sflag:s31], $0x4000  }
0x3ec: {  	[sflag:s31] =	ssyncset.done $0x0  }
0x3ed: {  	s1 =	sld [smem:$0x7FA];
	[sflag:s31] =	ssyncadd.s32 $0xFFFFC000  }
.LBB2_76:
0x3ee: {  	p0 =	sgt.s32 s30, $0x3E7  }
.Ltmp43:
0x3ef: {  	_ = 	snop;
	(pc) =	sbr.rel @p0 .LBB2_80-.Ltmp43, $3  }
0x3f0: {  	_ =	sdelay $0x1  }
0x3f1: {  	s9 =	simm.s32 $0x80;
	s18 =	simm.s32 $0x400  }
0x3f2: {  	s24 =	simm.s32 $0xB780;
	s25 =	simm.s32 $0xA380;
	s26 =	simm.s32 $0xA980  }
0x3f3: {  	p0 =	sgt.s32 s30, $0x380  }
0x3f4: {  	s1 =	simm.s32 $0xF8B0;
	v9 =	vimm.f32 @!p0 $0.0e+00  }
0x3f5: {  	p2 =	por p0, p0;
	[tilespmem:s1+$0xFFFFFFF0] =	vst @!p0 v9  }
0x3f6: {  	[tilespmem:s1+$0xFFFFFFE0] =	vst @!p2 v9  }
0x3f7: {  	[tilespmem:s1+$0xFFFFFFD0] =	vst @!p2 v9  }
0x3f8: {  	s5 =	simm.s32 $0x381;
	s6 =	simm.s32 $0xF8B0;
	[tilespmem:s1+$0x10] =	vst @!p2 v9  }
.LBB2_78:
0x3f9: {  	p0 =	slt.s32 s5, s30;
	s5 =	sadd.s32 $0x1, s5  }
0x3fa: {  	[tilespmem:s1+$0x15] =	vst @!p2 v9;
	s6 =	sadd.s32 $0x80, s6;
	p3 =	sne.s32 s5, $0x3E8  }
.Ltmp44:
0x3fb: {  	[tilespmem:s1+$0x0] =	vst @!p2 v9;
	v9 =	vimm.f32 @!p0 $0.0e+00;
	s1 =	smov.u32 s6;
	(pc) =	sbr.rel @p3 .LBB2_78-.Ltmp44, $4  }
0x3fc: {  	p2 =	por p0, p0;
	[tilespmem:s6+$0xFFFFFFF0] =	vst @!p0 v9  }
0x3fd: {  	[tilespmem:s6+$0xFFFFFFE0] =	vst @!p2 v9  }
0x3fe: {  	[tilespmem:s6+$0xFFFFFFD0] =	vst @!p2 v9  }
0x3ff: {  	[tilespmem:s6+$0x10] =	vst @!p2 v9  }
.Ltmp45:
0x400: {  	(pc) =	sbr.rel .LBB2_80-.Ltmp45, $3  }
0x401: {  	_ =	sdelay $0x1  }
0x402: {  	[tilespmem:s1+$0x15] =	vst @!p2 v9  }
0x403: {  	[tilespmem:s1+$0x0] =	vst @!p2 v9  }
.LBB2_82:
0x404: {  	_ =	sfence.sel $0x180000  }
0x405: {  	[bflag:$0x0] =	sbarrier.arrive $0xFFFF  }
0x406: {  	_ =	strace $0x90000047  }
0x407: {  	s0 =	stileid.u32;
	[bflag:$0x2] =	sbarrier.arrive $0xFFFF  }
0x408: {  	p0 =	sne.s32 s0, $0x0;
	s0 =	rddreg [dreg:$0x5]  }
0x409: {  	s0 =	sadd.s32 @!p0 $0x100000, s0  }
0x40a: {  	[sflag:s0] =	ssyncadd.tile.s32 @!p0 $0x1;
	_ =	shalt  }
.Lfunc_end2:
_tile_overlayer_lowered:
.L_overlay_start_2:
0x40b: {  	(tag) =	ssettag $0x2  }
0x40c: {  	s0 =	rddreg [dreg:$0x0];
	s2 =	stileid.u32  }
0x40d: {  	s1 =	rddreg [dreg:$0x1];
	p0 =	sne.s32 s2, $0x0  }
0x40e: {  	s3 =	rddreg [dreg:$0x2];
	[bflag:$0x3] =	sbarrier.arrive $0xFFFF;
	s2 =	simm.s32 @!p0 $0x1C03  }
0x40f: {  	[timem:s3], [sflag:s2] =	dma.local @!p0 [hbm:s0], s1  }
0x410: {  	s0 =	simm.s32 @!p0 $0x3  }
0x411: {  	_ =	swait.ge @!p0 [sflag:s0], s1  }
0x412: {  	s1 =	ssub.s32 @!p0 $0x0, s1;
	[sflag:s0] =	ssyncset.done @!p0 $0x0  }
0x413: {  	[sflag:s0] =	ssyncadd.s32 @!p0 s1  }
0x414: {  	[bflag:$0x3] =	sbarrier.arrive $0xFFFF  }
0x415: {  	_ =	shalt  }

</sc_bundles>
